<compile_context>
chip_gen: v7x
topology: tpu7x:2x2x1
jax: 0.10.2.dev20260603
libtpu: 0.0.44.dev20260713+nightly
codegen_flags: <defaults>
</compile_context>

<pallas_src>
import functools

import jax
import jax.numpy as jnp
from jax import lax
from jax.experimental import pallas as pl
from jax.experimental.pallas import tpu as pltpu
from jax.experimental.pallas import tpu_sc as plsc

NC = 2
NS = 16
NW = NC * NS
LANES = 16
EB = 128


def _mesh():
    return plsc.VectorSubcoreMesh(core_axis_name="c", subcore_axis_name="s")


def _make_deg_kernel(n_acc, n_out, d, k):
    rows_per_tile = n_acc // NS
    nzf = rows_per_tile // EB
    nzr = rows_per_tile - nzf * EB
    nch = k // CH

    @functools.partial(
        pl.kernel,
        out_type=jax.ShapeDtypeStruct((NC, n_out, d), jnp.float32),
        mesh=_mesh(),
        scratch_types=[
            pltpu.VMEM((CH, EB), jnp.int32),
            pltpu.VMEM((EB, d), jnp.float32),
            pltpu.VMEM_SHARED((n_acc, d), jnp.float32),
        ],
    )
    def deg_kernel(dst_hbm, out_hbm, dst_v, ones_v, acc):
        c = lax.axis_index("c")
        s = lax.axis_index("s")
        wid = c * NS + s
        base = s * rows_per_tile

        def fillz(r, _):
            for t in range(d // LANES):
                ones_v[r, pl.ds(t * LANES, LANES)] = jnp.zeros((LANES,), jnp.float32)
            return 0
        lax.fori_loop(0, EB, fillz, 0)

        def zero(i, _):
            pltpu.sync_copy(ones_v, acc.at[pl.ds(base + i * EB, EB)])
            return 0
        lax.fori_loop(0, nzf, zero, 0)
        if nzr:
            pltpu.sync_copy(ones_v.at[pl.ds(0, nzr)],
                            acc.at[pl.ds(base + nzf * EB, nzr)])

        def fill1(r, _):
            for t in range(d // LANES):
                ones_v[r, pl.ds(t * LANES, LANES)] = jnp.full((LANES,), 1.0, jnp.float32)
            return 0
        lax.fori_loop(0, EB, fill1, 0)
        plsc.subcore_barrier()

        def chunk(ci, _):
            pltpu.sync_copy(dst_hbm.at[wid, pl.ds(ci * CH, CH)], dst_v)

            def step(j, _):
                pltpu.sync_copy(ones_v, acc.at[dst_v.at[j]], add=True)
                return 0
            lax.fori_loop(0, CH, step, 0)
            return 0
        lax.fori_loop(0, nch, chunk, 0)
        plsc.subcore_barrier()

        pltpu.sync_copy(acc.at[pl.ds(base, rows_per_tile)],
                        out_hbm.at[c, pl.ds(base, rows_per_tile)])

    return deg_kernel


CH = 16


def _make_agg_kernel(n_acc, n_out, d, k):
    rows_per_tile = n_acc // NS
    nzf = rows_per_tile // EB
    nzr = rows_per_tile - nzf * EB
    nch = k // CH

    @functools.partial(
        pl.kernel,
        out_type=jax.ShapeDtypeStruct((NC, n_out, d), jnp.float32),
        mesh=_mesh(),
        scratch_types=[
            pltpu.VMEM((CH, EB), jnp.int32),
            pltpu.VMEM((CH, EB), jnp.int32),
            pltpu.VMEM((2, EB, d), jnp.float32),
            pltpu.VMEM_SHARED((n_acc, d), jnp.float32),
            pltpu.SemaphoreType.DMA,
            pltpu.SemaphoreType.DMA,
        ],
    )
    def agg_kernel(y_hbm, src_hbm, dst_hbm, out_hbm,
                   src_v, dst_v, rows_v, acc, sem0, sem1):
        c = lax.axis_index("c")
        s = lax.axis_index("s")
        wid = c * NS + s
        base = s * rows_per_tile

        def fill(r, _):
            for t in range(d // LANES):
                rows_v[0, r, pl.ds(t * LANES, LANES)] = jnp.zeros((LANES,), jnp.float32)
            return 0
        lax.fori_loop(0, EB, fill, 0)

        def zero(i, _):
            pltpu.sync_copy(rows_v.at[0], acc.at[pl.ds(base + i * EB, EB)])
            return 0
        lax.fori_loop(0, nzf, zero, 0)
        if nzr:
            pltpu.sync_copy(rows_v.at[0, pl.ds(0, nzr)],
                            acc.at[pl.ds(base + nzf * EB, nzr)])
        plsc.subcore_barrier()

        def chunk(ci, _):
            pltpu.sync_copy(src_hbm.at[wid, pl.ds(ci * CH, CH)], src_v)
            pltpu.sync_copy(dst_hbm.at[wid, pl.ds(ci * CH, CH)], dst_v)
            pltpu.async_copy(y_hbm.at[src_v.at[0]], rows_v.at[0], sem0)

            def step(jj, _):
                j0 = 2 * jj
                j1 = j0 + 1
                pltpu.async_copy(y_hbm.at[src_v.at[j1]], rows_v.at[1], sem1)
                pltpu.make_async_copy(y_hbm.at[src_v.at[j0]], rows_v.at[0], sem0).wait()
                pltpu.sync_copy(rows_v.at[0], acc.at[dst_v.at[j0]], add=True)

                @pl.when(jj + 1 < CH // 2)
                def _():
                    pltpu.async_copy(y_hbm.at[src_v.at[j0 + 2]], rows_v.at[0], sem0)

                pltpu.make_async_copy(y_hbm.at[src_v.at[j1]], rows_v.at[1], sem1).wait()
                pltpu.sync_copy(rows_v.at[1], acc.at[dst_v.at[j1]], add=True)
                return 0
            lax.fori_loop(0, CH // 2, step, 0)
            return 0
        lax.fori_loop(0, nch, chunk, 0)
        plsc.subcore_barrier()

        pltpu.sync_copy(acc.at[pl.ds(base, rows_per_tile)],
                        out_hbm.at[c, pl.ds(base, rows_per_tile)])

    return agg_kernel


def _dinv_block(degp):
    deg = degp[0] + degp[1] + 1.0
    return lax.rsqrt(jnp.maximum(deg, 1.0))[:, 0:1]


def _tc_pre(x_ref, w_ref, degp_ref, y_ref):
    dinv = _dinv_block(degp_ref[...])
    h = jnp.dot(x_ref[...], w_ref[...], preferred_element_type=jnp.float32)
    y_ref[...] = h * dinv


def _tc_mid(g_ref, aggp_ref, y_ref, degp_ref, b_ref, p_ref, w_ref, y2_ref):
    dinv = _dinv_block(degp_ref[...])
    t = (aggp_ref[0] + aggp_ref[1] + y_ref[...]) * dinv
    t = t + b_ref[...] + g_ref[0] * p_ref[...]
    z = jnp.maximum(t, 0.0)
    y2_ref[...] = jnp.dot(z, w_ref[...], preferred_element_type=jnp.float32) * dinv


def _tc_post(g_ref, aggp_ref, y_ref, degp_ref, b_ref, p_ref, out_ref):
    dinv = _dinv_block(degp_ref[...])
    t = (aggp_ref[0] + aggp_ref[1] + y_ref[...]) * dinv
    out_ref[...] = t + b_ref[...] + g_ref[0] * p_ref[...]


def kernel(x, edge_index, W1, b1, W2, b2, perturb1, perturb2, perturb):
    n, d = x.shape
    e = edge_index.shape[1]

    bn = 1024
    n_pad = ((n + bn - 1) // bn) * bn
    n_acc = ((n + 1 + NS * 8 - 1) // (NS * 8)) * (NS * 8)
    k = -(-e // (NW * EB))
    k = ((k + CH - 1) // CH) * CH
    e_pad = NW * k * EB

    src = jnp.concatenate([edge_index[0], jnp.zeros((e_pad - e,), jnp.int32)])
    dst = jnp.concatenate([edge_index[1],
                           jnp.full((e_pad - e,), n, jnp.int32)])
    src_t = src.reshape(NW, k, EB)
    dst_t = dst.reshape(NW, k, EB)
    x_p = jnp.pad(x, ((0, n_pad - n), (0, 0)))
    p1_p = jnp.pad(perturb1, ((0, n_pad - n), (0, 0)))
    p2_p = jnp.pad(perturb2, ((0, n_pad - n), (0, 0)))
    b1_r = b1.reshape(1, d)
    b2_r = b2.reshape(1, d)
    g = jnp.asarray(perturb, jnp.float32).reshape(1)

    grid = (n_pad // bn,)
    row_spec = pl.BlockSpec((bn, d), lambda i: (i, 0))
    w_spec = pl.BlockSpec((d, d), lambda i: (0, 0))
    degp_spec = pl.BlockSpec((NC, bn, d), lambda i: (0, i, 0))
    aggp_spec = pl.BlockSpec((NC, bn, d), lambda i: (0, i, 0))
    b_spec = pl.BlockSpec((1, d), lambda i: (0, 0))
    g_spec = pl.BlockSpec(memory_space=pltpu.MemorySpace.SMEM)
    row_out = jax.ShapeDtypeStruct((n_pad, d), jnp.float32)

    deg_kernel = _make_deg_kernel(n_acc, n_pad, d, k)
    agg_kernel = _make_agg_kernel(n_acc, n_pad, d, k)

    degp = deg_kernel(dst_t)

    y1 = pl.pallas_call(
        _tc_pre, grid=grid,
        in_specs=[row_spec, w_spec, degp_spec],
        out_specs=row_spec, out_shape=row_out,
    )(x_p, W1, degp)

    agg1 = agg_kernel(y1, src_t, dst_t)

    y2 = pl.pallas_call(
        _tc_mid, grid=grid,
        in_specs=[g_spec, aggp_spec, row_spec, degp_spec, b_spec, row_spec, w_spec],
        out_specs=row_spec, out_shape=row_out,
    )(g, agg1, y1, degp, b1_r, p1_p, W2)

    agg2 = agg_kernel(y2, src_t, dst_t)

    out = pl.pallas_call(
        _tc_post, grid=grid,
        in_specs=[g_spec, aggp_spec, row_spec, degp_spec, b_spec, row_spec],
        out_specs=row_spec, out_shape=row_out,
    )(g, agg2, y2, degp, b2_r, p2_p)

    return out[:n]

# --- scband reference (transcript-rebuilt; emitter-appended) ---
"""Pipeline reference for scband-gnn-51599737094393 (READ-ONLY COPY).

The authoritative reference and input builder live on the scoring server;
editing this copy changes nothing except your own understanding.
"""

import jax, jax.numpy as jnp
import numpy as np

N = 10000
E = 320000
D = 128
BETA = 0.01


def setup_inputs(seed: int = 0) -> dict:
    key = jax.random.key(seed)
    ks = jax.random.split(key, 8)
    x = jax.random.normal(ks[0], (N, D), dtype=jnp.float32)
    edge_index = jax.random.randint(ks[1], (2, E), 0, N, dtype=jnp.int32)
    W1 = jax.random.normal(ks[2], (D, D), dtype=jnp.float32) * (1.0 / np.sqrt(D))
    b1 = jnp.zeros((D,), dtype=jnp.float32)
    W2 = jax.random.normal(ks[3], (D, D), dtype=jnp.float32) * (1.0 / np.sqrt(D))
    b2 = jnp.zeros((D,), dtype=jnp.float32)
    perturb1 = jax.random.uniform(ks[4], (N, D), dtype=jnp.float32, minval=-BETA, maxval=BETA)
    perturb2 = jax.random.uniform(ks[5], (N, D), dtype=jnp.float32, minval=-BETA, maxval=BETA)
    return {
        'x': x,
        'edge_index': edge_index,
        'W1': W1,
        'b1': b1,
        'W2': W2,
        'b2': b2,
        'perturb1': perturb1,
        'perturb2': perturb2,
        'perturb': True,
    }


def _gcn_conv(x, edge_index, W, b):
    # PPMIConv-style propagate: linear transform, normalized neighbor aggregation
    # (symmetric GCN normalization with self loops stands in for the cached
    # random-walk PPMI edge weights, which are data/RNG dependent).
    h = x @ W
    src = edge_index[0]
    dst = edge_index[1]
    loop = jnp.arange(N, dtype=edge_index.dtype)
    src = jnp.concatenate([src, loop])
    dst = jnp.concatenate([dst, loop])
    deg = jnp.zeros((N,), dtype=h.dtype).at[dst].add(1.0)
    dinv = 1.0 / jnp.sqrt(jnp.clip(deg, 1.0))
    norm = dinv[src] * dinv[dst]
    msg = h[src] * norm[:, None]
    out = jnp.zeros((N, h.shape[1]), dtype=h.dtype).at[dst].add(msg)
    return out + b


def reference(x, edge_index, W1, b1, W2, b2, perturb1, perturb2, perturb=True):
    g = jnp.asarray(perturb, x.dtype)
    h = _gcn_conv(x, edge_index, W1, b1)
    h = h + g * perturb1
    h = jax.nn.relu(h)
    # dropout is identity in eval mode (drop_out=0.0)
    h = _gcn_conv(h, edge_index, W2, b2)
    h = h + g * perturb2
    return h

if __name__ == "__main__":
    import jax
    _d = setup_inputs()
    print(jax.jit(kernel)(*tuple(_d.values())))

</pallas_src>

<mosaic_0001>
#map = affine_map<(d0, d1) -> (0, 0)>
#map1 = affine_map<(d0, d1) -> (0, 0, 0)>
module attributes {stable_mosaic.version = 14 : i64} {
  func.func @agg_kernel(%arg0: i32, %arg1: i32, %arg2: memref<10240x128xf32, #tpu.memory_space<hbm>>, %arg3: memref<32x80x128xi32, #tpu.memory_space<hbm>>, %arg4: memref<32x80x128xi32, #tpu.memory_space<hbm>>, %arg5: memref<2x10240x128xf32, #tpu.memory_space<hbm>>, %arg6: memref<16x128xi32, #tpu.memory_space<vmem>>, %arg7: memref<16x128xi32, #tpu.memory_space<vmem>>, %arg8: memref<2x128x128xf32, #tpu.memory_space<vmem>>, %arg9: memref<10112x128xf32, #tpu.memory_space<vmem_shared>>, %arg10: memref<!tpu.dma_semaphore, #tpu.memory_space<semaphore_mem>>, %arg11: memref<!tpu.dma_semaphore, #tpu.memory_space<semaphore_mem>>) attributes {dimension_semantics = [#tpu.dimension_semantics<core_parallel>, #tpu.dimension_semantics<subcore_parallel>], iteration_bounds = array<i64: 2, 16>, scalar_prefetch = 0 : i64, scratch_operands = 6 : i64, tpu.core_type = #tpu.core_type<sc_vector_subcore>, window_params = [{transform_indices = #map}, {transform_indices = #map1}, {transform_indices = #map1}, {transform_indices = #map1}]} {
    %mul3A = arith.constant 16 : i32
    %mul3A_0 = arith.muli %arg0, %mul3A : i32
    %add3A = arith.addi %mul3A_0, %arg1 : i32
    %mul3A_1 = arith.constant 632 : i32
    %mul3A_2 = arith.muli %arg1, %mul3A_1 : i32
    %scan3A = arith.constant 0 : i32
    %scan3A_3 = arith.constant 0 : i32
    %scan3A_4 = arith.constant 128 : i32
    %scan3A_5 = arith.addi %scan3A_3, %scan3A_4 : i32
    %scan3A_6 = arith.constant 1 : i32
    %scan3A_7 = scf.for %scan3A_26 = %scan3A_3 to %scan3A_5 step %scan3A_6 iter_args(%scan3A_27 = %scan3A) -> (i32)  : i32 {
      %broadcast_in_dim3A = arith.constant 0.000000e+00 : f32
      %broadcast_in_dim3A_28 = vector.broadcast %broadcast_in_dim3A : f32 to vector<16xf32>
      %swap3A = arith.constant 0 : i32
      %swap3A_29 = arith.index_cast %swap3A : i32 to index
      %swap3A_30 = arith.index_cast %scan3A_26 : i32 to index
      %swap3A_31 = arith.constant 0 : index
      %swap3A_32 = tpu.vector_load %arg8[%swap3A_29, %swap3A_30, %swap3A_31] {strides = array<i32>} : memref<2x128x128xf32, #tpu.memory_space<vmem>>, vector<1x1x16xf32>,
      %swap3A_33 = vector.shape_cast %swap3A_32 : vector<1x1x16xf32> to vector<16xf32>
      %swap3A_34 = vector.shape_cast %broadcast_in_dim3A_28 : vector<16xf32> to vector<1x1x16xf32>
      tpu.vector_store %arg8[%swap3A_29, %swap3A_30, %swap3A_31], %swap3A_34 {strides = array<i32>} : memref<2x128x128xf32, #tpu.memory_space<vmem>>, vector<1x1x16xf32>,
      %broadcast_in_dim3A_35 = arith.constant 0.000000e+00 : f32
      %broadcast_in_dim3A_36 = vector.broadcast %broadcast_in_dim3A_35 : f32 to vector<16xf32>
      %swap3A_37 = arith.constant 0 : i32
      %swap3A_38 = arith.index_cast %swap3A_37 : i32 to index
      %swap3A_39 = arith.index_cast %scan3A_26 : i32 to index
      %swap3A_40 = arith.constant 16 : index
      %swap3A_41 = tpu.vector_load %arg8[%swap3A_38, %swap3A_39, %swap3A_40] {strides = array<i32>} : memref<2x128x128xf32, #tpu.memory_space<vmem>>, vector<1x1x16xf32>,
      %swap3A_42 = vector.shape_cast %swap3A_41 : vector<1x1x16xf32> to vector<16xf32>
      %swap3A_43 = vector.shape_cast %broadcast_in_dim3A_36 : vector<16xf32> to vector<1x1x16xf32>
      tpu.vector_store %arg8[%swap3A_38, %swap3A_39, %swap3A_40], %swap3A_43 {strides = array<i32>} : memref<2x128x128xf32, #tpu.memory_space<vmem>>, vector<1x1x16xf32>,
      %broadcast_in_dim3A_44 = arith.constant 0.000000e+00 : f32
      %broadcast_in_dim3A_45 = vector.broadcast %broadcast_in_dim3A_44 : f32 to vector<16xf32>
      %swap3A_46 = arith.constant 0 : i32
      %swap3A_47 = arith.index_cast %swap3A_46 : i32 to index
      %swap3A_48 = arith.index_cast %scan3A_26 : i32 to index
      %swap3A_49 = arith.constant 32 : index
      %swap3A_50 = tpu.vector_load %arg8[%swap3A_47, %swap3A_48, %swap3A_49] {strides = array<i32>} : memref<2x128x128xf32, #tpu.memory_space<vmem>>, vector<1x1x16xf32>,
      %swap3A_51 = vector.shape_cast %swap3A_50 : vector<1x1x16xf32> to vector<16xf32>
      %swap3A_52 = vector.shape_cast %broadcast_in_dim3A_45 : vector<16xf32> to vector<1x1x16xf32>
      tpu.vector_store %arg8[%swap3A_47, %swap3A_48, %swap3A_49], %swap3A_52 {strides = array<i32>} : memref<2x128x128xf32, #tpu.memory_space<vmem>>, vector<1x1x16xf32>,
      %broadcast_in_dim3A_53 = arith.constant 0.000000e+00 : f32
      %broadcast_in_dim3A_54 = vector.broadcast %broadcast_in_dim3A_53 : f32 to vector<16xf32>
      %swap3A_55 = arith.constant 0 : i32
      %swap3A_56 = arith.index_cast %swap3A_55 : i32 to index
      %swap3A_57 = arith.index_cast %scan3A_26 : i32 to index
      %swap3A_58 = arith.constant 48 : index
      %swap3A_59 = tpu.vector_load %arg8[%swap3A_56, %swap3A_57, %swap3A_58] {strides = array<i32>} : memref<2x128x128xf32, #tpu.memory_space<vmem>>, vector<1x1x16xf32>,
      %swap3A_60 = vector.shape_cast %swap3A_59 : vector<1x1x16xf32> to vector<16xf32>
      %swap3A_61 = vector.shape_cast %broadcast_in_dim3A_54 : vector<16xf32> to vector<1x1x16xf32>
      tpu.vector_store %arg8[%swap3A_56, %swap3A_57, %swap3A_58], %swap3A_61 {strides = array<i32>} : memref<2x128x128xf32, #tpu.memory_space<vmem>>, vector<1x1x16xf32>,
      %broadcast_in_dim3A_62 = arith.constant 0.000000e+00 : f32
      %broadcast_in_dim3A_63 = vector.broadcast %broadcast_in_dim3A_62 : f32 to vector<16xf32>
      %swap3A_64 = arith.constant 0 : i32
      %swap3A_65 = arith.index_cast %swap3A_64 : i32 to index
      %swap3A_66 = arith.index_cast %scan3A_26 : i32 to index
      %swap3A_67 = arith.constant 64 : index
      %swap3A_68 = tpu.vector_load %arg8[%swap3A_65, %swap3A_66, %swap3A_67] {strides = array<i32>} : memref<2x128x128xf32, #tpu.memory_space<vmem>>, vector<1x1x16xf32>,
      %swap3A_69 = vector.shape_cast %swap3A_68 : vector<1x1x16xf32> to vector<16xf32>
      %swap3A_70 = vector.shape_cast %broadcast_in_dim3A_63 : vector<16xf32> to vector<1x1x16xf32>
      tpu.vector_store %arg8[%swap3A_65, %swap3A_66, %swap3A_67], %swap3A_70 {strides = array<i32>} : memref<2x128x128xf32, #tpu.memory_space<vmem>>, vector<1x1x16xf32>,
      %broadcast_in_dim3A_71 = arith.constant 0.000000e+00 : f32
      %broadcast_in_dim3A_72 = vector.broadcast %broadcast_in_dim3A_71 : f32 to vector<16xf32>
      %swap3A_73 = arith.constant 0 : i32
      %swap3A_74 = arith.index_cast %swap3A_73 : i32 to index
      %swap3A_75 = arith.index_cast %scan3A_26 : i32 to index
      %swap3A_76 = arith.constant 80 : index
      %swap3A_77 = tpu.vector_load %arg8[%swap3A_74, %swap3A_75, %swap3A_76] {strides = array<i32>} : memref<2x128x128xf32, #tpu.memory_space<vmem>>, vector<1x1x16xf32>,
      %swap3A_78 = vector.shape_cast %swap3A_77 : vector<1x1x16xf32> to vector<16xf32>
      %swap3A_79 = vector.shape_cast %broadcast_in_dim3A_72 : vector<16xf32> to vector<1x1x16xf32>
      tpu.vector_store %arg8[%swap3A_74, %swap3A_75, %swap3A_76], %swap3A_79 {strides = array<i32>} : memref<2x128x128xf32, #tpu.memory_space<vmem>>, vector<1x1x16xf32>,
      %broadcast_in_dim3A_80 = arith.constant 0.000000e+00 : f32
      %broadcast_in_dim3A_81 = vector.broadcast %broadcast_in_dim3A_80 : f32 to vector<16xf32>
      %swap3A_82 = arith.constant 0 : i32
      %swap3A_83 = arith.index_cast %swap3A_82 : i32 to index
      %swap3A_84 = arith.index_cast %scan3A_26 : i32 to index
      %swap3A_85 = arith.constant 96 : index
      %swap3A_86 = tpu.vector_load %arg8[%swap3A_83, %swap3A_84, %swap3A_85] {strides = array<i32>} : memref<2x128x128xf32, #tpu.memory_space<vmem>>, vector<1x1x16xf32>,
      %swap3A_87 = vector.shape_cast %swap3A_86 : vector<1x1x16xf32> to vector<16xf32>
      %swap3A_88 = vector.shape_cast %broadcast_in_dim3A_81 : vector<16xf32> to vector<1x1x16xf32>
      tpu.vector_store %arg8[%swap3A_83, %swap3A_84, %swap3A_85], %swap3A_88 {strides = array<i32>} : memref<2x128x128xf32, #tpu.memory_space<vmem>>, vector<1x1x16xf32>,
      %broadcast_in_dim3A_89 = arith.constant 0.000000e+00 : f32
      %broadcast_in_dim3A_90 = vector.broadcast %broadcast_in_dim3A_89 : f32 to vector<16xf32>
      %swap3A_91 = arith.constant 0 : i32
      %swap3A_92 = arith.index_cast %swap3A_91 : i32 to index
      %swap3A_93 = arith.index_cast %scan3A_26 : i32 to index
      %swap3A_94 = arith.constant 112 : index
      %swap3A_95 = tpu.vector_load %arg8[%swap3A_92, %swap3A_93, %swap3A_94] {strides = array<i32>} : memref<2x128x128xf32, #tpu.memory_space<vmem>>, vector<1x1x16xf32>,
      %swap3A_96 = vector.shape_cast %swap3A_95 : vector<1x1x16xf32> to vector<16xf32>
      %swap3A_97 = vector.shape_cast %broadcast_in_dim3A_90 : vector<16xf32> to vector<1x1x16xf32>
      tpu.vector_store %arg8[%swap3A_92, %swap3A_93, %swap3A_94], %swap3A_97 {strides = array<i32>} : memref<2x128x128xf32, #tpu.memory_space<vmem>>, vector<1x1x16xf32>,
      %scan3A_98 = arith.constant 0 : i32
      scf.yield %scan3A_98 : i32
    }
    %scan3A_8 = arith.constant 128 : i32
    %scan3A_9 = arith.constant 0 : i32
    %scan3A_10 = arith.constant 0 : i32
    %scan3A_11 = arith.constant 4 : i32
    %scan3A_12 = arith.addi %scan3A_10, %scan3A_11 : i32
    %scan3A_13 = arith.constant 1 : i32
    %scan3A_14 = scf.for %scan3A_26 = %scan3A_10 to %scan3A_12 step %scan3A_13 iter_args(%scan3A_27 = %scan3A_9) -> (i32)  : i32 {
      %mul3A_28 = arith.constant 128 : i32
      %mul3A_29 = arith.muli %scan3A_26, %mul3A_28 : i32
      %add3A_30 = arith.addi %mul3A_2, %mul3A_29 : i32
      %run_scoped3A_31 = arith.constant 0 : i32
      "tpu.region"() ({
        %run_scoped3A_33 = tpu.sem_alloc : memref<!tpu.dma_semaphore, #tpu.memory_space<semaphore_mem>>
        %dma_start3A = arith.constant 0 : i32
        %dma_start3A_34 = arith.constant 0 : i32
        %dma_start3A_35 = tpu.memref_slice %arg8[%run_scoped3A_31, %dma_start3A, %dma_start3A_34] : memref<2x128x128xf32, #tpu.memory_space<vmem>> -> memref<1x128x128xf32, #tpu.memory_space<vmem>>
        %dma_start3A_36 = tpu.memref_squeeze %dma_start3A_35 : memref<1x128x128xf32, #tpu.memory_space<vmem>> -> memref<128x128xf32, #tpu.memory_space<vmem>>
        %dma_start3A_37 = arith.constant 0 : i32
        %dma_start3A_38 = tpu.memref_slice %arg9[%add3A_30, %dma_start3A_37] : memref<10112x128xf32, #tpu.memory_space<vmem_shared>> -> memref<128x128xf32, #tpu.memory_space<vmem_shared>>
        %dma_start3A_39 = arith.constant 0 : i32
        %dma_start3A_40 = tpu.memref_slice %arg9[%add3A_30, %dma_start3A_39] : memref<10112x128xf32, #tpu.memory_space<vmem_shared>> -> memref<128x128xf32, #tpu.memory_space<vmem_shared>>
        %dma_start3A_41 = arith.constant 0 : i32
        %dma_start3A_42 = arith.constant 0 : i32
        %dma_start3A_43 = tpu.memref_slice %arg8[%run_scoped3A_31, %dma_start3A_41, %dma_start3A_42] : memref<2x128x128xf32, #tpu.memory_space<vmem>> -> memref<1x128x128xf32, #tpu.memory_space<vmem>>
        %dma_start3A_44 = tpu.memref_squeeze %dma_start3A_43 : memref<1x128x128xf32, #tpu.memory_space<vmem>> -> memref<128x128xf32, #tpu.memory_space<vmem>>
        tpu.enqueue_dma source(%dma_start3A_44 : memref<128x128xf32, #tpu.memory_space<vmem>>) target(%dma_start3A_40 : memref<128x128xf32, #tpu.memory_space<vmem_shared>>) target_semaphore(%run_scoped3A_33 : memref<!tpu.dma_semaphore, #tpu.memory_space<semaphore_mem>>)
        %dma_wait3A = arith.constant 0 : i32
        %dma_wait3A_45 = arith.constant 0 : i32
        %dma_wait3A_46 = tpu.memref_slice %arg8[%run_scoped3A_31, %dma_wait3A, %dma_wait3A_45] : memref<2x128x128xf32, #tpu.memory_space<vmem>> -> memref<1x128x128xf32, #tpu.memory_space<vmem>>
        %dma_wait3A_47 = tpu.memref_squeeze %dma_wait3A_46 : memref<1x128x128xf32, #tpu.memory_space<vmem>> -> memref<128x128xf32, #tpu.memory_space<vmem>>
        %dma_wait3A_48 = arith.constant 0 : i32
        %dma_wait3A_49 = tpu.memref_slice %arg9[%add3A_30, %dma_wait3A_48] : memref<10112x128xf32, #tpu.memory_space<vmem_shared>> -> memref<128x128xf32, #tpu.memory_space<vmem_shared>>
        %dma_wait3A_50 = arith.constant 0 : i32
        %dma_wait3A_51 = tpu.memref_slice %arg9[%add3A_30, %dma_wait3A_50] : memref<10112x128xf32, #tpu.memory_space<vmem_shared>> -> memref<128x128xf32, #tpu.memory_space<vmem_shared>>
        %dma_wait3A_52 = arith.constant 0 : i32
        %dma_wait3A_53 = arith.constant 0 : i32
        %dma_wait3A_54 = tpu.memref_slice %arg8[%run_scoped3A_31, %dma_wait3A_52, %dma_wait3A_53] : memref<2x128x128xf32, #tpu.memory_space<vmem>> -> memref<1x128x128xf32, #tpu.memory_space<vmem>>
        %dma_wait3A_55 = tpu.memref_squeeze %dma_wait3A_54 : memref<1x128x128xf32, #tpu.memory_space<vmem>> -> memref<128x128xf32, #tpu.memory_space<vmem>>
        tpu.wait_dma2 semaphore(%run_scoped3A_33 : memref<!tpu.dma_semaphore, #tpu.memory_space<semaphore_mem>>) src(%dma_wait3A_55 : memref<128x128xf32, #tpu.memory_space<vmem>>) dst(%dma_wait3A_51 : memref<128x128xf32, #tpu.memory_space<vmem_shared>>)
        tpu.yield
      }) : () -> ()
      %scan3A_32 = arith.constant 0 : i32
      scf.yield %scan3A_32 : i32
    }
    %scan3A_15 = arith.constant 4 : i32
    %add3A_16 = arith.constant 512 : i32
    %add3A_17 = arith.addi %mul3A_2, %add3A_16 : i32
    %run_scoped3A = arith.constant 0 : i32
    "tpu.region"() ({
      %run_scoped3A_26 = tpu.sem_alloc : memref<!tpu.dma_semaphore, #tpu.memory_space<semaphore_mem>>
      %dma_start3A = arith.constant 0 : i32
      %dma_start3A_27 = arith.constant 0 : i32
      %dma_start3A_28 = tpu.memref_slice %arg8[%run_scoped3A, %dma_start3A, %dma_start3A_27] : memref<2x128x128xf32, #tpu.memory_space<vmem>> -> memref<1x120x128xf32, #tpu.memory_space<vmem>>
      %dma_start3A_29 = tpu.memref_squeeze %dma_start3A_28 : memref<1x120x128xf32, #tpu.memory_space<vmem>> -> memref<120x128xf32, #tpu.memory_space<vmem>>
      %dma_start3A_30 = arith.constant 0 : i32
      %dma_start3A_31 = tpu.memref_slice %arg9[%add3A_17, %dma_start3A_30] : memref<10112x128xf32, #tpu.memory_space<vmem_shared>> -> memref<120x128xf32, #tpu.memory_space<vmem_shared>>
      %dma_start3A_32 = arith.constant 0 : i32
      %dma_start3A_33 = tpu.memref_slice %arg9[%add3A_17, %dma_start3A_32] : memref<10112x128xf32, #tpu.memory_space<vmem_shared>> -> memref<120x128xf32, #tpu.memory_space<vmem_shared>>
      %dma_start3A_34 = arith.constant 0 : i32
      %dma_start3A_35 = arith.constant 0 : i32
      %dma_start3A_36 = tpu.memref_slice %arg8[%run_scoped3A, %dma_start3A_34, %dma_start3A_35] : memref<2x128x128xf32, #tpu.memory_space<vmem>> -> memref<1x120x128xf32, #tpu.memory_space<vmem>>
      %dma_start3A_37 = tpu.memref_squeeze %dma_start3A_36 : memref<1x120x128xf32, #tpu.memory_space<vmem>> -> memref<120x128xf32, #tpu.memory_space<vmem>>
      tpu.enqueue_dma source(%dma_start3A_37 : memref<120x128xf32, #tpu.memory_space<vmem>>) target(%dma_start3A_33 : memref<120x128xf32, #tpu.memory_space<vmem_shared>>) target_semaphore(%run_scoped3A_26 : memref<!tpu.dma_semaphore, #tpu.memory_space<semaphore_mem>>)
      %dma_wait3A = arith.constant 0 : i32
      %dma_wait3A_38 = arith.constant 0 : i32
      %dma_wait3A_39 = tpu.memref_slice %arg8[%run_scoped3A, %dma_wait3A, %dma_wait3A_38] : memref<2x128x128xf32, #tpu.memory_space<vmem>> -> memref<1x120x128xf32, #tpu.memory_space<vmem>>
      %dma_wait3A_40 = tpu.memref_squeeze %dma_wait3A_39 : memref<1x120x128xf32, #tpu.memory_space<vmem>> -> memref<120x128xf32, #tpu.memory_space<vmem>>
      %dma_wait3A_41 = arith.constant 0 : i32
      %dma_wait3A_42 = tpu.memref_slice %arg9[%add3A_17, %dma_wait3A_41] : memref<10112x128xf32, #tpu.memory_space<vmem_shared>> -> memref<120x128xf32, #tpu.memory_space<vmem_shared>>
      %dma_wait3A_43 = arith.constant 0 : i32
      %dma_wait3A_44 = tpu.memref_slice %arg9[%add3A_17, %dma_wait3A_43] : memref<10112x128xf32, #tpu.memory_space<vmem_shared>> -> memref<120x128xf32, #tpu.memory_space<vmem_shared>>
      %dma_wait3A_45 = arith.constant 0 : i32
      %dma_wait3A_46 = arith.constant 0 : i32
      %dma_wait3A_47 = tpu.memref_slice %arg8[%run_scoped3A, %dma_wait3A_45, %dma_wait3A_46] : memref<2x128x128xf32, #tpu.memory_space<vmem>> -> memref<1x120x128xf32, #tpu.memory_space<vmem>>
      %dma_wait3A_48 = tpu.memref_squeeze %dma_wait3A_47 : memref<1x120x128xf32, #tpu.memory_space<vmem>> -> memref<120x128xf32, #tpu.memory_space<vmem>>
      tpu.wait_dma2 semaphore(%run_scoped3A_26 : memref<!tpu.dma_semaphore, #tpu.memory_space<semaphore_mem>>) src(%dma_wait3A_48 : memref<120x128xf32, #tpu.memory_space<vmem>>) dst(%dma_wait3A_44 : memref<120x128xf32, #tpu.memory_space<vmem_shared>>)
      tpu.yield
    }) : () -> ()
    %barrier3A = arith.constant 0 : index
    tpu.barrier barrier_id(%barrier3A)
    %scan3A_18 = arith.constant 0 : i32
    %scan3A_19 = arith.constant 0 : i32
    %scan3A_20 = arith.constant 5 : i32
    %scan3A_21 = arith.addi %scan3A_19, %scan3A_20 : i32
    %scan3A_22 = arith.constant 1 : i32
    %scan3A_23 = scf.for %scan3A_26 = %scan3A_19 to %scan3A_21 step %scan3A_22 iter_args(%scan3A_27 = %scan3A_18) -> (i32)  : i32 {
      %mul3A_28 = arith.constant 16 : i32
      %mul3A_29 = arith.muli %scan3A_26, %mul3A_28 : i32
      "tpu.region"() ({
        %run_scoped3A_51 = tpu.sem_alloc : memref<!tpu.dma_semaphore, #tpu.memory_space<semaphore_mem>>
        %dma_start3A_52 = arith.constant 0 : i32
        %dma_start3A_53 = tpu.memref_slice %arg3[%add3A, %mul3A_29, %dma_start3A_52] : memref<32x80x128xi32, #tpu.memory_space<hbm>> -> memref<1x16x128xi32, #tpu.memory_space<hbm>>
        %dma_start3A_54 = tpu.memref_squeeze %dma_start3A_53 : memref<1x16x128xi32, #tpu.memory_space<hbm>> -> memref<16x128xi32, #tpu.memory_space<hbm>>
        %dma_start3A_55 = arith.constant 0 : i32
        %dma_start3A_56 = tpu.memref_slice %arg3[%add3A, %mul3A_29, %dma_start3A_55] : memref<32x80x128xi32, #tpu.memory_space<hbm>> -> memref<1x16x128xi32, #tpu.memory_space<hbm>>
        %dma_start3A_57 = tpu.memref_squeeze %dma_start3A_56 : memref<1x16x128xi32, #tpu.memory_space<hbm>> -> memref<16x128xi32, #tpu.memory_space<hbm>>
        tpu.enqueue_dma source(%dma_start3A_57 : memref<16x128xi32, #tpu.memory_space<hbm>>) target(%arg6 : memref<16x128xi32, #tpu.memory_space<vmem>>) target_semaphore(%run_scoped3A_51 : memref<!tpu.dma_semaphore, #tpu.memory_space<semaphore_mem>>)
        %dma_wait3A = arith.constant 0 : i32
        %dma_wait3A_58 = tpu.memref_slice %arg3[%add3A, %mul3A_29, %dma_wait3A] : memref<32x80x128xi32, #tpu.memory_space<hbm>> -> memref<1x16x128xi32, #tpu.memory_space<hbm>>
        %dma_wait3A_59 = tpu.memref_squeeze %dma_wait3A_58 : memref<1x16x128xi32, #tpu.memory_space<hbm>> -> memref<16x128xi32, #tpu.memory_space<hbm>>
        %dma_wait3A_60 = arith.constant 0 : i32
        %dma_wait3A_61 = tpu.memref_slice %arg3[%add3A, %mul3A_29, %dma_wait3A_60] : memref<32x80x128xi32, #tpu.memory_space<hbm>> -> memref<1x16x128xi32, #tpu.memory_space<hbm>>
        %dma_wait3A_62 = tpu.memref_squeeze %dma_wait3A_61 : memref<1x16x128xi32, #tpu.memory_space<hbm>> -> memref<16x128xi32, #tpu.memory_space<hbm>>
        tpu.wait_dma2 semaphore(%run_scoped3A_51 : memref<!tpu.dma_semaphore, #tpu.memory_space<semaphore_mem>>) src(%dma_wait3A_62 : memref<16x128xi32, #tpu.memory_space<hbm>>) dst(%arg6 : memref<16x128xi32, #tpu.memory_space<vmem>>)
        tpu.yield
      }) : () -> ()
      %mul3A_30 = arith.constant 16 : i32
      %mul3A_31 = arith.muli %scan3A_26, %mul3A_30 : i32
      "tpu.region"() ({
        %run_scoped3A_51 = tpu.sem_alloc : memref<!tpu.dma_semaphore, #tpu.memory_space<semaphore_mem>>
        %dma_start3A_52 = arith.constant 0 : i32
        %dma_start3A_53 = tpu.memref_slice %arg4[%add3A, %mul3A_31, %dma_start3A_52] : memref<32x80x128xi32, #tpu.memory_space<hbm>> -> memref<1x16x128xi32, #tpu.memory_space<hbm>>
        %dma_start3A_54 = tpu.memref_squeeze %dma_start3A_53 : memref<1x16x128xi32, #tpu.memory_space<hbm>> -> memref<16x128xi32, #tpu.memory_space<hbm>>
        %dma_start3A_55 = arith.constant 0 : i32
        %dma_start3A_56 = tpu.memref_slice %arg4[%add3A, %mul3A_31, %dma_start3A_55] : memref<32x80x128xi32, #tpu.memory_space<hbm>> -> memref<1x16x128xi32, #tpu.memory_space<hbm>>
        %dma_start3A_57 = tpu.memref_squeeze %dma_start3A_56 : memref<1x16x128xi32, #tpu.memory_space<hbm>> -> memref<16x128xi32, #tpu.memory_space<hbm>>
        tpu.enqueue_dma source(%dma_start3A_57 : memref<16x128xi32, #tpu.memory_space<hbm>>) target(%arg7 : memref<16x128xi32, #tpu.memory_space<vmem>>) target_semaphore(%run_scoped3A_51 : memref<!tpu.dma_semaphore, #tpu.memory_space<semaphore_mem>>)
        %dma_wait3A = arith.constant 0 : i32
        %dma_wait3A_58 = tpu.memref_slice %arg4[%add3A, %mul3A_31, %dma_wait3A] : memref<32x80x128xi32, #tpu.memory_space<hbm>> -> memref<1x16x128xi32, #tpu.memory_space<hbm>>
        %dma_wait3A_59 = tpu.memref_squeeze %dma_wait3A_58 : memref<1x16x128xi32, #tpu.memory_space<hbm>> -> memref<16x128xi32, #tpu.memory_space<hbm>>
        %dma_wait3A_60 = arith.constant 0 : i32
        %dma_wait3A_61 = tpu.memref_slice %arg4[%add3A, %mul3A_31, %dma_wait3A_60] : memref<32x80x128xi32, #tpu.memory_space<hbm>> -> memref<1x16x128xi32, #tpu.memory_space<hbm>>
        %dma_wait3A_62 = tpu.memref_squeeze %dma_wait3A_61 : memref<1x16x128xi32, #tpu.memory_space<hbm>> -> memref<16x128xi32, #tpu.memory_space<hbm>>
        tpu.wait_dma2 semaphore(%run_scoped3A_51 : memref<!tpu.dma_semaphore, #tpu.memory_space<semaphore_mem>>) src(%dma_wait3A_62 : memref<16x128xi32, #tpu.memory_space<hbm>>) dst(%arg7 : memref<16x128xi32, #tpu.memory_space<vmem>>)
        tpu.yield
      }) : () -> ()
      %dma_start3A = arith.constant 0 : i32
      %dma_start3A_32 = arith.constant 0 : i32
      %dma_start3A_33 = arith.constant 0 : i32
      %dma_start3A_34 = arith.constant 0 : i32
      %dma_start3A_35 = tpu.memref_slice %arg8[%dma_start3A_32, %dma_start3A_33, %dma_start3A_34] : memref<2x128x128xf32, #tpu.memory_space<vmem>> -> memref<1x128x128xf32, #tpu.memory_space<vmem>>
      %dma_start3A_36 = tpu.memref_squeeze %dma_start3A_35 : memref<1x128x128xf32, #tpu.memory_space<vmem>> -> memref<128x128xf32, #tpu.memory_space<vmem>>
      %dma_start3A_37 = arith.constant 0 : i32
      %dma_start3A_38 = tpu.memref_slice %arg6[%dma_start3A, %dma_start3A_37] : memref<16x128xi32, #tpu.memory_space<vmem>> -> memref<1x128xi32, #tpu.memory_space<vmem>>
      %dma_start3A_39 = tpu.memref_squeeze %dma_start3A_38 : memref<1x128xi32, #tpu.memory_space<vmem>> -> memref<128xi32, #tpu.memory_space<vmem>>
      %dma_start3A_40 = arith.constant 0 : i32
      %dma_start3A_41 = arith.constant 0 : i32
      %dma_start3A_42 = tpu.memref_slice %arg2[%dma_start3A_40, %dma_start3A_41] : memref<10240x128xf32, #tpu.memory_space<hbm>> -> memref<10240x128xf32, #tpu.memory_space<hbm>>
      tpu.enqueue_indirect_dma source(%dma_start3A_42 : memref<10240x128xf32, #tpu.memory_space<hbm>>) target(%dma_start3A_36 : memref<128x128xf32, #tpu.memory_space<vmem>>) offsets(%dma_start3A_39 : memref<128xi32, #tpu.memory_space<vmem>>) semaphore(%arg10 : memref<!tpu.dma_semaphore, #tpu.memory_space<semaphore_mem>>)
      %scan3A_43 = arith.constant 0 : i32
      %scan3A_44 = arith.constant 0 : i32
      %scan3A_45 = arith.constant 8 : i32
      %scan3A_46 = arith.addi %scan3A_44, %scan3A_45 : i32
      %scan3A_47 = arith.constant 1 : i32
      %scan3A_48 = scf.for %scan3A_51 = %scan3A_44 to %scan3A_46 step %scan3A_47 iter_args(%scan3A_52 = %scan3A_43) -> (i32)  : i32 {
        %mul3A_53 = arith.constant 2 : i32
        %mul3A_54 = arith.muli %mul3A_53, %scan3A_51 : i32
        %add3A_55 = arith.constant 1 : i32
        %add3A_56 = arith.addi %mul3A_54, %add3A_55 : i32
        %dma_start3A_57 = arith.constant 1 : i32
        %dma_start3A_58 = arith.constant 0 : i32
        %dma_start3A_59 = arith.constant 0 : i32
        %dma_start3A_60 = tpu.memref_slice %arg8[%dma_start3A_57, %dma_start3A_58, %dma_start3A_59] : memref<2x128x128xf32, #tpu.memory_space<vmem>> -> memref<1x128x128xf32, #tpu.memory_space<vmem>>
        %dma_start3A_61 = tpu.memref_squeeze %dma_start3A_60 : memref<1x128x128xf32, #tpu.memory_space<vmem>> -> memref<128x128xf32, #tpu.memory_space<vmem>>
        %dma_start3A_62 = arith.constant 0 : i32
        %dma_start3A_63 = tpu.memref_slice %arg6[%add3A_56, %dma_start3A_62] : memref<16x128xi32, #tpu.memory_space<vmem>> -> memref<1x128xi32, #tpu.memory_space<vmem>>
        %dma_start3A_64 = tpu.memref_squeeze %dma_start3A_63 : memref<1x128xi32, #tpu.memory_space<vmem>> -> memref<128xi32, #tpu.memory_space<vmem>>
        %dma_start3A_65 = arith.constant 0 : i32
        %dma_start3A_66 = arith.constant 0 : i32
        %dma_start3A_67 = tpu.memref_slice %arg2[%dma_start3A_65, %dma_start3A_66] : memref<10240x128xf32, #tpu.memory_space<hbm>> -> memref<10240x128xf32, #tpu.memory_space<hbm>>
        tpu.enqueue_indirect_dma source(%dma_start3A_67 : memref<10240x128xf32, #tpu.memory_space<hbm>>) target(%dma_start3A_61 : memref<128x128xf32, #tpu.memory_space<vmem>>) offsets(%dma_start3A_64 : memref<128xi32, #tpu.memory_space<vmem>>) semaphore(%arg11 : memref<!tpu.dma_semaphore, #tpu.memory_space<semaphore_mem>>)
        %dma_wait3A = arith.constant 0 : i32
        %dma_wait3A_68 = arith.constant 0 : i32
        %dma_wait3A_69 = arith.constant 0 : i32
        %dma_wait3A_70 = tpu.memref_slice %arg8[%dma_wait3A, %dma_wait3A_68, %dma_wait3A_69] : memref<2x128x128xf32, #tpu.memory_space<vmem>> -> memref<1x128x128xf32, #tpu.memory_space<vmem>>
        %dma_wait3A_71 = tpu.memref_squeeze %dma_wait3A_70 : memref<1x128x128xf32, #tpu.memory_space<vmem>> -> memref<128x128xf32, #tpu.memory_space<vmem>>
        %dma_wait3A_72 = arith.constant 0 : i32
        %dma_wait3A_73 = tpu.memref_slice %arg6[%mul3A_54, %dma_wait3A_72] : memref<16x128xi32, #tpu.memory_space<vmem>> -> memref<1x128xi32, #tpu.memory_space<vmem>>
        %dma_wait3A_74 = tpu.memref_squeeze %dma_wait3A_73 : memref<1x128xi32, #tpu.memory_space<vmem>> -> memref<128xi32, #tpu.memory_space<vmem>>
        %dma_wait3A_75 = arith.constant 0 : i32
        %dma_wait3A_76 = arith.constant 0 : i32
        %dma_wait3A_77 = tpu.memref_slice %arg2[%dma_wait3A_75, %dma_wait3A_76] : memref<10240x128xf32, #tpu.memory_space<hbm>> -> memref<10240x128xf32, #tpu.memory_space<hbm>>
        tpu.wait_indirect_dma semaphore(%arg10 : memref<!tpu.dma_semaphore, #tpu.memory_space<semaphore_mem>>) src(%dma_wait3A_77 : memref<10240x128xf32, #tpu.memory_space<hbm>>) dst(%dma_wait3A_71 : memref<128x128xf32, #tpu.memory_space<vmem>>)
        %run_scoped3A_78 = arith.constant 0 : i32
        "tpu.region"() ({
          %run_scoped3A_96 = tpu.sem_alloc : memref<!tpu.dma_semaphore, #tpu.memory_space<semaphore_mem>>
          %dma_start3A_97 = arith.constant 0 : i32
          %dma_start3A_98 = arith.constant 0 : i32
          %dma_start3A_99 = tpu.memref_slice %arg8[%run_scoped3A_78, %dma_start3A_97, %dma_start3A_98] : memref<2x128x128xf32, #tpu.memory_space<vmem>> -> memref<1x128x128xf32, #tpu.memory_space<vmem>>
          %dma_start3A_100 = tpu.memref_squeeze %dma_start3A_99 : memref<1x128x128xf32, #tpu.memory_space<vmem>> -> memref<128x128xf32, #tpu.memory_space<vmem>>
          %dma_start3A_101 = arith.constant 0 : i32
          %dma_start3A_102 = tpu.memref_slice %arg7[%mul3A_54, %dma_start3A_101] : memref<16x128xi32, #tpu.memory_space<vmem>> -> memref<1x128xi32, #tpu.memory_space<vmem>>
          %dma_start3A_103 = tpu.memref_squeeze %dma_start3A_102 : memref<1x128xi32, #tpu.memory_space<vmem>> -> memref<128xi32, #tpu.memory_space<vmem>>
          %dma_start3A_104 = arith.constant 0 : i32
          %dma_start3A_105 = arith.constant 0 : i32
          %dma_start3A_106 = tpu.memref_slice %arg9[%dma_start3A_104, %dma_start3A_105] : memref<10112x128xf32, #tpu.memory_space<vmem_shared>> -> memref<10112x128xf32, #tpu.memory_space<vmem_shared>>
          tpu.enqueue_indirect_dma source(%dma_start3A_100 : memref<128x128xf32, #tpu.memory_space<vmem>>) target(%dma_start3A_106 : memref<10112x128xf32, #tpu.memory_space<vmem_shared>>) offsets(%dma_start3A_103 : memref<128xi32, #tpu.memory_space<vmem>>) semaphore(%run_scoped3A_96 : memref<!tpu.dma_semaphore, #tpu.memory_space<semaphore_mem>>) {add = true}
          %dma_wait3A_107 = arith.constant 0 : i32
          %dma_wait3A_108 = arith.constant 0 : i32
          %dma_wait3A_109 = tpu.memref_slice %arg8[%run_scoped3A_78, %dma_wait3A_107, %dma_wait3A_108] : memref<2x128x128xf32, #tpu.memory_space<vmem>> -> memref<1x128x128xf32, #tpu.memory_space<vmem>>
          %dma_wait3A_110 = tpu.memref_squeeze %dma_wait3A_109 : memref<1x128x128xf32, #tpu.memory_space<vmem>> -> memref<128x128xf32, #tpu.memory_space<vmem>>
          %dma_wait3A_111 = arith.constant 0 : i32
          %dma_wait3A_112 = tpu.memref_slice %arg7[%mul3A_54, %dma_wait3A_111] : memref<16x128xi32, #tpu.memory_space<vmem>> -> memref<1x128xi32, #tpu.memory_space<vmem>>
          %dma_wait3A_113 = tpu.memref_squeeze %dma_wait3A_112 : memref<1x128xi32, #tpu.memory_space<vmem>> -> memref<128xi32, #tpu.memory_space<vmem>>
          %dma_wait3A_114 = arith.constant 0 : i32
          %dma_wait3A_115 = arith.constant 0 : i32
          %dma_wait3A_116 = tpu.memref_slice %arg9[%dma_wait3A_114, %dma_wait3A_115] : memref<10112x128xf32, #tpu.memory_space<vmem_shared>> -> memref<10112x128xf32, #tpu.memory_space<vmem_shared>>
          tpu.wait_indirect_dma semaphore(%run_scoped3A_96 : memref<!tpu.dma_semaphore, #tpu.memory_space<semaphore_mem>>) src(%dma_wait3A_110 : memref<128x128xf32, #tpu.memory_space<vmem>>) dst(%dma_wait3A_116 : memref<10112x128xf32, #tpu.memory_space<vmem_shared>>)
          tpu.yield
        }) : () -> ()
        %add3A_79 = arith.constant 1 : i32
        %add3A_80 = arith.addi %scan3A_51, %add3A_79 : i32
        %lt3A = arith.constant 8 : i32
        %lt3A_81 = arith.cmpi slt, %add3A_80, %lt3A : i32
        %convert_element_type3A = arith.extui %lt3A_81 : i1 to i32
        %cond3A = arith.constant 0 : i32
        %cond3A_82 = arith.cmpi ne, %convert_element_type3A, %cond3A : i32
        scf.if %cond3A_82 {
          %add3A_96 = arith.constant 2 : i32
          %add3A_97 = arith.addi %mul3A_54, %add3A_96 : i32
          %dma_start3A_98 = arith.constant 0 : i32
          %dma_start3A_99 = arith.constant 0 : i32
          %dma_start3A_100 = arith.constant 0 : i32
          %dma_start3A_101 = tpu.memref_slice %arg8[%dma_start3A_98, %dma_start3A_99, %dma_start3A_100] : memref<2x128x128xf32, #tpu.memory_space<vmem>> -> memref<1x128x128xf32, #tpu.memory_space<vmem>>
          %dma_start3A_102 = tpu.memref_squeeze %dma_start3A_101 : memref<1x128x128xf32, #tpu.memory_space<vmem>> -> memref<128x128xf32, #tpu.memory_space<vmem>>
          %dma_start3A_103 = arith.constant 0 : i32
          %dma_start3A_104 = tpu.memref_slice %arg6[%add3A_97, %dma_start3A_103] : memref<16x128xi32, #tpu.memory_space<vmem>> -> memref<1x128xi32, #tpu.memory_space<vmem>>
          %dma_start3A_105 = tpu.memref_squeeze %dma_start3A_104 : memref<1x128xi32, #tpu.memory_space<vmem>> -> memref<128xi32, #tpu.memory_space<vmem>>
          %dma_start3A_106 = arith.constant 0 : i32
          %dma_start3A_107 = arith.constant 0 : i32
          %dma_start3A_108 = tpu.memref_slice %arg2[%dma_start3A_106, %dma_start3A_107] : memref<10240x128xf32, #tpu.memory_space<hbm>> -> memref<10240x128xf32, #tpu.memory_space<hbm>>
          tpu.enqueue_indirect_dma source(%dma_start3A_108 : memref<10240x128xf32, #tpu.memory_space<hbm>>) target(%dma_start3A_102 : memref<128x128xf32, #tpu.memory_space<vmem>>) offsets(%dma_start3A_105 : memref<128xi32, #tpu.memory_space<vmem>>) semaphore(%arg10 : memref<!tpu.dma_semaphore, #tpu.memory_space<semaphore_mem>>)
        } else {
        }
        %dma_wait3A_83 = arith.constant 1 : i32
        %dma_wait3A_84 = arith.constant 0 : i32
        %dma_wait3A_85 = arith.constant 0 : i32
        %dma_wait3A_86 = tpu.memref_slice %arg8[%dma_wait3A_83, %dma_wait3A_84, %dma_wait3A_85] : memref<2x128x128xf32, #tpu.memory_space<vmem>> -> memref<1x128x128xf32, #tpu.memory_space<vmem>>
        %dma_wait3A_87 = tpu.memref_squeeze %dma_wait3A_86 : memref<1x128x128xf32, #tpu.memory_space<vmem>> -> memref<128x128xf32, #tpu.memory_space<vmem>>
        %dma_wait3A_88 = arith.constant 0 : i32
        %dma_wait3A_89 = tpu.memref_slice %arg6[%add3A_56, %dma_wait3A_88] : memref<16x128xi32, #tpu.memory_space<vmem>> -> memref<1x128xi32, #tpu.memory_space<vmem>>
        %dma_wait3A_90 = tpu.memref_squeeze %dma_wait3A_89 : memref<1x128xi32, #tpu.memory_space<vmem>> -> memref<128xi32, #tpu.memory_space<vmem>>
        %dma_wait3A_91 = arith.constant 0 : i32
        %dma_wait3A_92 = arith.constant 0 : i32
        %dma_wait3A_93 = tpu.memref_slice %arg2[%dma_wait3A_91, %dma_wait3A_92] : memref<10240x128xf32, #tpu.memory_space<hbm>> -> memref<10240x128xf32, #tpu.memory_space<hbm>>
        tpu.wait_indirect_dma semaphore(%arg11 : memref<!tpu.dma_semaphore, #tpu.memory_space<semaphore_mem>>) src(%dma_wait3A_93 : memref<10240x128xf32, #tpu.memory_space<hbm>>) dst(%dma_wait3A_87 : memref<128x128xf32, #tpu.memory_space<vmem>>)
        %run_scoped3A_94 = arith.constant 1 : i32
        "tpu.region"() ({
          %run_scoped3A_96 = tpu.sem_alloc : memref<!tpu.dma_semaphore, #tpu.memory_space<semaphore_mem>>
          %dma_start3A_97 = arith.constant 0 : i32
          %dma_start3A_98 = arith.constant 0 : i32
          %dma_start3A_99 = tpu.memref_slice %arg8[%run_scoped3A_94, %dma_start3A_97, %dma_start3A_98] : memref<2x128x128xf32, #tpu.memory_space<vmem>> -> memref<1x128x128xf32, #tpu.memory_space<vmem>>
          %dma_start3A_100 = tpu.memref_squeeze %dma_start3A_99 : memref<1x128x128xf32, #tpu.memory_space<vmem>> -> memref<128x128xf32, #tpu.memory_space<vmem>>
          %dma_start3A_101 = arith.constant 0 : i32
          %dma_start3A_102 = tpu.memref_slice %arg7[%add3A_56, %dma_start3A_101] : memref<16x128xi32, #tpu.memory_space<vmem>> -> memref<1x128xi32, #tpu.memory_space<vmem>>
          %dma_start3A_103 = tpu.memref_squeeze %dma_start3A_102 : memref<1x128xi32, #tpu.memory_space<vmem>> -> memref<128xi32, #tpu.memory_space<vmem>>
          %dma_start3A_104 = arith.constant 0 : i32
          %dma_start3A_105 = arith.constant 0 : i32
          %dma_start3A_106 = tpu.memref_slice %arg9[%dma_start3A_104, %dma_start3A_105] : memref<10112x128xf32, #tpu.memory_space<vmem_shared>> -> memref<10112x128xf32, #tpu.memory_space<vmem_shared>>
          tpu.enqueue_indirect_dma source(%dma_start3A_100 : memref<128x128xf32, #tpu.memory_space<vmem>>) target(%dma_start3A_106 : memref<10112x128xf32, #tpu.memory_space<vmem_shared>>) offsets(%dma_start3A_103 : memref<128xi32, #tpu.memory_space<vmem>>) semaphore(%run_scoped3A_96 : memref<!tpu.dma_semaphore, #tpu.memory_space<semaphore_mem>>) {add = true}
          %dma_wait3A_107 = arith.constant 0 : i32
          %dma_wait3A_108 = arith.constant 0 : i32
          %dma_wait3A_109 = tpu.memref_slice %arg8[%run_scoped3A_94, %dma_wait3A_107, %dma_wait3A_108] : memref<2x128x128xf32, #tpu.memory_space<vmem>> -> memref<1x128x128xf32, #tpu.memory_space<vmem>>
          %dma_wait3A_110 = tpu.memref_squeeze %dma_wait3A_109 : memref<1x128x128xf32, #tpu.memory_space<vmem>> -> memref<128x128xf32, #tpu.memory_space<vmem>>
          %dma_wait3A_111 = arith.constant 0 : i32
          %dma_wait3A_112 = tpu.memref_slice %arg7[%add3A_56, %dma_wait3A_111] : memref<16x128xi32, #tpu.memory_space<vmem>> -> memref<1x128xi32, #tpu.memory_space<vmem>>
          %dma_wait3A_113 = tpu.memref_squeeze %dma_wait3A_112 : memref<1x128xi32, #tpu.memory_space<vmem>> -> memref<128xi32, #tpu.memory_space<vmem>>
          %dma_wait3A_114 = arith.constant 0 : i32
          %dma_wait3A_115 = arith.constant 0 : i32
          %dma_wait3A_116 = tpu.memref_slice %arg9[%dma_wait3A_114, %dma_wait3A_115] : memref<10112x128xf32, #tpu.memory_space<vmem_shared>> -> memref<10112x128xf32, #tpu.memory_space<vmem_shared>>
          tpu.wait_indirect_dma semaphore(%run_scoped3A_96 : memref<!tpu.dma_semaphore, #tpu.memory_space<semaphore_mem>>) src(%dma_wait3A_110 : memref<128x128xf32, #tpu.memory_space<vmem>>) dst(%dma_wait3A_116 : memref<10112x128xf32, #tpu.memory_space<vmem_shared>>)
          tpu.yield
        }) : () -> ()
        %scan3A_95 = arith.constant 0 : i32
        scf.yield %scan3A_95 : i32
      }
      %scan3A_49 = arith.constant 8 : i32
      %scan3A_50 = arith.constant 0 : i32
      scf.yield %scan3A_50 : i32
    }
    %scan3A_24 = arith.constant 5 : i32
    %barrier3A_25 = arith.constant 0 : index
    tpu.barrier barrier_id(%barrier3A_25)
    "tpu.region"() ({
      %run_scoped3A_26 = tpu.sem_alloc : memref<!tpu.dma_semaphore, #tpu.memory_space<semaphore_mem>>
      %dma_start3A = arith.constant 0 : i32
      %dma_start3A_27 = tpu.memref_slice %arg5[%arg0, %mul3A_2, %dma_start3A] : memref<2x10240x128xf32, #tpu.memory_space<hbm>> -> memref<1x632x128xf32, #tpu.memory_space<hbm>>
      %dma_start3A_28 = tpu.memref_squeeze %dma_start3A_27 : memref<1x632x128xf32, #tpu.memory_space<hbm>> -> memref<632x128xf32, #tpu.memory_space<hbm>>
      %dma_start3A_29 = arith.constant 0 : i32
      %dma_start3A_30 = tpu.memref_slice %arg9[%mul3A_2, %dma_start3A_29] : memref<10112x128xf32, #tpu.memory_space<vmem_shared>> -> memref<632x128xf32, #tpu.memory_space<vmem_shared>>
      tpu.enqueue_dma source(%dma_start3A_30 : memref<632x128xf32, #tpu.memory_space<vmem_shared>>) target(%dma_start3A_28 : memref<632x128xf32, #tpu.memory_space<hbm>>) target_semaphore(%run_scoped3A_26 : memref<!tpu.dma_semaphore, #tpu.memory_space<semaphore_mem>>)
      %dma_wait3A = arith.constant 0 : i32
      %dma_wait3A_31 = tpu.memref_slice %arg5[%arg0, %mul3A_2, %dma_wait3A] : memref<2x10240x128xf32, #tpu.memory_space<hbm>> -> memref<1x632x128xf32, #tpu.memory_space<hbm>>
      %dma_wait3A_32 = tpu.memref_squeeze %dma_wait3A_31 : memref<1x632x128xf32, #tpu.memory_space<hbm>> -> memref<632x128xf32, #tpu.memory_space<hbm>>
      %dma_wait3A_33 = arith.constant 0 : i32
      %dma_wait3A_34 = tpu.memref_slice %arg9[%mul3A_2, %dma_wait3A_33] : memref<10112x128xf32, #tpu.memory_space<vmem_shared>> -> memref<632x128xf32, #tpu.memory_space<vmem_shared>>
      tpu.wait_dma2 semaphore(%run_scoped3A_26 : memref<!tpu.dma_semaphore, #tpu.memory_space<semaphore_mem>>) src(%dma_wait3A_34 : memref<632x128xf32, #tpu.memory_space<vmem_shared>>) dst(%dma_wait3A_32 : memref<632x128xf32, #tpu.memory_space<hbm>>)
      tpu.yield
    }) : () -> ()
    return
  }
}

#map = affine_map<(d0, d1) -> (0, 0, 0)>
module attributes {stable_mosaic.version = 14 : i64} {
  func.func @deg_kernel(%arg0: i32, %arg1: i32, %arg2: memref<32x80x128xi32, #tpu.memory_space<hbm>>, %arg3: memref<2x10240x128xf32, #tpu.memory_space<hbm>>, %arg4: memref<16x128xi32, #tpu.memory_space<vmem>>, %arg5: memref<128x128xf32, #tpu.memory_space<vmem>>, %arg6: memref<10112x128xf32, #tpu.memory_space<vmem_shared>>) attributes {dimension_semantics = [#tpu.dimension_semantics<core_parallel>, #tpu.dimension_semantics<subcore_parallel>], iteration_bounds = array<i64: 2, 16>, scalar_prefetch = 0 : i64, scratch_operands = 3 : i64, tpu.core_type = #tpu.core_type<sc_vector_subcore>, window_params = [{transform_indices = #map}, {transform_indices = #map}]} {
    %mul3A = arith.constant 16 : i32
    %mul3A_0 = arith.muli %arg0, %mul3A : i32
    %add3A = arith.addi %mul3A_0, %arg1 : i32
    %mul3A_1 = arith.constant 632 : i32
    %mul3A_2 = arith.muli %arg1, %mul3A_1 : i32
    %scan3A = arith.constant 0 : i32
    %scan3A_3 = arith.constant 0 : i32
    %scan3A_4 = arith.constant 128 : i32
    %scan3A_5 = arith.addi %scan3A_3, %scan3A_4 : i32
    %scan3A_6 = arith.constant 1 : i32
    %scan3A_7 = scf.for %scan3A_33 = %scan3A_3 to %scan3A_5 step %scan3A_6 iter_args(%scan3A_34 = %scan3A) -> (i32)  : i32 {
      %broadcast_in_dim3A = arith.constant 0.000000e+00 : f32
      %broadcast_in_dim3A_35 = vector.broadcast %broadcast_in_dim3A : f32 to vector<16xf32>
      %swap3A = arith.index_cast %scan3A_33 : i32 to index
      %swap3A_36 = arith.constant 0 : index
      %swap3A_37 = tpu.vector_load %arg5[%swap3A, %swap3A_36] {strides = array<i32>} : memref<128x128xf32, #tpu.memory_space<vmem>>, vector<1x16xf32>,
      %swap3A_38 = vector.shape_cast %swap3A_37 : vector<1x16xf32> to vector<16xf32>
      %swap3A_39 = vector.shape_cast %broadcast_in_dim3A_35 : vector<16xf32> to vector<1x16xf32>
      tpu.vector_store %arg5[%swap3A, %swap3A_36], %swap3A_39 {strides = array<i32>} : memref<128x128xf32, #tpu.memory_space<vmem>>, vector<1x16xf32>,
      %broadcast_in_dim3A_40 = arith.constant 0.000000e+00 : f32
      %broadcast_in_dim3A_41 = vector.broadcast %broadcast_in_dim3A_40 : f32 to vector<16xf32>
      %swap3A_42 = arith.index_cast %scan3A_33 : i32 to index
      %swap3A_43 = arith.constant 16 : index
      %swap3A_44 = tpu.vector_load %arg5[%swap3A_42, %swap3A_43] {strides = array<i32>} : memref<128x128xf32, #tpu.memory_space<vmem>>, vector<1x16xf32>,
      %swap3A_45 = vector.shape_cast %swap3A_44 : vector<1x16xf32> to vector<16xf32>
      %swap3A_46 = vector.shape_cast %broadcast_in_dim3A_41 : vector<16xf32> to vector<1x16xf32>
      tpu.vector_store %arg5[%swap3A_42, %swap3A_43], %swap3A_46 {strides = array<i32>} : memref<128x128xf32, #tpu.memory_space<vmem>>, vector<1x16xf32>,
      %broadcast_in_dim3A_47 = arith.constant 0.000000e+00 : f32
      %broadcast_in_dim3A_48 = vector.broadcast %broadcast_in_dim3A_47 : f32 to vector<16xf32>
      %swap3A_49 = arith.index_cast %scan3A_33 : i32 to index
      %swap3A_50 = arith.constant 32 : index
      %swap3A_51 = tpu.vector_load %arg5[%swap3A_49, %swap3A_50] {strides = array<i32>} : memref<128x128xf32, #tpu.memory_space<vmem>>, vector<1x16xf32>,
      %swap3A_52 = vector.shape_cast %swap3A_51 : vector<1x16xf32> to vector<16xf32>
      %swap3A_53 = vector.shape_cast %broadcast_in_dim3A_48 : vector<16xf32> to vector<1x16xf32>
      tpu.vector_store %arg5[%swap3A_49, %swap3A_50], %swap3A_53 {strides = array<i32>} : memref<128x128xf32, #tpu.memory_space<vmem>>, vector<1x16xf32>,
      %broadcast_in_dim3A_54 = arith.constant 0.000000e+00 : f32
      %broadcast_in_dim3A_55 = vector.broadcast %broadcast_in_dim3A_54 : f32 to vector<16xf32>
      %swap3A_56 = arith.index_cast %scan3A_33 : i32 to index
      %swap3A_57 = arith.constant 48 : index
      %swap3A_58 = tpu.vector_load %arg5[%swap3A_56, %swap3A_57] {strides = array<i32>} : memref<128x128xf32, #tpu.memory_space<vmem>>, vector<1x16xf32>,
      %swap3A_59 = vector.shape_cast %swap3A_58 : vector<1x16xf32> to vector<16xf32>
      %swap3A_60 = vector.shape_cast %broadcast_in_dim3A_55 : vector<16xf32> to vector<1x16xf32>
      tpu.vector_store %arg5[%swap3A_56, %swap3A_57], %swap3A_60 {strides = array<i32>} : memref<128x128xf32, #tpu.memory_space<vmem>>, vector<1x16xf32>,
      %broadcast_in_dim3A_61 = arith.constant 0.000000e+00 : f32
      %broadcast_in_dim3A_62 = vector.broadcast %broadcast_in_dim3A_61 : f32 to vector<16xf32>
      %swap3A_63 = arith.index_cast %scan3A_33 : i32 to index
      %swap3A_64 = arith.constant 64 : index
      %swap3A_65 = tpu.vector_load %arg5[%swap3A_63, %swap3A_64] {strides = array<i32>} : memref<128x128xf32, #tpu.memory_space<vmem>>, vector<1x16xf32>,
      %swap3A_66 = vector.shape_cast %swap3A_65 : vector<1x16xf32> to vector<16xf32>
      %swap3A_67 = vector.shape_cast %broadcast_in_dim3A_62 : vector<16xf32> to vector<1x16xf32>
      tpu.vector_store %arg5[%swap3A_63, %swap3A_64], %swap3A_67 {strides = array<i32>} : memref<128x128xf32, #tpu.memory_space<vmem>>, vector<1x16xf32>,
      %broadcast_in_dim3A_68 = arith.constant 0.000000e+00 : f32
      %broadcast_in_dim3A_69 = vector.broadcast %broadcast_in_dim3A_68 : f32 to vector<16xf32>
      %swap3A_70 = arith.index_cast %scan3A_33 : i32 to index
      %swap3A_71 = arith.constant 80 : index
      %swap3A_72 = tpu.vector_load %arg5[%swap3A_70, %swap3A_71] {strides = array<i32>} : memref<128x128xf32, #tpu.memory_space<vmem>>, vector<1x16xf32>,
      %swap3A_73 = vector.shape_cast %swap3A_72 : vector<1x16xf32> to vector<16xf32>
      %swap3A_74 = vector.shape_cast %broadcast_in_dim3A_69 : vector<16xf32> to vector<1x16xf32>
      tpu.vector_store %arg5[%swap3A_70, %swap3A_71], %swap3A_74 {strides = array<i32>} : memref<128x128xf32, #tpu.memory_space<vmem>>, vector<1x16xf32>,
      %broadcast_in_dim3A_75 = arith.constant 0.000000e+00 : f32
      %broadcast_in_dim3A_76 = vector.broadcast %broadcast_in_dim3A_75 : f32 to vector<16xf32>
      %swap3A_77 = arith.index_cast %scan3A_33 : i32 to index
      %swap3A_78 = arith.constant 96 : index
      %swap3A_79 = tpu.vector_load %arg5[%swap3A_77, %swap3A_78] {strides = array<i32>} : memref<128x128xf32, #tpu.memory_space<vmem>>, vector<1x16xf32>,
      %swap3A_80 = vector.shape_cast %swap3A_79 : vector<1x16xf32> to vector<16xf32>
      %swap3A_81 = vector.shape_cast %broadcast_in_dim3A_76 : vector<16xf32> to vector<1x16xf32>
      tpu.vector_store %arg5[%swap3A_77, %swap3A_78], %swap3A_81 {strides = array<i32>} : memref<128x128xf32, #tpu.memory_space<vmem>>, vector<1x16xf32>,
      %broadcast_in_dim3A_82 = arith.constant 0.000000e+00 : f32
      %broadcast_in_dim3A_83 = vector.broadcast %broadcast_in_dim3A_82 : f32 to vector<16xf32>
      %swap3A_84 = arith.index_cast %scan3A_33 : i32 to index
      %swap3A_85 = arith.constant 112 : index
      %swap3A_86 = tpu.vector_load %arg5[%swap3A_84, %swap3A_85] {strides = array<i32>} : memref<128x128xf32, #tpu.memory_space<vmem>>, vector<1x16xf32>,
      %swap3A_87 = vector.shape_cast %swap3A_86 : vector<1x16xf32> to vector<16xf32>
      %swap3A_88 = vector.shape_cast %broadcast_in_dim3A_83 : vector<16xf32> to vector<1x16xf32>
      tpu.vector_store %arg5[%swap3A_84, %swap3A_85], %swap3A_88 {strides = array<i32>} : memref<128x128xf32, #tpu.memory_space<vmem>>, vector<1x16xf32>,
      %scan3A_89 = arith.constant 0 : i32
      scf.yield %scan3A_89 : i32
    }
    %scan3A_8 = arith.constant 128 : i32
    %scan3A_9 = arith.constant 0 : i32
    %scan3A_10 = arith.constant 0 : i32
    %scan3A_11 = arith.constant 4 : i32
    %scan3A_12 = arith.addi %scan3A_10, %scan3A_11 : i32
    %scan3A_13 = arith.constant 1 : i32
    %scan3A_14 = scf.for %scan3A_33 = %scan3A_10 to %scan3A_12 step %scan3A_13 iter_args(%scan3A_34 = %scan3A_9) -> (i32)  : i32 {
      %mul3A_35 = arith.constant 128 : i32
      %mul3A_36 = arith.muli %scan3A_33, %mul3A_35 : i32
      %add3A_37 = arith.addi %mul3A_2, %mul3A_36 : i32
      "tpu.region"() ({
        %run_scoped3A = tpu.sem_alloc : memref<!tpu.dma_semaphore, #tpu.memory_space<semaphore_mem>>
        %dma_start3A = arith.constant 0 : i32
        %dma_start3A_39 = tpu.memref_slice %arg6[%add3A_37, %dma_start3A] : memref<10112x128xf32, #tpu.memory_space<vmem_shared>> -> memref<128x128xf32, #tpu.memory_space<vmem_shared>>
        %dma_start3A_40 = arith.constant 0 : i32
        %dma_start3A_41 = tpu.memref_slice %arg6[%add3A_37, %dma_start3A_40] : memref<10112x128xf32, #tpu.memory_space<vmem_shared>> -> memref<128x128xf32, #tpu.memory_space<vmem_shared>>
        tpu.enqueue_dma source(%arg5 : memref<128x128xf32, #tpu.memory_space<vmem>>) target(%dma_start3A_41 : memref<128x128xf32, #tpu.memory_space<vmem_shared>>) target_semaphore(%run_scoped3A : memref<!tpu.dma_semaphore, #tpu.memory_space<semaphore_mem>>)
        %dma_wait3A = arith.constant 0 : i32
        %dma_wait3A_42 = tpu.memref_slice %arg6[%add3A_37, %dma_wait3A] : memref<10112x128xf32, #tpu.memory_space<vmem_shared>> -> memref<128x128xf32, #tpu.memory_space<vmem_shared>>
        %dma_wait3A_43 = arith.constant 0 : i32
        %dma_wait3A_44 = tpu.memref_slice %arg6[%add3A_37, %dma_wait3A_43] : memref<10112x128xf32, #tpu.memory_space<vmem_shared>> -> memref<128x128xf32, #tpu.memory_space<vmem_shared>>
        tpu.wait_dma2 semaphore(%run_scoped3A : memref<!tpu.dma_semaphore, #tpu.memory_space<semaphore_mem>>) src(%arg5 : memref<128x128xf32, #tpu.memory_space<vmem>>) dst(%dma_wait3A_44 : memref<128x128xf32, #tpu.memory_space<vmem_shared>>)
        tpu.yield
      }) : () -> ()
      %scan3A_38 = arith.constant 0 : i32
      scf.yield %scan3A_38 : i32
    }
    %scan3A_15 = arith.constant 4 : i32
    %add3A_16 = arith.constant 512 : i32
    %add3A_17 = arith.addi %mul3A_2, %add3A_16 : i32
    "tpu.region"() ({
      %run_scoped3A = tpu.sem_alloc : memref<!tpu.dma_semaphore, #tpu.memory_space<semaphore_mem>>
      %dma_start3A = arith.constant 0 : i32
      %dma_start3A_33 = arith.constant 0 : i32
      %dma_start3A_34 = tpu.memref_slice %arg5[%dma_start3A, %dma_start3A_33] : memref<128x128xf32, #tpu.memory_space<vmem>> -> memref<120x128xf32, #tpu.memory_space<vmem>>
      %dma_start3A_35 = arith.constant 0 : i32
      %dma_start3A_36 = tpu.memref_slice %arg6[%add3A_17, %dma_start3A_35] : memref<10112x128xf32, #tpu.memory_space<vmem_shared>> -> memref<120x128xf32, #tpu.memory_space<vmem_shared>>
      %dma_start3A_37 = arith.constant 0 : i32
      %dma_start3A_38 = tpu.memref_slice %arg6[%add3A_17, %dma_start3A_37] : memref<10112x128xf32, #tpu.memory_space<vmem_shared>> -> memref<120x128xf32, #tpu.memory_space<vmem_shared>>
      %dma_start3A_39 = arith.constant 0 : i32
      %dma_start3A_40 = arith.constant 0 : i32
      %dma_start3A_41 = tpu.memref_slice %arg5[%dma_start3A_39, %dma_start3A_40] : memref<128x128xf32, #tpu.memory_space<vmem>> -> memref<120x128xf32, #tpu.memory_space<vmem>>
      tpu.enqueue_dma source(%dma_start3A_41 : memref<120x128xf32, #tpu.memory_space<vmem>>) target(%dma_start3A_38 : memref<120x128xf32, #tpu.memory_space<vmem_shared>>) target_semaphore(%run_scoped3A : memref<!tpu.dma_semaphore, #tpu.memory_space<semaphore_mem>>)
      %dma_wait3A = arith.constant 0 : i32
      %dma_wait3A_42 = arith.constant 0 : i32
      %dma_wait3A_43 = tpu.memref_slice %arg5[%dma_wait3A, %dma_wait3A_42] : memref<128x128xf32, #tpu.memory_space<vmem>> -> memref<120x128xf32, #tpu.memory_space<vmem>>
      %dma_wait3A_44 = arith.constant 0 : i32
      %dma_wait3A_45 = tpu.memref_slice %arg6[%add3A_17, %dma_wait3A_44] : memref<10112x128xf32, #tpu.memory_space<vmem_shared>> -> memref<120x128xf32, #tpu.memory_space<vmem_shared>>
      %dma_wait3A_46 = arith.constant 0 : i32
      %dma_wait3A_47 = tpu.memref_slice %arg6[%add3A_17, %dma_wait3A_46] : memref<10112x128xf32, #tpu.memory_space<vmem_shared>> -> memref<120x128xf32, #tpu.memory_space<vmem_shared>>
      %dma_wait3A_48 = arith.constant 0 : i32
      %dma_wait3A_49 = arith.constant 0 : i32
      %dma_wait3A_50 = tpu.memref_slice %arg5[%dma_wait3A_48, %dma_wait3A_49] : memref<128x128xf32, #tpu.memory_space<vmem>> -> memref<120x128xf32, #tpu.memory_space<vmem>>
      tpu.wait_dma2 semaphore(%run_scoped3A : memref<!tpu.dma_semaphore, #tpu.memory_space<semaphore_mem>>) src(%dma_wait3A_50 : memref<120x128xf32, #tpu.memory_space<vmem>>) dst(%dma_wait3A_47 : memref<120x128xf32, #tpu.memory_space<vmem_shared>>)
      tpu.yield
    }) : () -> ()
    %scan3A_18 = arith.constant 0 : i32
    %scan3A_19 = arith.constant 0 : i32
    %scan3A_20 = arith.constant 128 : i32
    %scan3A_21 = arith.addi %scan3A_19, %scan3A_20 : i32
    %scan3A_22 = arith.constant 1 : i32
    %scan3A_23 = scf.for %scan3A_33 = %scan3A_19 to %scan3A_21 step %scan3A_22 iter_args(%scan3A_34 = %scan3A_18) -> (i32)  : i32 {
      %broadcast_in_dim3A = arith.constant 1.000000e+00 : f32
      %broadcast_in_dim3A_35 = vector.broadcast %broadcast_in_dim3A : f32 to vector<16xf32>
      %swap3A = arith.index_cast %scan3A_33 : i32 to index
      %swap3A_36 = arith.constant 0 : index
      %swap3A_37 = tpu.vector_load %arg5[%swap3A, %swap3A_36] {strides = array<i32>} : memref<128x128xf32, #tpu.memory_space<vmem>>, vector<1x16xf32>,
      %swap3A_38 = vector.shape_cast %swap3A_37 : vector<1x16xf32> to vector<16xf32>
      %swap3A_39 = vector.shape_cast %broadcast_in_dim3A_35 : vector<16xf32> to vector<1x16xf32>
      tpu.vector_store %arg5[%swap3A, %swap3A_36], %swap3A_39 {strides = array<i32>} : memref<128x128xf32, #tpu.memory_space<vmem>>, vector<1x16xf32>,
      %broadcast_in_dim3A_40 = arith.constant 1.000000e+00 : f32
      %broadcast_in_dim3A_41 = vector.broadcast %broadcast_in_dim3A_40 : f32 to vector<16xf32>
      %swap3A_42 = arith.index_cast %scan3A_33 : i32 to index
      %swap3A_43 = arith.constant 16 : index
      %swap3A_44 = tpu.vector_load %arg5[%swap3A_42, %swap3A_43] {strides = array<i32>} : memref<128x128xf32, #tpu.memory_space<vmem>>, vector<1x16xf32>,
      %swap3A_45 = vector.shape_cast %swap3A_44 : vector<1x16xf32> to vector<16xf32>
      %swap3A_46 = vector.shape_cast %broadcast_in_dim3A_41 : vector<16xf32> to vector<1x16xf32>
      tpu.vector_store %arg5[%swap3A_42, %swap3A_43], %swap3A_46 {strides = array<i32>} : memref<128x128xf32, #tpu.memory_space<vmem>>, vector<1x16xf32>,
      %broadcast_in_dim3A_47 = arith.constant 1.000000e+00 : f32
      %broadcast_in_dim3A_48 = vector.broadcast %broadcast_in_dim3A_47 : f32 to vector<16xf32>
      %swap3A_49 = arith.index_cast %scan3A_33 : i32 to index
      %swap3A_50 = arith.constant 32 : index
      %swap3A_51 = tpu.vector_load %arg5[%swap3A_49, %swap3A_50] {strides = array<i32>} : memref<128x128xf32, #tpu.memory_space<vmem>>, vector<1x16xf32>,
      %swap3A_52 = vector.shape_cast %swap3A_51 : vector<1x16xf32> to vector<16xf32>
      %swap3A_53 = vector.shape_cast %broadcast_in_dim3A_48 : vector<16xf32> to vector<1x16xf32>
      tpu.vector_store %arg5[%swap3A_49, %swap3A_50], %swap3A_53 {strides = array<i32>} : memref<128x128xf32, #tpu.memory_space<vmem>>, vector<1x16xf32>,
      %broadcast_in_dim3A_54 = arith.constant 1.000000e+00 : f32
      %broadcast_in_dim3A_55 = vector.broadcast %broadcast_in_dim3A_54 : f32 to vector<16xf32>
      %swap3A_56 = arith.index_cast %scan3A_33 : i32 to index
      %swap3A_57 = arith.constant 48 : index
      %swap3A_58 = tpu.vector_load %arg5[%swap3A_56, %swap3A_57] {strides = array<i32>} : memref<128x128xf32, #tpu.memory_space<vmem>>, vector<1x16xf32>,
      %swap3A_59 = vector.shape_cast %swap3A_58 : vector<1x16xf32> to vector<16xf32>
      %swap3A_60 = vector.shape_cast %broadcast_in_dim3A_55 : vector<16xf32> to vector<1x16xf32>
      tpu.vector_store %arg5[%swap3A_56, %swap3A_57], %swap3A_60 {strides = array<i32>} : memref<128x128xf32, #tpu.memory_space<vmem>>, vector<1x16xf32>,
      %broadcast_in_dim3A_61 = arith.constant 1.000000e+00 : f32
      %broadcast_in_dim3A_62 = vector.broadcast %broadcast_in_dim3A_61 : f32 to vector<16xf32>
      %swap3A_63 = arith.index_cast %scan3A_33 : i32 to index
      %swap3A_64 = arith.constant 64 : index
      %swap3A_65 = tpu.vector_load %arg5[%swap3A_63, %swap3A_64] {strides = array<i32>} : memref<128x128xf32, #tpu.memory_space<vmem>>, vector<1x16xf32>,
      %swap3A_66 = vector.shape_cast %swap3A_65 : vector<1x16xf32> to vector<16xf32>
      %swap3A_67 = vector.shape_cast %broadcast_in_dim3A_62 : vector<16xf32> to vector<1x16xf32>
      tpu.vector_store %arg5[%swap3A_63, %swap3A_64], %swap3A_67 {strides = array<i32>} : memref<128x128xf32, #tpu.memory_space<vmem>>, vector<1x16xf32>,
      %broadcast_in_dim3A_68 = arith.constant 1.000000e+00 : f32
      %broadcast_in_dim3A_69 = vector.broadcast %broadcast_in_dim3A_68 : f32 to vector<16xf32>
      %swap3A_70 = arith.index_cast %scan3A_33 : i32 to index
      %swap3A_71 = arith.constant 80 : index
      %swap3A_72 = tpu.vector_load %arg5[%swap3A_70, %swap3A_71] {strides = array<i32>} : memref<128x128xf32, #tpu.memory_space<vmem>>, vector<1x16xf32>,
      %swap3A_73 = vector.shape_cast %swap3A_72 : vector<1x16xf32> to vector<16xf32>
      %swap3A_74 = vector.shape_cast %broadcast_in_dim3A_69 : vector<16xf32> to vector<1x16xf32>
      tpu.vector_store %arg5[%swap3A_70, %swap3A_71], %swap3A_74 {strides = array<i32>} : memref<128x128xf32, #tpu.memory_space<vmem>>, vector<1x16xf32>,
      %broadcast_in_dim3A_75 = arith.constant 1.000000e+00 : f32
      %broadcast_in_dim3A_76 = vector.broadcast %broadcast_in_dim3A_75 : f32 to vector<16xf32>
      %swap3A_77 = arith.index_cast %scan3A_33 : i32 to index
      %swap3A_78 = arith.constant 96 : index
      %swap3A_79 = tpu.vector_load %arg5[%swap3A_77, %swap3A_78] {strides = array<i32>} : memref<128x128xf32, #tpu.memory_space<vmem>>, vector<1x16xf32>,
      %swap3A_80 = vector.shape_cast %swap3A_79 : vector<1x16xf32> to vector<16xf32>
      %swap3A_81 = vector.shape_cast %broadcast_in_dim3A_76 : vector<16xf32> to vector<1x16xf32>
      tpu.vector_store %arg5[%swap3A_77, %swap3A_78], %swap3A_81 {strides = array<i32>} : memref<128x128xf32, #tpu.memory_space<vmem>>, vector<1x16xf32>,
      %broadcast_in_dim3A_82 = arith.constant 1.000000e+00 : f32
      %broadcast_in_dim3A_83 = vector.broadcast %broadcast_in_dim3A_82 : f32 to vector<16xf32>
      %swap3A_84 = arith.index_cast %scan3A_33 : i32 to index
      %swap3A_85 = arith.constant 112 : index
      %swap3A_86 = tpu.vector_load %arg5[%swap3A_84, %swap3A_85] {strides = array<i32>} : memref<128x128xf32, #tpu.memory_space<vmem>>, vector<1x16xf32>,
      %swap3A_87 = vector.shape_cast %swap3A_86 : vector<1x16xf32> to vector<16xf32>
      %swap3A_88 = vector.shape_cast %broadcast_in_dim3A_83 : vector<16xf32> to vector<1x16xf32>
      tpu.vector_store %arg5[%swap3A_84, %swap3A_85], %swap3A_88 {strides = array<i32>} : memref<128x128xf32, #tpu.memory_space<vmem>>, vector<1x16xf32>,
      %scan3A_89 = arith.constant 0 : i32
      scf.yield %scan3A_89 : i32
    }
    %scan3A_24 = arith.constant 128 : i32
    %barrier3A = arith.constant 0 : index
    tpu.barrier barrier_id(%barrier3A)
    %scan3A_25 = arith.constant 0 : i32
    %scan3A_26 = arith.constant 0 : i32
    %scan3A_27 = arith.constant 5 : i32
    %scan3A_28 = arith.addi %scan3A_26, %scan3A_27 : i32
    %scan3A_29 = arith.constant 1 : i32
    %scan3A_30 = scf.for %scan3A_33 = %scan3A_26 to %scan3A_28 step %scan3A_29 iter_args(%scan3A_34 = %scan3A_25) -> (i32)  : i32 {
      %mul3A_35 = arith.constant 16 : i32
      %mul3A_36 = arith.muli %scan3A_33, %mul3A_35 : i32
      "tpu.region"() ({
        %run_scoped3A = tpu.sem_alloc : memref<!tpu.dma_semaphore, #tpu.memory_space<semaphore_mem>>
        %dma_start3A = arith.constant 0 : i32
        %dma_start3A_45 = tpu.memref_slice %arg2[%add3A, %mul3A_36, %dma_start3A] : memref<32x80x128xi32, #tpu.memory_space<hbm>> -> memref<1x16x128xi32, #tpu.memory_space<hbm>>
        %dma_start3A_46 = tpu.memref_squeeze %dma_start3A_45 : memref<1x16x128xi32, #tpu.memory_space<hbm>> -> memref<16x128xi32, #tpu.memory_space<hbm>>
        %dma_start3A_47 = arith.constant 0 : i32
        %dma_start3A_48 = tpu.memref_slice %arg2[%add3A, %mul3A_36, %dma_start3A_47] : memref<32x80x128xi32, #tpu.memory_space<hbm>> -> memref<1x16x128xi32, #tpu.memory_space<hbm>>
        %dma_start3A_49 = tpu.memref_squeeze %dma_start3A_48 : memref<1x16x128xi32, #tpu.memory_space<hbm>> -> memref<16x128xi32, #tpu.memory_space<hbm>>
        tpu.enqueue_dma source(%dma_start3A_49 : memref<16x128xi32, #tpu.memory_space<hbm>>) target(%arg4 : memref<16x128xi32, #tpu.memory_space<vmem>>) target_semaphore(%run_scoped3A : memref<!tpu.dma_semaphore, #tpu.memory_space<semaphore_mem>>)
        %dma_wait3A = arith.constant 0 : i32
        %dma_wait3A_50 = tpu.memref_slice %arg2[%add3A, %mul3A_36, %dma_wait3A] : memref<32x80x128xi32, #tpu.memory_space<hbm>> -> memref<1x16x128xi32, #tpu.memory_space<hbm>>
        %dma_wait3A_51 = tpu.memref_squeeze %dma_wait3A_50 : memref<1x16x128xi32, #tpu.memory_space<hbm>> -> memref<16x128xi32, #tpu.memory_space<hbm>>
        %dma_wait3A_52 = arith.constant 0 : i32
        %dma_wait3A_53 = tpu.memref_slice %arg2[%add3A, %mul3A_36, %dma_wait3A_52] : memref<32x80x128xi32, #tpu.memory_space<hbm>> -> memref<1x16x128xi32, #tpu.memory_space<hbm>>
        %dma_wait3A_54 = tpu.memref_squeeze %dma_wait3A_53 : memref<1x16x128xi32, #tpu.memory_space<hbm>> -> memref<16x128xi32, #tpu.memory_space<hbm>>
        tpu.wait_dma2 semaphore(%run_scoped3A : memref<!tpu.dma_semaphore, #tpu.memory_space<semaphore_mem>>) src(%dma_wait3A_54 : memref<16x128xi32, #tpu.memory_space<hbm>>) dst(%arg4 : memref<16x128xi32, #tpu.memory_space<vmem>>)
        tpu.yield
      }) : () -> ()
      %scan3A_37 = arith.constant 0 : i32
      %scan3A_38 = arith.constant 0 : i32
      %scan3A_39 = arith.constant 16 : i32
      %scan3A_40 = arith.addi %scan3A_38, %scan3A_39 : i32
      %scan3A_41 = arith.constant 1 : i32
      %scan3A_42 = scf.for %scan3A_45 = %scan3A_38 to %scan3A_40 step %scan3A_41 iter_args(%scan3A_46 = %scan3A_37) -> (i32)  : i32 {
        "tpu.region"() ({
          %run_scoped3A = tpu.sem_alloc : memref<!tpu.dma_semaphore, #tpu.memory_space<semaphore_mem>>
          %dma_start3A = arith.constant 0 : i32
          %dma_start3A_48 = tpu.memref_slice %arg4[%scan3A_45, %dma_start3A] : memref<16x128xi32, #tpu.memory_space<vmem>> -> memref<1x128xi32, #tpu.memory_space<vmem>>
          %dma_start3A_49 = tpu.memref_squeeze %dma_start3A_48 : memref<1x128xi32, #tpu.memory_space<vmem>> -> memref<128xi32, #tpu.memory_space<vmem>>
          %dma_start3A_50 = arith.constant 0 : i32
          %dma_start3A_51 = arith.constant 0 : i32
          %dma_start3A_52 = tpu.memref_slice %arg6[%dma_start3A_50, %dma_start3A_51] : memref<10112x128xf32, #tpu.memory_space<vmem_shared>> -> memref<10112x128xf32, #tpu.memory_space<vmem_shared>>
          tpu.enqueue_indirect_dma source(%arg5 : memref<128x128xf32, #tpu.memory_space<vmem>>) target(%dma_start3A_52 : memref<10112x128xf32, #tpu.memory_space<vmem_shared>>) offsets(%dma_start3A_49 : memref<128xi32, #tpu.memory_space<vmem>>) semaphore(%run_scoped3A : memref<!tpu.dma_semaphore, #tpu.memory_space<semaphore_mem>>) {add = true}
          %dma_wait3A = arith.constant 0 : i32
          %dma_wait3A_53 = tpu.memref_slice %arg4[%scan3A_45, %dma_wait3A] : memref<16x128xi32, #tpu.memory_space<vmem>> -> memref<1x128xi32, #tpu.memory_space<vmem>>
          %dma_wait3A_54 = tpu.memref_squeeze %dma_wait3A_53 : memref<1x128xi32, #tpu.memory_space<vmem>> -> memref<128xi32, #tpu.memory_space<vmem>>
          %dma_wait3A_55 = arith.constant 0 : i32
          %dma_wait3A_56 = arith.constant 0 : i32
          %dma_wait3A_57 = tpu.memref_slice %arg6[%dma_wait3A_55, %dma_wait3A_56] : memref<10112x128xf32, #tpu.memory_space<vmem_shared>> -> memref<10112x128xf32, #tpu.memory_space<vmem_shared>>
          tpu.wait_indirect_dma semaphore(%run_scoped3A : memref<!tpu.dma_semaphore, #tpu.memory_space<semaphore_mem>>) src(%arg5 : memref<128x128xf32, #tpu.memory_space<vmem>>) dst(%dma_wait3A_57 : memref<10112x128xf32, #tpu.memory_space<vmem_shared>>)
          tpu.yield
        }) : () -> ()
        %scan3A_47 = arith.constant 0 : i32
        scf.yield %scan3A_47 : i32
      }
      %scan3A_43 = arith.constant 16 : i32
      %scan3A_44 = arith.constant 0 : i32
      scf.yield %scan3A_44 : i32
    }
    %scan3A_31 = arith.constant 5 : i32
    %barrier3A_32 = arith.constant 0 : index
    tpu.barrier barrier_id(%barrier3A_32)
    "tpu.region"() ({
      %run_scoped3A = tpu.sem_alloc : memref<!tpu.dma_semaphore, #tpu.memory_space<semaphore_mem>>
      %dma_start3A = arith.constant 0 : i32
      %dma_start3A_33 = tpu.memref_slice %arg3[%arg0, %mul3A_2, %dma_start3A] : memref<2x10240x128xf32, #tpu.memory_space<hbm>> -> memref<1x632x128xf32, #tpu.memory_space<hbm>>
      %dma_start3A_34 = tpu.memref_squeeze %dma_start3A_33 : memref<1x632x128xf32, #tpu.memory_space<hbm>> -> memref<632x128xf32, #tpu.memory_space<hbm>>
      %dma_start3A_35 = arith.constant 0 : i32
      %dma_start3A_36 = tpu.memref_slice %arg6[%mul3A_2, %dma_start3A_35] : memref<10112x128xf32, #tpu.memory_space<vmem_shared>> -> memref<632x128xf32, #tpu.memory_space<vmem_shared>>
      tpu.enqueue_dma source(%dma_start3A_36 : memref<632x128xf32, #tpu.memory_space<vmem_shared>>) target(%dma_start3A_34 : memref<632x128xf32, #tpu.memory_space<hbm>>) target_semaphore(%run_scoped3A : memref<!tpu.dma_semaphore, #tpu.memory_space<semaphore_mem>>)
      %dma_wait3A = arith.constant 0 : i32
      %dma_wait3A_37 = tpu.memref_slice %arg3[%arg0, %mul3A_2, %dma_wait3A] : memref<2x10240x128xf32, #tpu.memory_space<hbm>> -> memref<1x632x128xf32, #tpu.memory_space<hbm>>
      %dma_wait3A_38 = tpu.memref_squeeze %dma_wait3A_37 : memref<1x632x128xf32, #tpu.memory_space<hbm>> -> memref<632x128xf32, #tpu.memory_space<hbm>>
      %dma_wait3A_39 = arith.constant 0 : i32
      %dma_wait3A_40 = tpu.memref_slice %arg6[%mul3A_2, %dma_wait3A_39] : memref<10112x128xf32, #tpu.memory_space<vmem_shared>> -> memref<632x128xf32, #tpu.memory_space<vmem_shared>>
      tpu.wait_dma2 semaphore(%run_scoped3A : memref<!tpu.dma_semaphore, #tpu.memory_space<semaphore_mem>>) src(%dma_wait3A_40 : memref<632x128xf32, #tpu.memory_space<vmem_shared>>) dst(%dma_wait3A_38 : memref<632x128xf32, #tpu.memory_space<hbm>>)
      tpu.yield
    }) : () -> ()
    return
  }
}

#map = affine_map<(d0, d1) -> (0, 0)>
#map1 = affine_map<(d0, d1) -> (0, 0, 0)>
module attributes {stable_mosaic.version = 14 : i64} {
  func.func @agg_kernel(%arg0: i32, %arg1: i32, %arg2: memref<10240x128xf32, #tpu.memory_space<hbm>>, %arg3: memref<32x80x128xi32, #tpu.memory_space<hbm>>, %arg4: memref<32x80x128xi32, #tpu.memory_space<hbm>>, %arg5: memref<2x10240x128xf32, #tpu.memory_space<hbm>>, %arg6: memref<16x128xi32, #tpu.memory_space<vmem>>, %arg7: memref<16x128xi32, #tpu.memory_space<vmem>>, %arg8: memref<2x128x128xf32, #tpu.memory_space<vmem>>, %arg9: memref<10112x128xf32, #tpu.memory_space<vmem_shared>>, %arg10: memref<!tpu.dma_semaphore, #tpu.memory_space<semaphore_mem>>, %arg11: memref<!tpu.dma_semaphore, #tpu.memory_space<semaphore_mem>>) attributes {dimension_semantics = [#tpu.dimension_semantics<core_parallel>, #tpu.dimension_semantics<subcore_parallel>], iteration_bounds = array<i64: 2, 16>, scalar_prefetch = 0 : i64, scratch_operands = 6 : i64, tpu.core_type = #tpu.core_type<sc_vector_subcore>, window_params = [{transform_indices = #map}, {transform_indices = #map1}, {transform_indices = #map1}, {transform_indices = #map1}]} {
    %mul3A = arith.constant 16 : i32
    %mul3A_0 = arith.muli %arg0, %mul3A : i32
    %add3A = arith.addi %mul3A_0, %arg1 : i32
    %mul3A_1 = arith.constant 632 : i32
    %mul3A_2 = arith.muli %arg1, %mul3A_1 : i32
    %scan3A = arith.constant 0 : i32
    %scan3A_3 = arith.constant 0 : i32
    %scan3A_4 = arith.constant 128 : i32
    %scan3A_5 = arith.addi %scan3A_3, %scan3A_4 : i32
    %scan3A_6 = arith.constant 1 : i32
    %scan3A_7 = scf.for %scan3A_26 = %scan3A_3 to %scan3A_5 step %scan3A_6 iter_args(%scan3A_27 = %scan3A) -> (i32)  : i32 {
      %broadcast_in_dim3A = arith.constant 0.000000e+00 : f32
      %broadcast_in_dim3A_28 = vector.broadcast %broadcast_in_dim3A : f32 to vector<16xf32>
      %swap3A = arith.constant 0 : i32
      %swap3A_29 = arith.index_cast %swap3A : i32 to index
      %swap3A_30 = arith.index_cast %scan3A_26 : i32 to index
      %swap3A_31 = arith.constant 0 : index
      %swap3A_32 = tpu.vector_load %arg8[%swap3A_29, %swap3A_30, %swap3A_31] {strides = array<i32>} : memref<2x128x128xf32, #tpu.memory_space<vmem>>, vector<1x1x16xf32>,
      %swap3A_33 = vector.shape_cast %swap3A_32 : vector<1x1x16xf32> to vector<16xf32>
      %swap3A_34 = vector.shape_cast %broadcast_in_dim3A_28 : vector<16xf32> to vector<1x1x16xf32>
      tpu.vector_store %arg8[%swap3A_29, %swap3A_30, %swap3A_31], %swap3A_34 {strides = array<i32>} : memref<2x128x128xf32, #tpu.memory_space<vmem>>, vector<1x1x16xf32>,
      %broadcast_in_dim3A_35 = arith.constant 0.000000e+00 : f32
      %broadcast_in_dim3A_36 = vector.broadcast %broadcast_in_dim3A_35 : f32 to vector<16xf32>
      %swap3A_37 = arith.constant 0 : i32
      %swap3A_38 = arith.index_cast %swap3A_37 : i32 to index
      %swap3A_39 = arith.index_cast %scan3A_26 : i32 to index
      %swap3A_40 = arith.constant 16 : index
      %swap3A_41 = tpu.vector_load %arg8[%swap3A_38, %swap3A_39, %swap3A_40] {strides = array<i32>} : memref<2x128x128xf32, #tpu.memory_space<vmem>>, vector<1x1x16xf32>,
      %swap3A_42 = vector.shape_cast %swap3A_41 : vector<1x1x16xf32> to vector<16xf32>
      %swap3A_43 = vector.shape_cast %broadcast_in_dim3A_36 : vector<16xf32> to vector<1x1x16xf32>
      tpu.vector_store %arg8[%swap3A_38, %swap3A_39, %swap3A_40], %swap3A_43 {strides = array<i32>} : memref<2x128x128xf32, #tpu.memory_space<vmem>>, vector<1x1x16xf32>,
      %broadcast_in_dim3A_44 = arith.constant 0.000000e+00 : f32
      %broadcast_in_dim3A_45 = vector.broadcast %broadcast_in_dim3A_44 : f32 to vector<16xf32>
      %swap3A_46 = arith.constant 0 : i32
      %swap3A_47 = arith.index_cast %swap3A_46 : i32 to index
      %swap3A_48 = arith.index_cast %scan3A_26 : i32 to index
      %swap3A_49 = arith.constant 32 : index
      %swap3A_50 = tpu.vector_load %arg8[%swap3A_47, %swap3A_48, %swap3A_49] {strides = array<i32>} : memref<2x128x128xf32, #tpu.memory_space<vmem>>, vector<1x1x16xf32>,
      %swap3A_51 = vector.shape_cast %swap3A_50 : vector<1x1x16xf32> to vector<16xf32>
      %swap3A_52 = vector.shape_cast %broadcast_in_dim3A_45 : vector<16xf32> to vector<1x1x16xf32>
      tpu.vector_store %arg8[%swap3A_47, %swap3A_48, %swap3A_49], %swap3A_52 {strides = array<i32>} : memref<2x128x128xf32, #tpu.memory_space<vmem>>, vector<1x1x16xf32>,
      %broadcast_in_dim3A_53 = arith.constant 0.000000e+00 : f32
      %broadcast_in_dim3A_54 = vector.broadcast %broadcast_in_dim3A_53 : f32 to vector<16xf32>
      %swap3A_55 = arith.constant 0 : i32
      %swap3A_56 = arith.index_cast %swap3A_55 : i32 to index
      %swap3A_57 = arith.index_cast %scan3A_26 : i32 to index
      %swap3A_58 = arith.constant 48 : index
      %swap3A_59 = tpu.vector_load %arg8[%swap3A_56, %swap3A_57, %swap3A_58] {strides = array<i32>} : memref<2x128x128xf32, #tpu.memory_space<vmem>>, vector<1x1x16xf32>,
      %swap3A_60 = vector.shape_cast %swap3A_59 : vector<1x1x16xf32> to vector<16xf32>
      %swap3A_61 = vector.shape_cast %broadcast_in_dim3A_54 : vector<16xf32> to vector<1x1x16xf32>
      tpu.vector_store %arg8[%swap3A_56, %swap3A_57, %swap3A_58], %swap3A_61 {strides = array<i32>} : memref<2x128x128xf32, #tpu.memory_space<vmem>>, vector<1x1x16xf32>,
      %broadcast_in_dim3A_62 = arith.constant 0.000000e+00 : f32
      %broadcast_in_dim3A_63 = vector.broadcast %broadcast_in_dim3A_62 : f32 to vector<16xf32>
      %swap3A_64 = arith.constant 0 : i32
      %swap3A_65 = arith.index_cast %swap3A_64 : i32 to index
      %swap3A_66 = arith.index_cast %scan3A_26 : i32 to index
      %swap3A_67 = arith.constant 64 : index
      %swap3A_68 = tpu.vector_load %arg8[%swap3A_65, %swap3A_66, %swap3A_67] {strides = array<i32>} : memref<2x128x128xf32, #tpu.memory_space<vmem>>, vector<1x1x16xf32>,
      %swap3A_69 = vector.shape_cast %swap3A_68 : vector<1x1x16xf32> to vector<16xf32>
      %swap3A_70 = vector.shape_cast %broadcast_in_dim3A_63 : vector<16xf32> to vector<1x1x16xf32>
      tpu.vector_store %arg8[%swap3A_65, %swap3A_66, %swap3A_67], %swap3A_70 {strides = array<i32>} : memref<2x128x128xf32, #tpu.memory_space<vmem>>, vector<1x1x16xf32>,
      %broadcast_in_dim3A_71 = arith.constant 0.000000e+00 : f32
      %broadcast_in_dim3A_72 = vector.broadcast %broadcast_in_dim3A_71 : f32 to vector<16xf32>
      %swap3A_73 = arith.constant 0 : i32
      %swap3A_74 = arith.index_cast %swap3A_73 : i32 to index
      %swap3A_75 = arith.index_cast %scan3A_26 : i32 to index
      %swap3A_76 = arith.constant 80 : index
      %swap3A_77 = tpu.vector_load %arg8[%swap3A_74, %swap3A_75, %swap3A_76] {strides = array<i32>} : memref<2x128x128xf32, #tpu.memory_space<vmem>>, vector<1x1x16xf32>,
      %swap3A_78 = vector.shape_cast %swap3A_77 : vector<1x1x16xf32> to vector<16xf32>
      %swap3A_79 = vector.shape_cast %broadcast_in_dim3A_72 : vector<16xf32> to vector<1x1x16xf32>
      tpu.vector_store %arg8[%swap3A_74, %swap3A_75, %swap3A_76], %swap3A_79 {strides = array<i32>} : memref<2x128x128xf32, #tpu.memory_space<vmem>>, vector<1x1x16xf32>,
      %broadcast_in_dim3A_80 = arith.constant 0.000000e+00 : f32
      %broadcast_in_dim3A_81 = vector.broadcast %broadcast_in_dim3A_80 : f32 to vector<16xf32>
      %swap3A_82 = arith.constant 0 : i32
      %swap3A_83 = arith.index_cast %swap3A_82 : i32 to index
      %swap3A_84 = arith.index_cast %scan3A_26 : i32 to index
      %swap3A_85 = arith.constant 96 : index
      %swap3A_86 = tpu.vector_load %arg8[%swap3A_83, %swap3A_84, %swap3A_85] {strides = array<i32>} : memref<2x128x128xf32, #tpu.memory_space<vmem>>, vector<1x1x16xf32>,
      %swap3A_87 = vector.shape_cast %swap3A_86 : vector<1x1x16xf32> to vector<16xf32>
      %swap3A_88 = vector.shape_cast %broadcast_in_dim3A_81 : vector<16xf32> to vector<1x1x16xf32>
      tpu.vector_store %arg8[%swap3A_83, %swap3A_84, %swap3A_85], %swap3A_88 {strides = array<i32>} : memref<2x128x128xf32, #tpu.memory_space<vmem>>, vector<1x1x16xf32>,
      %broadcast_in_dim3A_89 = arith.constant 0.000000e+00 : f32
      %broadcast_in_dim3A_90 = vector.broadcast %broadcast_in_dim3A_89 : f32 to vector<16xf32>
      %swap3A_91 = arith.constant 0 : i32
      %swap3A_92 = arith.index_cast %swap3A_91 : i32 to index
      %swap3A_93 = arith.index_cast %scan3A_26 : i32 to index
      %swap3A_94 = arith.constant 112 : index
      %swap3A_95 = tpu.vector_load %arg8[%swap3A_92, %swap3A_93, %swap3A_94] {strides = array<i32>} : memref<2x128x128xf32, #tpu.memory_space<vmem>>, vector<1x1x16xf32>,
      %swap3A_96 = vector.shape_cast %swap3A_95 : vector<1x1x16xf32> to vector<16xf32>
      %swap3A_97 = vector.shape_cast %broadcast_in_dim3A_90 : vector<16xf32> to vector<1x1x16xf32>
      tpu.vector_store %arg8[%swap3A_92, %swap3A_93, %swap3A_94], %swap3A_97 {strides = array<i32>} : memref<2x128x128xf32, #tpu.memory_space<vmem>>, vector<1x1x16xf32>,
      %scan3A_98 = arith.constant 0 : i32
      scf.yield %scan3A_98 : i32
    }
    %scan3A_8 = arith.constant 128 : i32
    %scan3A_9 = arith.constant 0 : i32
    %scan3A_10 = arith.constant 0 : i32
    %scan3A_11 = arith.constant 4 : i32
    %scan3A_12 = arith.addi %scan3A_10, %scan3A_11 : i32
    %scan3A_13 = arith.constant 1 : i32
    %scan3A_14 = scf.for %scan3A_26 = %scan3A_10 to %scan3A_12 step %scan3A_13 iter_args(%scan3A_27 = %scan3A_9) -> (i32)  : i32 {
      %mul3A_28 = arith.constant 128 : i32
      %mul3A_29 = arith.muli %scan3A_26, %mul3A_28 : i32
      %add3A_30 = arith.addi %mul3A_2, %mul3A_29 : i32
      %run_scoped3A_31 = arith.constant 0 : i32
      "tpu.region"() ({
        %run_scoped3A_33 = tpu.sem_alloc : memref<!tpu.dma_semaphore, #tpu.memory_space<semaphore_mem>>
        %dma_start3A = arith.constant 0 : i32
        %dma_start3A_34 = arith.constant 0 : i32
        %dma_start3A_35 = tpu.memref_slice %arg8[%run_scoped3A_31, %dma_start3A, %dma_start3A_34] : memref<2x128x128xf32, #tpu.memory_space<vmem>> -> memref<1x128x128xf32, #tpu.memory_space<vmem>>
        %dma_start3A_36 = tpu.memref_squeeze %dma_start3A_35 : memref<1x128x128xf32, #tpu.memory_space<vmem>> -> memref<128x128xf32, #tpu.memory_space<vmem>>
        %dma_start3A_37 = arith.constant 0 : i32
        %dma_start3A_38 = tpu.memref_slice %arg9[%add3A_30, %dma_start3A_37] : memref<10112x128xf32, #tpu.memory_space<vmem_shared>> -> memref<128x128xf32, #tpu.memory_space<vmem_shared>>
        %dma_start3A_39 = arith.constant 0 : i32
        %dma_start3A_40 = tpu.memref_slice %arg9[%add3A_30, %dma_start3A_39] : memref<10112x128xf32, #tpu.memory_space<vmem_shared>> -> memref<128x128xf32, #tpu.memory_space<vmem_shared>>
        %dma_start3A_41 = arith.constant 0 : i32
        %dma_start3A_42 = arith.constant 0 : i32
        %dma_start3A_43 = tpu.memref_slice %arg8[%run_scoped3A_31, %dma_start3A_41, %dma_start3A_42] : memref<2x128x128xf32, #tpu.memory_space<vmem>> -> memref<1x128x128xf32, #tpu.memory_space<vmem>>
        %dma_start3A_44 = tpu.memref_squeeze %dma_start3A_43 : memref<1x128x128xf32, #tpu.memory_space<vmem>> -> memref<128x128xf32, #tpu.memory_space<vmem>>
        tpu.enqueue_dma source(%dma_start3A_44 : memref<128x128xf32, #tpu.memory_space<vmem>>) target(%dma_start3A_40 : memref<128x128xf32, #tpu.memory_space<vmem_shared>>) target_semaphore(%run_scoped3A_33 : memref<!tpu.dma_semaphore, #tpu.memory_space<semaphore_mem>>)
        %dma_wait3A = arith.constant 0 : i32
        %dma_wait3A_45 = arith.constant 0 : i32
        %dma_wait3A_46 = tpu.memref_slice %arg8[%run_scoped3A_31, %dma_wait3A, %dma_wait3A_45] : memref<2x128x128xf32, #tpu.memory_space<vmem>> -> memref<1x128x128xf32, #tpu.memory_space<vmem>>
        %dma_wait3A_47 = tpu.memref_squeeze %dma_wait3A_46 : memref<1x128x128xf32, #tpu.memory_space<vmem>> -> memref<128x128xf32, #tpu.memory_space<vmem>>
        %dma_wait3A_48 = arith.constant 0 : i32
        %dma_wait3A_49 = tpu.memref_slice %arg9[%add3A_30, %dma_wait3A_48] : memref<10112x128xf32, #tpu.memory_space<vmem_shared>> -> memref<128x128xf32, #tpu.memory_space<vmem_shared>>
        %dma_wait3A_50 = arith.constant 0 : i32
        %dma_wait3A_51 = tpu.memref_slice %arg9[%add3A_30, %dma_wait3A_50] : memref<10112x128xf32, #tpu.memory_space<vmem_shared>> -> memref<128x128xf32, #tpu.memory_space<vmem_shared>>
        %dma_wait3A_52 = arith.constant 0 : i32
        %dma_wait3A_53 = arith.constant 0 : i32
        %dma_wait3A_54 = tpu.memref_slice %arg8[%run_scoped3A_31, %dma_wait3A_52, %dma_wait3A_53] : memref<2x128x128xf32, #tpu.memory_space<vmem>> -> memref<1x128x128xf32, #tpu.memory_space<vmem>>
        %dma_wait3A_55 = tpu.memref_squeeze %dma_wait3A_54 : memref<1x128x128xf32, #tpu.memory_space<vmem>> -> memref<128x128xf32, #tpu.memory_space<vmem>>
        tpu.wait_dma2 semaphore(%run_scoped3A_33 : memref<!tpu.dma_semaphore, #tpu.memory_space<semaphore_mem>>) src(%dma_wait3A_55 : memref<128x128xf32, #tpu.memory_space<vmem>>) dst(%dma_wait3A_51 : memref<128x128xf32, #tpu.memory_space<vmem_shared>>)
        tpu.yield
      }) : () -> ()
      %scan3A_32 = arith.constant 0 : i32
      scf.yield %scan3A_32 : i32
    }
    %scan3A_15 = arith.constant 4 : i32
    %add3A_16 = arith.constant 512 : i32
    %add3A_17 = arith.addi %mul3A_2, %add3A_16 : i32
    %run_scoped3A = arith.constant 0 : i32
    "tpu.region"() ({
      %run_scoped3A_26 = tpu.sem_alloc : memref<!tpu.dma_semaphore, #tpu.memory_space<semaphore_mem>>
      %dma_start3A = arith.constant 0 : i32
      %dma_start3A_27 = arith.constant 0 : i32
      %dma_start3A_28 = tpu.memref_slice %arg8[%run_scoped3A, %dma_start3A, %dma_start3A_27] : memref<2x128x128xf32, #tpu.memory_space<vmem>> -> memref<1x120x128xf32, #tpu.memory_space<vmem>>
      %dma_start3A_29 = tpu.memref_squeeze %dma_start3A_28 : memref<1x120x128xf32, #tpu.memory_space<vmem>> -> memref<120x128xf32, #tpu.memory_space<vmem>>
      %dma_start3A_30 = arith.constant 0 : i32
      %dma_start3A_31 = tpu.memref_slice %arg9[%add3A_17, %dma_start3A_30] : memref<10112x128xf32, #tpu.memory_space<vmem_shared>> -> memref<120x128xf32, #tpu.memory_space<vmem_shared>>
      %dma_start3A_32 = arith.constant 0 : i32
      %dma_start3A_33 = tpu.memref_slice %arg9[%add3A_17, %dma_start3A_32] : memref<10112x128xf32, #tpu.memory_space<vmem_shared>> -> memref<120x128xf32, #tpu.memory_space<vmem_shared>>
      %dma_start3A_34 = arith.constant 0 : i32
      %dma_start3A_35 = arith.constant 0 : i32
      %dma_start3A_36 = tpu.memref_slice %arg8[%run_scoped3A, %dma_start3A_34, %dma_start3A_35] : memref<2x128x128xf32, #tpu.memory_space<vmem>> -> memref<1x120x128xf32, #tpu.memory_space<vmem>>
      %dma_start3A_37 = tpu.memref_squeeze %dma_start3A_36 : memref<1x120x128xf32, #tpu.memory_space<vmem>> -> memref<120x128xf32, #tpu.memory_space<vmem>>
      tpu.enqueue_dma source(%dma_start3A_37 : memref<120x128xf32, #tpu.memory_space<vmem>>) target(%dma_start3A_33 : memref<120x128xf32, #tpu.memory_space<vmem_shared>>) target_semaphore(%run_scoped3A_26 : memref<!tpu.dma_semaphore, #tpu.memory_space<semaphore_mem>>)
      %dma_wait3A = arith.constant 0 : i32
      %dma_wait3A_38 = arith.constant 0 : i32
      %dma_wait3A_39 = tpu.memref_slice %arg8[%run_scoped3A, %dma_wait3A, %dma_wait3A_38] : memref<2x128x128xf32, #tpu.memory_space<vmem>> -> memref<1x120x128xf32, #tpu.memory_space<vmem>>
      %dma_wait3A_40 = tpu.memref_squeeze %dma_wait3A_39 : memref<1x120x128xf32, #tpu.memory_space<vmem>> -> memref<120x128xf32, #tpu.memory_space<vmem>>
      %dma_wait3A_41 = arith.constant 0 : i32
      %dma_wait3A_42 = tpu.memref_slice %arg9[%add3A_17, %dma_wait3A_41] : memref<10112x128xf32, #tpu.memory_space<vmem_shared>> -> memref<120x128xf32, #tpu.memory_space<vmem_shared>>
      %dma_wait3A_43 = arith.constant 0 : i32
      %dma_wait3A_44 = tpu.memref_slice %arg9[%add3A_17, %dma_wait3A_43] : memref<10112x128xf32, #tpu.memory_space<vmem_shared>> -> memref<120x128xf32, #tpu.memory_space<vmem_shared>>
      %dma_wait3A_45 = arith.constant 0 : i32
      %dma_wait3A_46 = arith.constant 0 : i32
      %dma_wait3A_47 = tpu.memref_slice %arg8[%run_scoped3A, %dma_wait3A_45, %dma_wait3A_46] : memref<2x128x128xf32, #tpu.memory_space<vmem>> -> memref<1x120x128xf32, #tpu.memory_space<vmem>>
      %dma_wait3A_48 = tpu.memref_squeeze %dma_wait3A_47 : memref<1x120x128xf32, #tpu.memory_space<vmem>> -> memref<120x128xf32, #tpu.memory_space<vmem>>
      tpu.wait_dma2 semaphore(%run_scoped3A_26 : memref<!tpu.dma_semaphore, #tpu.memory_space<semaphore_mem>>) src(%dma_wait3A_48 : memref<120x128xf32, #tpu.memory_space<vmem>>) dst(%dma_wait3A_44 : memref<120x128xf32, #tpu.memory_space<vmem_shared>>)
      tpu.yield
    }) : () -> ()
    %barrier3A = arith.constant 0 : index
    tpu.barrier barrier_id(%barrier3A)
    %scan3A_18 = arith.constant 0 : i32
    %scan3A_19 = arith.constant 0 : i32
    %scan3A_20 = arith.constant 5 : i32
    %scan3A_21 = arith.addi %scan3A_19, %scan3A_20 : i32
    %scan3A_22 = arith.constant 1 : i32
    %scan3A_23 = scf.for %scan3A_26 = %scan3A_19 to %scan3A_21 step %scan3A_22 iter_args(%scan3A_27 = %scan3A_18) -> (i32)  : i32 {
      %mul3A_28 = arith.constant 16 : i32
      %mul3A_29 = arith.muli %scan3A_26, %mul3A_28 : i32
      "tpu.region"() ({
        %run_scoped3A_51 = tpu.sem_alloc : memref<!tpu.dma_semaphore, #tpu.memory_space<semaphore_mem>>
        %dma_start3A_52 = arith.constant 0 : i32
        %dma_start3A_53 = tpu.memref_slice %arg3[%add3A, %mul3A_29, %dma_start3A_52] : memref<32x80x128xi32, #tpu.memory_space<hbm>> -> memref<1x16x128xi32, #tpu.memory_space<hbm>>
        %dma_start3A_54 = tpu.memref_squeeze %dma_start3A_53 : memref<1x16x128xi32, #tpu.memory_space<hbm>> -> memref<16x128xi32, #tpu.memory_space<hbm>>
        %dma_start3A_55 = arith.constant 0 : i32
        %dma_start3A_56 = tpu.memref_slice %arg3[%add3A, %mul3A_29, %dma_start3A_55] : memref<32x80x128xi32, #tpu.memory_space<hbm>> -> memref<1x16x128xi32, #tpu.memory_space<hbm>>
        %dma_start3A_57 = tpu.memref_squeeze %dma_start3A_56 : memref<1x16x128xi32, #tpu.memory_space<hbm>> -> memref<16x128xi32, #tpu.memory_space<hbm>>
        tpu.enqueue_dma source(%dma_start3A_57 : memref<16x128xi32, #tpu.memory_space<hbm>>) target(%arg6 : memref<16x128xi32, #tpu.memory_space<vmem>>) target_semaphore(%run_scoped3A_51 : memref<!tpu.dma_semaphore, #tpu.memory_space<semaphore_mem>>)
        %dma_wait3A = arith.constant 0 : i32
        %dma_wait3A_58 = tpu.memref_slice %arg3[%add3A, %mul3A_29, %dma_wait3A] : memref<32x80x128xi32, #tpu.memory_space<hbm>> -> memref<1x16x128xi32, #tpu.memory_space<hbm>>
        %dma_wait3A_59 = tpu.memref_squeeze %dma_wait3A_58 : memref<1x16x128xi32, #tpu.memory_space<hbm>> -> memref<16x128xi32, #tpu.memory_space<hbm>>
        %dma_wait3A_60 = arith.constant 0 : i32
        %dma_wait3A_61 = tpu.memref_slice %arg3[%add3A, %mul3A_29, %dma_wait3A_60] : memref<32x80x128xi32, #tpu.memory_space<hbm>> -> memref<1x16x128xi32, #tpu.memory_space<hbm>>
        %dma_wait3A_62 = tpu.memref_squeeze %dma_wait3A_61 : memref<1x16x128xi32, #tpu.memory_space<hbm>> -> memref<16x128xi32, #tpu.memory_space<hbm>>
        tpu.wait_dma2 semaphore(%run_scoped3A_51 : memref<!tpu.dma_semaphore, #tpu.memory_space<semaphore_mem>>) src(%dma_wait3A_62 : memref<16x128xi32, #tpu.memory_space<hbm>>) dst(%arg6 : memref<16x128xi32, #tpu.memory_space<vmem>>)
        tpu.yield
      }) : () -> ()
      %mul3A_30 = arith.constant 16 : i32
      %mul3A_31 = arith.muli %scan3A_26, %mul3A_30 : i32
      "tpu.region"() ({
        %run_scoped3A_51 = tpu.sem_alloc : memref<!tpu.dma_semaphore, #tpu.memory_space<semaphore_mem>>
        %dma_start3A_52 = arith.constant 0 : i32
        %dma_start3A_53 = tpu.memref_slice %arg4[%add3A, %mul3A_31, %dma_start3A_52] : memref<32x80x128xi32, #tpu.memory_space<hbm>> -> memref<1x16x128xi32, #tpu.memory_space<hbm>>
        %dma_start3A_54 = tpu.memref_squeeze %dma_start3A_53 : memref<1x16x128xi32, #tpu.memory_space<hbm>> -> memref<16x128xi32, #tpu.memory_space<hbm>>
        %dma_start3A_55 = arith.constant 0 : i32
        %dma_start3A_56 = tpu.memref_slice %arg4[%add3A, %mul3A_31, %dma_start3A_55] : memref<32x80x128xi32, #tpu.memory_space<hbm>> -> memref<1x16x128xi32, #tpu.memory_space<hbm>>
        %dma_start3A_57 = tpu.memref_squeeze %dma_start3A_56 : memref<1x16x128xi32, #tpu.memory_space<hbm>> -> memref<16x128xi32, #tpu.memory_space<hbm>>
        tpu.enqueue_dma source(%dma_start3A_57 : memref<16x128xi32, #tpu.memory_space<hbm>>) target(%arg7 : memref<16x128xi32, #tpu.memory_space<vmem>>) target_semaphore(%run_scoped3A_51 : memref<!tpu.dma_semaphore, #tpu.memory_space<semaphore_mem>>)
        %dma_wait3A = arith.constant 0 : i32
        %dma_wait3A_58 = tpu.memref_slice %arg4[%add3A, %mul3A_31, %dma_wait3A] : memref<32x80x128xi32, #tpu.memory_space<hbm>> -> memref<1x16x128xi32, #tpu.memory_space<hbm>>
        %dma_wait3A_59 = tpu.memref_squeeze %dma_wait3A_58 : memref<1x16x128xi32, #tpu.memory_space<hbm>> -> memref<16x128xi32, #tpu.memory_space<hbm>>
        %dma_wait3A_60 = arith.constant 0 : i32
        %dma_wait3A_61 = tpu.memref_slice %arg4[%add3A, %mul3A_31, %dma_wait3A_60] : memref<32x80x128xi32, #tpu.memory_space<hbm>> -> memref<1x16x128xi32, #tpu.memory_space<hbm>>
        %dma_wait3A_62 = tpu.memref_squeeze %dma_wait3A_61 : memref<1x16x128xi32, #tpu.memory_space<hbm>> -> memref<16x128xi32, #tpu.memory_space<hbm>>
        tpu.wait_dma2 semaphore(%run_scoped3A_51 : memref<!tpu.dma_semaphore, #tpu.memory_space<semaphore_mem>>) src(%dma_wait3A_62 : memref<16x128xi32, #tpu.memory_space<hbm>>) dst(%arg7 : memref<16x128xi32, #tpu.memory_space<vmem>>)
        tpu.yield
      }) : () -> ()
      %dma_start3A = arith.constant 0 : i32
      %dma_start3A_32 = arith.constant 0 : i32
      %dma_start3A_33 = arith.constant 0 : i32
      %dma_start3A_34 = arith.constant 0 : i32
      %dma_start3A_35 = tpu.memref_slice %arg8[%dma_start3A_32, %dma_start3A_33, %dma_start3A_34] : memref<2x128x128xf32, #tpu.memory_space<vmem>> -> memref<1x128x128xf32, #tpu.memory_space<vmem>>
      %dma_start3A_36 = tpu.memref_squeeze %dma_start3A_35 : memref<1x128x128xf32, #tpu.memory_space<vmem>> -> memref<128x128xf32, #tpu.memory_space<vmem>>
      %dma_start3A_37 = arith.constant 0 : i32
      %dma_start3A_38 = tpu.memref_slice %arg6[%dma_start3A, %dma_start3A_37] : memref<16x128xi32, #tpu.memory_space<vmem>> -> memref<1x128xi32, #tpu.memory_space<vmem>>
      %dma_start3A_39 = tpu.memref_squeeze %dma_start3A_38 : memref<1x128xi32, #tpu.memory_space<vmem>> -> memref<128xi32, #tpu.memory_space<vmem>>
      %dma_start3A_40 = arith.constant 0 : i32
      %dma_start3A_41 = arith.constant 0 : i32
      %dma_start3A_42 = tpu.memref_slice %arg2[%dma_start3A_40, %dma_start3A_41] : memref<10240x128xf32, #tpu.memory_space<hbm>> -> memref<10240x128xf32, #tpu.memory_space<hbm>>
      tpu.enqueue_indirect_dma source(%dma_start3A_42 : memref<10240x128xf32, #tpu.memory_space<hbm>>) target(%dma_start3A_36 : memref<128x128xf32, #tpu.memory_space<vmem>>) offsets(%dma_start3A_39 : memref<128xi32, #tpu.memory_space<vmem>>) semaphore(%arg10 : memref<!tpu.dma_semaphore, #tpu.memory_space<semaphore_mem>>)
      %scan3A_43 = arith.constant 0 : i32
      %scan3A_44 = arith.constant 0 : i32
      %scan3A_45 = arith.constant 8 : i32
      %scan3A_46 = arith.addi %scan3A_44, %scan3A_45 : i32
      %scan3A_47 = arith.constant 1 : i32
      %scan3A_48 = scf.for %scan3A_51 = %scan3A_44 to %scan3A_46 step %scan3A_47 iter_args(%scan3A_52 = %scan3A_43) -> (i32)  : i32 {
        %mul3A_53 = arith.constant 2 : i32
        %mul3A_54 = arith.muli %mul3A_53, %scan3A_51 : i32
        %add3A_55 = arith.constant 1 : i32
        %add3A_56 = arith.addi %mul3A_54, %add3A_55 : i32
        %dma_start3A_57 = arith.constant 1 : i32
        %dma_start3A_58 = arith.constant 0 : i32
        %dma_start3A_59 = arith.constant 0 : i32
        %dma_start3A_60 = tpu.memref_slice %arg8[%dma_start3A_57, %dma_start3A_58, %dma_start3A_59] : memref<2x128x128xf32, #tpu.memory_space<vmem>> -> memref<1x128x128xf32, #tpu.memory_space<vmem>>
        %dma_start3A_61 = tpu.memref_squeeze %dma_start3A_60 : memref<1x128x128xf32, #tpu.memory_space<vmem>> -> memref<128x128xf32, #tpu.memory_space<vmem>>
        %dma_start3A_62 = arith.constant 0 : i32
        %dma_start3A_63 = tpu.memref_slice %arg6[%add3A_56, %dma_start3A_62] : memref<16x128xi32, #tpu.memory_space<vmem>> -> memref<1x128xi32, #tpu.memory_space<vmem>>
        %dma_start3A_64 = tpu.memref_squeeze %dma_start3A_63 : memref<1x128xi32, #tpu.memory_space<vmem>> -> memref<128xi32, #tpu.memory_space<vmem>>
        %dma_start3A_65 = arith.constant 0 : i32
        %dma_start3A_66 = arith.constant 0 : i32
        %dma_start3A_67 = tpu.memref_slice %arg2[%dma_start3A_65, %dma_start3A_66] : memref<10240x128xf32, #tpu.memory_space<hbm>> -> memref<10240x128xf32, #tpu.memory_space<hbm>>
        tpu.enqueue_indirect_dma source(%dma_start3A_67 : memref<10240x128xf32, #tpu.memory_space<hbm>>) target(%dma_start3A_61 : memref<128x128xf32, #tpu.memory_space<vmem>>) offsets(%dma_start3A_64 : memref<128xi32, #tpu.memory_space<vmem>>) semaphore(%arg11 : memref<!tpu.dma_semaphore, #tpu.memory_space<semaphore_mem>>)
        %dma_wait3A = arith.constant 0 : i32
        %dma_wait3A_68 = arith.constant 0 : i32
        %dma_wait3A_69 = arith.constant 0 : i32
        %dma_wait3A_70 = tpu.memref_slice %arg8[%dma_wait3A, %dma_wait3A_68, %dma_wait3A_69] : memref<2x128x128xf32, #tpu.memory_space<vmem>> -> memref<1x128x128xf32, #tpu.memory_space<vmem>>
        %dma_wait3A_71 = tpu.memref_squeeze %dma_wait3A_70 : memref<1x128x128xf32, #tpu.memory_space<vmem>> -> memref<128x128xf32, #tpu.memory_space<vmem>>
        %dma_wait3A_72 = arith.constant 0 : i32
        %dma_wait3A_73 = tpu.memref_slice %arg6[%mul3A_54, %dma_wait3A_72] : memref<16x128xi32, #tpu.memory_space<vmem>> -> memref<1x128xi32, #tpu.memory_space<vmem>>
        %dma_wait3A_74 = tpu.memref_squeeze %dma_wait3A_73 : memref<1x128xi32, #tpu.memory_space<vmem>> -> memref<128xi32, #tpu.memory_space<vmem>>
        %dma_wait3A_75 = arith.constant 0 : i32
        %dma_wait3A_76 = arith.constant 0 : i32
        %dma_wait3A_77 = tpu.memref_slice %arg2[%dma_wait3A_75, %dma_wait3A_76] : memref<10240x128xf32, #tpu.memory_space<hbm>> -> memref<10240x128xf32, #tpu.memory_space<hbm>>
        tpu.wait_indirect_dma semaphore(%arg10 : memref<!tpu.dma_semaphore, #tpu.memory_space<semaphore_mem>>) src(%dma_wait3A_77 : memref<10240x128xf32, #tpu.memory_space<hbm>>) dst(%dma_wait3A_71 : memref<128x128xf32, #tpu.memory_space<vmem>>)
        %run_scoped3A_78 = arith.constant 0 : i32
        "tpu.region"() ({
          %run_scoped3A_96 = tpu.sem_alloc : memref<!tpu.dma_semaphore, #tpu.memory_space<semaphore_mem>>
          %dma_start3A_97 = arith.constant 0 : i32
          %dma_start3A_98 = arith.constant 0 : i32
          %dma_start3A_99 = tpu.memref_slice %arg8[%run_scoped3A_78, %dma_start3A_97, %dma_start3A_98] : memref<2x128x128xf32, #tpu.memory_space<vmem>> -> memref<1x128x128xf32, #tpu.memory_space<vmem>>
          %dma_start3A_100 = tpu.memref_squeeze %dma_start3A_99 : memref<1x128x128xf32, #tpu.memory_space<vmem>> -> memref<128x128xf32, #tpu.memory_space<vmem>>
          %dma_start3A_101 = arith.constant 0 : i32
          %dma_start3A_102 = tpu.memref_slice %arg7[%mul3A_54, %dma_start3A_101] : memref<16x128xi32, #tpu.memory_space<vmem>> -> memref<1x128xi32, #tpu.memory_space<vmem>>
          %dma_start3A_103 = tpu.memref_squeeze %dma_start3A_102 : memref<1x128xi32, #tpu.memory_space<vmem>> -> memref<128xi32, #tpu.memory_space<vmem>>
          %dma_start3A_104 = arith.constant 0 : i32
          %dma_start3A_105 = arith.constant 0 : i32
          %dma_start3A_106 = tpu.memref_slice %arg9[%dma_start3A_104, %dma_start3A_105] : memref<10112x128xf32, #tpu.memory_space<vmem_shared>> -> memref<10112x128xf32, #tpu.memory_space<vmem_shared>>
          tpu.enqueue_indirect_dma source(%dma_start3A_100 : memref<128x128xf32, #tpu.memory_space<vmem>>) target(%dma_start3A_106 : memref<10112x128xf32, #tpu.memory_space<vmem_shared>>) offsets(%dma_start3A_103 : memref<128xi32, #tpu.memory_space<vmem>>) semaphore(%run_scoped3A_96 : memref<!tpu.dma_semaphore, #tpu.memory_space<semaphore_mem>>) {add = true}
          %dma_wait3A_107 = arith.constant 0 : i32
          %dma_wait3A_108 = arith.constant 0 : i32
          %dma_wait3A_109 = tpu.memref_slice %arg8[%run_scoped3A_78, %dma_wait3A_107, %dma_wait3A_108] : memref<2x128x128xf32, #tpu.memory_space<vmem>> -> memref<1x128x128xf32, #tpu.memory_space<vmem>>
          %dma_wait3A_110 = tpu.memref_squeeze %dma_wait3A_109 : memref<1x128x128xf32, #tpu.memory_space<vmem>> -> memref<128x128xf32, #tpu.memory_space<vmem>>
          %dma_wait3A_111 = arith.constant 0 : i32
          %dma_wait3A_112 = tpu.memref_slice %arg7[%mul3A_54, %dma_wait3A_111] : memref<16x128xi32, #tpu.memory_space<vmem>> -> memref<1x128xi32, #tpu.memory_space<vmem>>
          %dma_wait3A_113 = tpu.memref_squeeze %dma_wait3A_112 : memref<1x128xi32, #tpu.memory_space<vmem>> -> memref<128xi32, #tpu.memory_space<vmem>>
          %dma_wait3A_114 = arith.constant 0 : i32
          %dma_wait3A_115 = arith.constant 0 : i32
          %dma_wait3A_116 = tpu.memref_slice %arg9[%dma_wait3A_114, %dma_wait3A_115] : memref<10112x128xf32, #tpu.memory_space<vmem_shared>> -> memref<10112x128xf32, #tpu.memory_space<vmem_shared>>
          tpu.wait_indirect_dma semaphore(%run_scoped3A_96 : memref<!tpu.dma_semaphore, #tpu.memory_space<semaphore_mem>>) src(%dma_wait3A_110 : memref<128x128xf32, #tpu.memory_space<vmem>>) dst(%dma_wait3A_116 : memref<10112x128xf32, #tpu.memory_space<vmem_shared>>)
          tpu.yield
        }) : () -> ()
        %add3A_79 = arith.constant 1 : i32
        %add3A_80 = arith.addi %scan3A_51, %add3A_79 : i32
        %lt3A = arith.constant 8 : i32
        %lt3A_81 = arith.cmpi slt, %add3A_80, %lt3A : i32
        %convert_element_type3A = arith.extui %lt3A_81 : i1 to i32
        %cond3A = arith.constant 0 : i32
        %cond3A_82 = arith.cmpi ne, %convert_element_type3A, %cond3A : i32
        scf.if %cond3A_82 {
          %add3A_96 = arith.constant 2 : i32
          %add3A_97 = arith.addi %mul3A_54, %add3A_96 : i32
          %dma_start3A_98 = arith.constant 0 : i32
          %dma_start3A_99 = arith.constant 0 : i32
          %dma_start3A_100 = arith.constant 0 : i32
          %dma_start3A_101 = tpu.memref_slice %arg8[%dma_start3A_98, %dma_start3A_99, %dma_start3A_100] : memref<2x128x128xf32, #tpu.memory_space<vmem>> -> memref<1x128x128xf32, #tpu.memory_space<vmem>>
          %dma_start3A_102 = tpu.memref_squeeze %dma_start3A_101 : memref<1x128x128xf32, #tpu.memory_space<vmem>> -> memref<128x128xf32, #tpu.memory_space<vmem>>
          %dma_start3A_103 = arith.constant 0 : i32
          %dma_start3A_104 = tpu.memref_slice %arg6[%add3A_97, %dma_start3A_103] : memref<16x128xi32, #tpu.memory_space<vmem>> -> memref<1x128xi32, #tpu.memory_space<vmem>>
          %dma_start3A_105 = tpu.memref_squeeze %dma_start3A_104 : memref<1x128xi32, #tpu.memory_space<vmem>> -> memref<128xi32, #tpu.memory_space<vmem>>
          %dma_start3A_106 = arith.constant 0 : i32
          %dma_start3A_107 = arith.constant 0 : i32
          %dma_start3A_108 = tpu.memref_slice %arg2[%dma_start3A_106, %dma_start3A_107] : memref<10240x128xf32, #tpu.memory_space<hbm>> -> memref<10240x128xf32, #tpu.memory_space<hbm>>
          tpu.enqueue_indirect_dma source(%dma_start3A_108 : memref<10240x128xf32, #tpu.memory_space<hbm>>) target(%dma_start3A_102 : memref<128x128xf32, #tpu.memory_space<vmem>>) offsets(%dma_start3A_105 : memref<128xi32, #tpu.memory_space<vmem>>) semaphore(%arg10 : memref<!tpu.dma_semaphore, #tpu.memory_space<semaphore_mem>>)
        } else {
        }
        %dma_wait3A_83 = arith.constant 1 : i32
        %dma_wait3A_84 = arith.constant 0 : i32
        %dma_wait3A_85 = arith.constant 0 : i32
        %dma_wait3A_86 = tpu.memref_slice %arg8[%dma_wait3A_83, %dma_wait3A_84, %dma_wait3A_85] : memref<2x128x128xf32, #tpu.memory_space<vmem>> -> memref<1x128x128xf32, #tpu.memory_space<vmem>>
        %dma_wait3A_87 = tpu.memref_squeeze %dma_wait3A_86 : memref<1x128x128xf32, #tpu.memory_space<vmem>> -> memref<128x128xf32, #tpu.memory_space<vmem>>
        %dma_wait3A_88 = arith.constant 0 : i32
        %dma_wait3A_89 = tpu.memref_slice %arg6[%add3A_56, %dma_wait3A_88] : memref<16x128xi32, #tpu.memory_space<vmem>> -> memref<1x128xi32, #tpu.memory_space<vmem>>
        %dma_wait3A_90 = tpu.memref_squeeze %dma_wait3A_89 : memref<1x128xi32, #tpu.memory_space<vmem>> -> memref<128xi32, #tpu.memory_space<vmem>>
        %dma_wait3A_91 = arith.constant 0 : i32
        %dma_wait3A_92 = arith.constant 0 : i32
        %dma_wait3A_93 = tpu.memref_slice %arg2[%dma_wait3A_91, %dma_wait3A_92] : memref<10240x128xf32, #tpu.memory_space<hbm>> -> memref<10240x128xf32, #tpu.memory_space<hbm>>
        tpu.wait_indirect_dma semaphore(%arg11 : memref<!tpu.dma_semaphore, #tpu.memory_space<semaphore_mem>>) src(%dma_wait3A_93 : memref<10240x128xf32, #tpu.memory_space<hbm>>) dst(%dma_wait3A_87 : memref<128x128xf32, #tpu.memory_space<vmem>>)
        %run_scoped3A_94 = arith.constant 1 : i32
        "tpu.region"() ({
          %run_scoped3A_96 = tpu.sem_alloc : memref<!tpu.dma_semaphore, #tpu.memory_space<semaphore_mem>>
          %dma_start3A_97 = arith.constant 0 : i32
          %dma_start3A_98 = arith.constant 0 : i32
          %dma_start3A_99 = tpu.memref_slice %arg8[%run_scoped3A_94, %dma_start3A_97, %dma_start3A_98] : memref<2x128x128xf32, #tpu.memory_space<vmem>> -> memref<1x128x128xf32, #tpu.memory_space<vmem>>
          %dma_start3A_100 = tpu.memref_squeeze %dma_start3A_99 : memref<1x128x128xf32, #tpu.memory_space<vmem>> -> memref<128x128xf32, #tpu.memory_space<vmem>>
          %dma_start3A_101 = arith.constant 0 : i32
          %dma_start3A_102 = tpu.memref_slice %arg7[%add3A_56, %dma_start3A_101] : memref<16x128xi32, #tpu.memory_space<vmem>> -> memref<1x128xi32, #tpu.memory_space<vmem>>
          %dma_start3A_103 = tpu.memref_squeeze %dma_start3A_102 : memref<1x128xi32, #tpu.memory_space<vmem>> -> memref<128xi32, #tpu.memory_space<vmem>>
          %dma_start3A_104 = arith.constant 0 : i32
          %dma_start3A_105 = arith.constant 0 : i32
          %dma_start3A_106 = tpu.memref_slice %arg9[%dma_start3A_104, %dma_start3A_105] : memref<10112x128xf32, #tpu.memory_space<vmem_shared>> -> memref<10112x128xf32, #tpu.memory_space<vmem_shared>>
          tpu.enqueue_indirect_dma source(%dma_start3A_100 : memref<128x128xf32, #tpu.memory_space<vmem>>) target(%dma_start3A_106 : memref<10112x128xf32, #tpu.memory_space<vmem_shared>>) offsets(%dma_start3A_103 : memref<128xi32, #tpu.memory_space<vmem>>) semaphore(%run_scoped3A_96 : memref<!tpu.dma_semaphore, #tpu.memory_space<semaphore_mem>>) {add = true}
          %dma_wait3A_107 = arith.constant 0 : i32
          %dma_wait3A_108 = arith.constant 0 : i32
          %dma_wait3A_109 = tpu.memref_slice %arg8[%run_scoped3A_94, %dma_wait3A_107, %dma_wait3A_108] : memref<2x128x128xf32, #tpu.memory_space<vmem>> -> memref<1x128x128xf32, #tpu.memory_space<vmem>>
          %dma_wait3A_110 = tpu.memref_squeeze %dma_wait3A_109 : memref<1x128x128xf32, #tpu.memory_space<vmem>> -> memref<128x128xf32, #tpu.memory_space<vmem>>
          %dma_wait3A_111 = arith.constant 0 : i32
          %dma_wait3A_112 = tpu.memref_slice %arg7[%add3A_56, %dma_wait3A_111] : memref<16x128xi32, #tpu.memory_space<vmem>> -> memref<1x128xi32, #tpu.memory_space<vmem>>
          %dma_wait3A_113 = tpu.memref_squeeze %dma_wait3A_112 : memref<1x128xi32, #tpu.memory_space<vmem>> -> memref<128xi32, #tpu.memory_space<vmem>>
          %dma_wait3A_114 = arith.constant 0 : i32
          %dma_wait3A_115 = arith.constant 0 : i32
          %dma_wait3A_116 = tpu.memref_slice %arg9[%dma_wait3A_114, %dma_wait3A_115] : memref<10112x128xf32, #tpu.memory_space<vmem_shared>> -> memref<10112x128xf32, #tpu.memory_space<vmem_shared>>
          tpu.wait_indirect_dma semaphore(%run_scoped3A_96 : memref<!tpu.dma_semaphore, #tpu.memory_space<semaphore_mem>>) src(%dma_wait3A_110 : memref<128x128xf32, #tpu.memory_space<vmem>>) dst(%dma_wait3A_116 : memref<10112x128xf32, #tpu.memory_space<vmem_shared>>)
          tpu.yield
        }) : () -> ()
        %scan3A_95 = arith.constant 0 : i32
        scf.yield %scan3A_95 : i32
      }
      %scan3A_49 = arith.constant 8 : i32
      %scan3A_50 = arith.constant 0 : i32
      scf.yield %scan3A_50 : i32
    }
    %scan3A_24 = arith.constant 5 : i32
    %barrier3A_25 = arith.constant 0 : index
    tpu.barrier barrier_id(%barrier3A_25)
    "tpu.region"() ({
      %run_scoped3A_26 = tpu.sem_alloc : memref<!tpu.dma_semaphore, #tpu.memory_space<semaphore_mem>>
      %dma_start3A = arith.constant 0 : i32
      %dma_start3A_27 = tpu.memref_slice %arg5[%arg0, %mul3A_2, %dma_start3A] : memref<2x10240x128xf32, #tpu.memory_space<hbm>> -> memref<1x632x128xf32, #tpu.memory_space<hbm>>
      %dma_start3A_28 = tpu.memref_squeeze %dma_start3A_27 : memref<1x632x128xf32, #tpu.memory_space<hbm>> -> memref<632x128xf32, #tpu.memory_space<hbm>>
      %dma_start3A_29 = arith.constant 0 : i32
      %dma_start3A_30 = tpu.memref_slice %arg9[%mul3A_2, %dma_start3A_29] : memref<10112x128xf32, #tpu.memory_space<vmem_shared>> -> memref<632x128xf32, #tpu.memory_space<vmem_shared>>
      tpu.enqueue_dma source(%dma_start3A_30 : memref<632x128xf32, #tpu.memory_space<vmem_shared>>) target(%dma_start3A_28 : memref<632x128xf32, #tpu.memory_space<hbm>>) target_semaphore(%run_scoped3A_26 : memref<!tpu.dma_semaphore, #tpu.memory_space<semaphore_mem>>)
      %dma_wait3A = arith.constant 0 : i32
      %dma_wait3A_31 = tpu.memref_slice %arg5[%arg0, %mul3A_2, %dma_wait3A] : memref<2x10240x128xf32, #tpu.memory_space<hbm>> -> memref<1x632x128xf32, #tpu.memory_space<hbm>>
      %dma_wait3A_32 = tpu.memref_squeeze %dma_wait3A_31 : memref<1x632x128xf32, #tpu.memory_space<hbm>> -> memref<632x128xf32, #tpu.memory_space<hbm>>
      %dma_wait3A_33 = arith.constant 0 : i32
      %dma_wait3A_34 = tpu.memref_slice %arg9[%mul3A_2, %dma_wait3A_33] : memref<10112x128xf32, #tpu.memory_space<vmem_shared>> -> memref<632x128xf32, #tpu.memory_space<vmem_shared>>
      tpu.wait_dma2 semaphore(%run_scoped3A_26 : memref<!tpu.dma_semaphore, #tpu.memory_space<semaphore_mem>>) src(%dma_wait3A_34 : memref<632x128xf32, #tpu.memory_space<vmem_shared>>) dst(%dma_wait3A_32 : memref<632x128xf32, #tpu.memory_space<hbm>>)
      tpu.yield
    }) : () -> ()
    return
  }
}

module attributes {stable_mosaic.version = 14 : i64} {
  func.func @_tc_pre(%arg0: i32, %arg1: memref<1024x128xf32, #tpu.memory_space<vmem>>, %arg2: memref<128x128xf32, #tpu.memory_space<vmem>>, %arg3: memref<2x1024x128xf32, #tpu.memory_space<vmem>>, %arg4: memref<1024x128xf32, #tpu.memory_space<vmem>>) attributes {dimension_semantics = [#tpu.dimension_semantics<arbitrary>], iteration_bounds = array<i64: 10>, scalar_prefetch = 0 : i64, scratch_operands = 0 : i64, tpu.core_type = #tpu.core_type<tc>, window_params = [{transform_indices = @transform_0, window_bounds = array<i64: 1024, 128>}, {pipeline_mode = #tpu.pipeline_mode<synchronous>, transform_indices = @transform_1, window_bounds = array<i64: 128, 128>}, {transform_indices = @transform_2, window_bounds = array<i64: 2, 1024, 128>}, {transform_indices = @transform_3, window_bounds = array<i64: 1024, 128>}]} {
    %get3A = arith.constant 0 : index
    %get3A_0 = arith.constant 0 : index
    %get3A_1 = arith.constant 0 : index
    %get3A_2 = vector.load %arg3[%get3A, %get3A_0, %get3A_1] : memref<2x1024x128xf32, #tpu.memory_space<vmem>>, vector<2x1024x128xf32>
    %slice3A = vector.extract_strided_slice %get3A_2 {offsets = [0, 0, 0], sizes = [1, 1024, 128], strides = [1, 1, 1]} : vector<2x1024x128xf32> to vector<1x1024x128xf32>
    %squeeze3A = vector.shape_cast %slice3A : vector<1x1024x128xf32> to vector<1024x128xf32>
    %slice3A_3 = vector.extract_strided_slice %get3A_2 {offsets = [1, 0, 0], sizes = [1, 1024, 128], strides = [1, 1, 1]} : vector<2x1024x128xf32> to vector<1x1024x128xf32>
    %squeeze3A_4 = vector.shape_cast %slice3A_3 : vector<1x1024x128xf32> to vector<1024x128xf32>
    %add3A = arith.addf %squeeze3A, %squeeze3A_4 : vector<1024x128xf32>
    %add3A_5 = arith.constant 1.000000e+00 : f32
    %add3A_6 = vector.broadcast %add3A_5 : f32 to vector<1024x128xf32>
    %add3A_7 = arith.addf %add3A, %add3A_6 : vector<1024x128xf32>
    %max3A = arith.constant 1.000000e+00 : f32
    %max3A_8 = vector.broadcast %max3A : f32 to vector<1024x128xf32>
    %max3A_9 = arith.maximumf %add3A_7, %max3A_8 : vector<1024x128xf32>
    %rsqrt3A = math.rsqrt %max3A_9 : vector<1024x128xf32>
    %slice3A_10 = vector.extract_strided_slice %rsqrt3A {offsets = [0, 0], sizes = [1024, 1], strides = [1, 1]} : vector<1024x128xf32> to vector<1024x1xf32>
    %get3A_11 = arith.constant 0 : index
    %get3A_12 = arith.constant 0 : index
    %get3A_13 = vector.load %arg1[%get3A_11, %get3A_12] : memref<1024x128xf32, #tpu.memory_space<vmem>>, vector<1024x128xf32>
    %get3A_14 = arith.constant 0 : index
    %get3A_15 = arith.constant 0 : index
    %get3A_16 = vector.load %arg2[%get3A_14, %get3A_15] : memref<128x128xf32, #tpu.memory_space<vmem>>, vector<128x128xf32>
    %dot_general3A = arith.constant dense<0.000000e+00> : vector<1024x128xf32>
    %dot_general3A_17 = tpu.matmul %get3A_13, %get3A_16, %dot_general3A {dimension_numbers = #tpu.dot_dimension_numbers<[1], [0], [0], [1], [0, 0, 1, 1], [], []>, transpose_lhs_hint = false} : vector<1024x128xf32>, vector<128x128xf32>, vector<1024x128xf32> -> vector<1024x128xf32>
    %mul3A = vector.broadcast %slice3A_10 : vector<1024x1xf32> to vector<1024x128xf32>
    %mul3A_18 = arith.mulf %dot_general3A_17, %mul3A : vector<1024x128xf32>
    %swap3A = arith.constant 0 : index
    %swap3A_19 = arith.constant 0 : index
    %swap3A_20 = vector.load %arg4[%swap3A, %swap3A_19] : memref<1024x128xf32, #tpu.memory_space<vmem>>, vector<1024x128xf32>
    tpu.vector_store %arg4[%swap3A, %swap3A_19], %mul3A_18 {strides = array<i32>} : memref<1024x128xf32, #tpu.memory_space<vmem>>, vector<1024x128xf32>,
    return
  }
  func.func @transform_0(%arg0: i32) -> (i32, i32) {
    %c0_i32 = arith.constant 0 : i32
    %c0_i32_0 = arith.constant 0 : i32
    return %arg0, %c0_i32 : i32, i32
  }
  func.func @transform_1(%arg0: i32) -> (i32, i32) {
    %c0_i32 = arith.constant 0 : i32
    %c0_i32_0 = arith.constant 0 : i32
    %c0_i32_1 = arith.constant 0 : i32
    return %c0_i32, %c0_i32_0 : i32, i32
  }
  func.func @transform_2(%arg0: i32) -> (i32, i32, i32) {
    %c0_i32 = arith.constant 0 : i32
    %c0_i32_0 = arith.constant 0 : i32
    %c0_i32_1 = arith.constant 0 : i32
    return %c0_i32, %arg0, %c0_i32_0 : i32, i32, i32
  }
  func.func @transform_3(%arg0: i32) -> (i32, i32) {
    %c0_i32 = arith.constant 0 : i32
    %c0_i32_0 = arith.constant 0 : i32
    return %arg0, %c0_i32 : i32, i32
  }
}

module attributes {stable_mosaic.version = 14 : i64} {
  func.func @_tc_mid(%arg0: i32, %arg1: memref<1xf32, #tpu.memory_space<smem>>, %arg2: memref<2x1024x128xf32, #tpu.memory_space<vmem>>, %arg3: memref<1024x128xf32, #tpu.memory_space<vmem>>, %arg4: memref<2x1024x128xf32, #tpu.memory_space<vmem>>, %arg5: memref<1x128xf32, #tpu.memory_space<vmem>>, %arg6: memref<1024x128xf32, #tpu.memory_space<vmem>>, %arg7: memref<128x128xf32, #tpu.memory_space<vmem>>, %arg8: memref<1024x128xf32, #tpu.memory_space<vmem>>) attributes {dimension_semantics = [#tpu.dimension_semantics<arbitrary>], iteration_bounds = array<i64: 10>, scalar_prefetch = 0 : i64, scratch_operands = 0 : i64, tpu.core_type = #tpu.core_type<tc>, window_params = [{transform_indices = @transform_0, window_bounds = array<i64: 1>}, {transform_indices = @transform_1, window_bounds = array<i64: 2, 1024, 128>}, {transform_indices = @transform_2, window_bounds = array<i64: 1024, 128>}, {transform_indices = @transform_3, window_bounds = array<i64: 2, 1024, 128>}, {pipeline_mode = #tpu.pipeline_mode<synchronous>, transform_indices = @transform_4, window_bounds = array<i64: 1, 128>}, {transform_indices = @transform_5, window_bounds = array<i64: 1024, 128>}, {pipeline_mode = #tpu.pipeline_mode<synchronous>, transform_indices = @transform_6, window_bounds = array<i64: 128, 128>}, {transform_indices = @transform_7, window_bounds = array<i64: 1024, 128>}]} {
    %get3A = arith.constant 0 : index
    %get3A_0 = arith.constant 0 : index
    %get3A_1 = arith.constant 0 : index
    %get3A_2 = vector.load %arg4[%get3A, %get3A_0, %get3A_1] : memref<2x1024x128xf32, #tpu.memory_space<vmem>>, vector<2x1024x128xf32>
    %slice3A = vector.extract_strided_slice %get3A_2 {offsets = [0, 0, 0], sizes = [1, 1024, 128], strides = [1, 1, 1]} : vector<2x1024x128xf32> to vector<1x1024x128xf32>
    %squeeze3A = vector.shape_cast %slice3A : vector<1x1024x128xf32> to vector<1024x128xf32>
    %slice3A_3 = vector.extract_strided_slice %get3A_2 {offsets = [1, 0, 0], sizes = [1, 1024, 128], strides = [1, 1, 1]} : vector<2x1024x128xf32> to vector<1x1024x128xf32>
    %squeeze3A_4 = vector.shape_cast %slice3A_3 : vector<1x1024x128xf32> to vector<1024x128xf32>
    %add3A = arith.addf %squeeze3A, %squeeze3A_4 : vector<1024x128xf32>
    %add3A_5 = arith.constant 1.000000e+00 : f32
    %add3A_6 = vector.broadcast %add3A_5 : f32 to vector<1024x128xf32>
    %add3A_7 = arith.addf %add3A, %add3A_6 : vector<1024x128xf32>
    %max3A = arith.constant 1.000000e+00 : f32
    %max3A_8 = vector.broadcast %max3A : f32 to vector<1024x128xf32>
    %max3A_9 = arith.maximumf %add3A_7, %max3A_8 : vector<1024x128xf32>
    %rsqrt3A = math.rsqrt %max3A_9 : vector<1024x128xf32>
    %slice3A_10 = vector.extract_strided_slice %rsqrt3A {offsets = [0, 0], sizes = [1024, 1], strides = [1, 1]} : vector<1024x128xf32> to vector<1024x1xf32>
    %get3A_11 = arith.constant 0 : index
    %get3A_12 = arith.constant 0 : index
    %get3A_13 = arith.constant 0 : index
    %get3A_14 = vector.load %arg2[%get3A_11, %get3A_12, %get3A_13] : memref<2x1024x128xf32, #tpu.memory_space<vmem>>, vector<1x1024x128xf32>
    %get3A_15 = vector.shape_cast %get3A_14 : vector<1x1024x128xf32> to vector<1024x128xf32>
    %get3A_16 = arith.constant 1 : index
    %get3A_17 = arith.constant 0 : index
    %get3A_18 = arith.constant 0 : index
    %get3A_19 = vector.load %arg2[%get3A_16, %get3A_17, %get3A_18] : memref<2x1024x128xf32, #tpu.memory_space<vmem>>, vector<1x1024x128xf32>
    %get3A_20 = vector.shape_cast %get3A_19 : vector<1x1024x128xf32> to vector<1024x128xf32>
    %add3A_21 = arith.addf %get3A_15, %get3A_20 : vector<1024x128xf32>
    %get3A_22 = arith.constant 0 : index
    %get3A_23 = arith.constant 0 : index
    %get3A_24 = vector.load %arg3[%get3A_22, %get3A_23] : memref<1024x128xf32, #tpu.memory_space<vmem>>, vector<1024x128xf32>
    %add3A_25 = arith.addf %add3A_21, %get3A_24 : vector<1024x128xf32>
    %mul3A = vector.broadcast %slice3A_10 : vector<1024x1xf32> to vector<1024x128xf32>
    %mul3A_26 = arith.mulf %add3A_25, %mul3A : vector<1024x128xf32>
    %get3A_27 = arith.constant 0 : index
    %get3A_28 = arith.constant 0 : index
    %get3A_29 = vector.load %arg5[%get3A_27, %get3A_28] : memref<1x128xf32, #tpu.memory_space<vmem>>, vector<1x128xf32>
    %add3A_30 = vector.broadcast %get3A_29 : vector<1x128xf32> to vector<1024x128xf32>
    %add3A_31 = arith.addf %mul3A_26, %add3A_30 : vector<1024x128xf32>
    %get3A_32 = arith.constant 0 : index
    %get3A_33 = memref.load %arg1[%get3A_32] : memref<1xf32, #tpu.memory_space<smem>>
    %get3A_34 = arith.constant 0 : index
    %get3A_35 = arith.constant 0 : index
    %get3A_36 = vector.load %arg6[%get3A_34, %get3A_35] : memref<1024x128xf32, #tpu.memory_space<vmem>>, vector<1024x128xf32>
    %mul3A_37 = vector.broadcast %get3A_33 : f32 to vector<1024x128xf32>
    %mul3A_38 = arith.mulf %mul3A_37, %get3A_36 : vector<1024x128xf32>
    %add3A_39 = arith.addf %add3A_31, %mul3A_38 : vector<1024x128xf32>
    %max3A_40 = arith.constant 0.000000e+00 : f32
    %max3A_41 = vector.broadcast %max3A_40 : f32 to vector<1024x128xf32>
    %max3A_42 = arith.maximumf %add3A_39, %max3A_41 : vector<1024x128xf32>
    %get3A_43 = arith.constant 0 : index
    %get3A_44 = arith.constant 0 : index
    %get3A_45 = vector.load %arg7[%get3A_43, %get3A_44] : memref<128x128xf32, #tpu.memory_space<vmem>>, vector<128x128xf32>
    %dot_general3A = arith.constant dense<0.000000e+00> : vector<1024x128xf32>
    %dot_general3A_46 = tpu.matmul %max3A_42, %get3A_45, %dot_general3A {dimension_numbers = #tpu.dot_dimension_numbers<[1], [0], [0], [1], [0, 0, 1, 1], [], []>, transpose_lhs_hint = false} : vector<1024x128xf32>, vector<128x128xf32>, vector<1024x128xf32> -> vector<1024x128xf32>
    %mul3A_47 = vector.broadcast %slice3A_10 : vector<1024x1xf32> to vector<1024x128xf32>
    %mul3A_48 = arith.mulf %dot_general3A_46, %mul3A_47 : vector<1024x128xf32>
    %swap3A = arith.constant 0 : index
    %swap3A_49 = arith.constant 0 : index
    %swap3A_50 = vector.load %arg8[%swap3A, %swap3A_49] : memref<1024x128xf32, #tpu.memory_space<vmem>>, vector<1024x128xf32>
    tpu.vector_store %arg8[%swap3A, %swap3A_49], %mul3A_48 {strides = array<i32>} : memref<1024x128xf32, #tpu.memory_space<vmem>>, vector<1024x128xf32>,
    return
  }
  func.func @transform_0(%arg0: i32) -> i32 {
    %c0_i32 = arith.constant 0 : i32
    %c0_i32_0 = arith.constant 0 : i32
    return %c0_i32 : i32
  }
  func.func @transform_1(%arg0: i32) -> (i32, i32, i32) {
    %c0_i32 = arith.constant 0 : i32
    %c0_i32_0 = arith.constant 0 : i32
    %c0_i32_1 = arith.constant 0 : i32
    return %c0_i32, %arg0, %c0_i32_0 : i32, i32, i32
  }
  func.func @transform_2(%arg0: i32) -> (i32, i32) {
    %c0_i32 = arith.constant 0 : i32
    %c0_i32_0 = arith.constant 0 : i32
    return %arg0, %c0_i32 : i32, i32
  }
  func.func @transform_3(%arg0: i32) -> (i32, i32, i32) {
    %c0_i32 = arith.constant 0 : i32
    %c0_i32_0 = arith.constant 0 : i32
    %c0_i32_1 = arith.constant 0 : i32
    return %c0_i32, %arg0, %c0_i32_0 : i32, i32, i32
  }
  func.func @transform_4(%arg0: i32) -> (i32, i32) {
    %c0_i32 = arith.constant 0 : i32
    %c0_i32_0 = arith.constant 0 : i32
    %c0_i32_1 = arith.constant 0 : i32
    return %c0_i32, %c0_i32_0 : i32, i32
  }
  func.func @transform_5(%arg0: i32) -> (i32, i32) {
    %c0_i32 = arith.constant 0 : i32
    %c0_i32_0 = arith.constant 0 : i32
    return %arg0, %c0_i32 : i32, i32
  }
  func.func @transform_6(%arg0: i32) -> (i32, i32) {
    %c0_i32 = arith.constant 0 : i32
    %c0_i32_0 = arith.constant 0 : i32
    %c0_i32_1 = arith.constant 0 : i32
    return %c0_i32, %c0_i32_0 : i32, i32
  }
  func.func @transform_7(%arg0: i32) -> (i32, i32) {
    %c0_i32 = arith.constant 0 : i32
    %c0_i32_0 = arith.constant 0 : i32
    return %arg0, %c0_i32 : i32, i32
  }
}

module attributes {stable_mosaic.version = 14 : i64} {
  func.func @_tc_post(%arg0: i32, %arg1: memref<1xf32, #tpu.memory_space<smem>>, %arg2: memref<2x1024x128xf32, #tpu.memory_space<vmem>>, %arg3: memref<1024x128xf32, #tpu.memory_space<vmem>>, %arg4: memref<2x1024x128xf32, #tpu.memory_space<vmem>>, %arg5: memref<1x128xf32, #tpu.memory_space<vmem>>, %arg6: memref<1024x128xf32, #tpu.memory_space<vmem>>, %arg7: memref<1024x128xf32, #tpu.memory_space<vmem>>) attributes {dimension_semantics = [#tpu.dimension_semantics<arbitrary>], iteration_bounds = array<i64: 10>, scalar_prefetch = 0 : i64, scratch_operands = 0 : i64, tpu.core_type = #tpu.core_type<tc>, window_params = [{transform_indices = @transform_0, window_bounds = array<i64: 1>}, {transform_indices = @transform_1, window_bounds = array<i64: 2, 1024, 128>}, {transform_indices = @transform_2, window_bounds = array<i64: 1024, 128>}, {transform_indices = @transform_3, window_bounds = array<i64: 2, 1024, 128>}, {pipeline_mode = #tpu.pipeline_mode<synchronous>, transform_indices = @transform_4, window_bounds = array<i64: 1, 128>}, {transform_indices = @transform_5, window_bounds = array<i64: 1024, 128>}, {transform_indices = @transform_6, window_bounds = array<i64: 1024, 128>}]} {
    %get3A = arith.constant 0 : index
    %get3A_0 = arith.constant 0 : index
    %get3A_1 = arith.constant 0 : index
    %get3A_2 = vector.load %arg4[%get3A, %get3A_0, %get3A_1] : memref<2x1024x128xf32, #tpu.memory_space<vmem>>, vector<2x1024x128xf32>
    %slice3A = vector.extract_strided_slice %get3A_2 {offsets = [0, 0, 0], sizes = [1, 1024, 128], strides = [1, 1, 1]} : vector<2x1024x128xf32> to vector<1x1024x128xf32>
    %squeeze3A = vector.shape_cast %slice3A : vector<1x1024x128xf32> to vector<1024x128xf32>
    %slice3A_3 = vector.extract_strided_slice %get3A_2 {offsets = [1, 0, 0], sizes = [1, 1024, 128], strides = [1, 1, 1]} : vector<2x1024x128xf32> to vector<1x1024x128xf32>
    %squeeze3A_4 = vector.shape_cast %slice3A_3 : vector<1x1024x128xf32> to vector<1024x128xf32>
    %add3A = arith.addf %squeeze3A, %squeeze3A_4 : vector<1024x128xf32>
    %add3A_5 = arith.constant 1.000000e+00 : f32
    %add3A_6 = vector.broadcast %add3A_5 : f32 to vector<1024x128xf32>
    %add3A_7 = arith.addf %add3A, %add3A_6 : vector<1024x128xf32>
    %max3A = arith.constant 1.000000e+00 : f32
    %max3A_8 = vector.broadcast %max3A : f32 to vector<1024x128xf32>
    %max3A_9 = arith.maximumf %add3A_7, %max3A_8 : vector<1024x128xf32>
    %rsqrt3A = math.rsqrt %max3A_9 : vector<1024x128xf32>
    %slice3A_10 = vector.extract_strided_slice %rsqrt3A {offsets = [0, 0], sizes = [1024, 1], strides = [1, 1]} : vector<1024x128xf32> to vector<1024x1xf32>
    %get3A_11 = arith.constant 0 : index
    %get3A_12 = arith.constant 0 : index
    %get3A_13 = arith.constant 0 : index
    %get3A_14 = vector.load %arg2[%get3A_11, %get3A_12, %get3A_13] : memref<2x1024x128xf32, #tpu.memory_space<vmem>>, vector<1x1024x128xf32>
    %get3A_15 = vector.shape_cast %get3A_14 : vector<1x1024x128xf32> to vector<1024x128xf32>
    %get3A_16 = arith.constant 1 : index
    %get3A_17 = arith.constant 0 : index
    %get3A_18 = arith.constant 0 : index
    %get3A_19 = vector.load %arg2[%get3A_16, %get3A_17, %get3A_18] : memref<2x1024x128xf32, #tpu.memory_space<vmem>>, vector<1x1024x128xf32>
    %get3A_20 = vector.shape_cast %get3A_19 : vector<1x1024x128xf32> to vector<1024x128xf32>
    %add3A_21 = arith.addf %get3A_15, %get3A_20 : vector<1024x128xf32>
    %get3A_22 = arith.constant 0 : index
    %get3A_23 = arith.constant 0 : index
    %get3A_24 = vector.load %arg3[%get3A_22, %get3A_23] : memref<1024x128xf32, #tpu.memory_space<vmem>>, vector<1024x128xf32>
    %add3A_25 = arith.addf %add3A_21, %get3A_24 : vector<1024x128xf32>
    %mul3A = vector.broadcast %slice3A_10 : vector<1024x1xf32> to vector<1024x128xf32>
    %mul3A_26 = arith.mulf %add3A_25, %mul3A : vector<1024x128xf32>
    %get3A_27 = arith.constant 0 : index
    %get3A_28 = arith.constant 0 : index
    %get3A_29 = vector.load %arg5[%get3A_27, %get3A_28] : memref<1x128xf32, #tpu.memory_space<vmem>>, vector<1x128xf32>
    %add3A_30 = vector.broadcast %get3A_29 : vector<1x128xf32> to vector<1024x128xf32>
    %add3A_31 = arith.addf %mul3A_26, %add3A_30 : vector<1024x128xf32>
    %get3A_32 = arith.constant 0 : index
    %get3A_33 = memref.load %arg1[%get3A_32] : memref<1xf32, #tpu.memory_space<smem>>
    %get3A_34 = arith.constant 0 : index
    %get3A_35 = arith.constant 0 : index
    %get3A_36 = vector.load %arg6[%get3A_34, %get3A_35] : memref<1024x128xf32, #tpu.memory_space<vmem>>, vector<1024x128xf32>
    %mul3A_37 = vector.broadcast %get3A_33 : f32 to vector<1024x128xf32>
    %mul3A_38 = arith.mulf %mul3A_37, %get3A_36 : vector<1024x128xf32>
    %add3A_39 = arith.addf %add3A_31, %mul3A_38 : vector<1024x128xf32>
    %swap3A = arith.constant 0 : index
    %swap3A_40 = arith.constant 0 : index
    %swap3A_41 = vector.load %arg7[%swap3A, %swap3A_40] : memref<1024x128xf32, #tpu.memory_space<vmem>>, vector<1024x128xf32>
    tpu.vector_store %arg7[%swap3A, %swap3A_40], %add3A_39 {strides = array<i32>} : memref<1024x128xf32, #tpu.memory_space<vmem>>, vector<1024x128xf32>,
    return
  }
  func.func @transform_0(%arg0: i32) -> i32 {
    %c0_i32 = arith.constant 0 : i32
    %c0_i32_0 = arith.constant 0 : i32
    return %c0_i32 : i32
  }
  func.func @transform_1(%arg0: i32) -> (i32, i32, i32) {
    %c0_i32 = arith.constant 0 : i32
    %c0_i32_0 = arith.constant 0 : i32
    %c0_i32_1 = arith.constant 0 : i32
    return %c0_i32, %arg0, %c0_i32_0 : i32, i32, i32
  }
  func.func @transform_2(%arg0: i32) -> (i32, i32) {
    %c0_i32 = arith.constant 0 : i32
    %c0_i32_0 = arith.constant 0 : i32
    return %arg0, %c0_i32 : i32, i32
  }
  func.func @transform_3(%arg0: i32) -> (i32, i32, i32) {
    %c0_i32 = arith.constant 0 : i32
    %c0_i32_0 = arith.constant 0 : i32
    %c0_i32_1 = arith.constant 0 : i32
    return %c0_i32, %arg0, %c0_i32_0 : i32, i32, i32
  }
  func.func @transform_4(%arg0: i32) -> (i32, i32) {
    %c0_i32 = arith.constant 0 : i32
    %c0_i32_0 = arith.constant 0 : i32
    %c0_i32_1 = arith.constant 0 : i32
    return %c0_i32, %c0_i32_0 : i32, i32
  }
  func.func @transform_5(%arg0: i32) -> (i32, i32) {
    %c0_i32 = arith.constant 0 : i32
    %c0_i32_0 = arith.constant 0 : i32
    return %arg0, %c0_i32 : i32, i32
  }
  func.func @transform_6(%arg0: i32) -> (i32, i32) {
    %c0_i32 = arith.constant 0 : i32
    %c0_i32_0 = arith.constant 0 : i32
    return %arg0, %c0_i32 : i32, i32
  }
}

</mosaic_0001>

<sc_bundles>
// kernel: kernel.11.cloned.1.call-start
scs
__scs_entry_jumppad:
0x0: {  	(pc) =	sbr.rel $0x88, $3  }
0x1: {  	(tag) =	ssettag $0x0;
	lr =	simm.s32 $0x1  }
0x2: {  	[smem:$0x3F98] =	sst lr;
	_ =	strace $0xD0000000  }
0x3: {  	_ = 	snop  }
0x4: {  	_ = 	snop  }
0x5: {  	_ = 	snop  }
0x6: {  	_ = 	snop  }
0x7: {  	_ = 	snop  }
__scs_overlays_trampoline_lowered:
0x8: {  	[smem:$0x3FA7] =	sst s0  }
0x9: {  	[smem:$0x3FA8] =	sst s1  }
0xa: {  	[smem:$0x3FA9] =	sst s2  }
0xb: {  	[smem:$0x3FAA] =	sst s3  }
0xc: {  	[smem:$0x3FAB] =	sst s4  }
0xd: {  	[smem:$0x3FAC] =	sst s5  }
0xe: {  	[smem:$0x3FAD] =	sst s6  }
0xf: {  	[smem:$0x3FAE] =	sst s7  }
0x10: {  	[smem:$0x3FAF] =	sst s8  }
0x11: {  	[smem:$0x3FB0] =	sst s9;
	s0 =	simm.s32 @!p0 $0x0  }
0x12: {  	s1 =	sld [smem:$0x3F96];
	s0 =	simm.s32 @p0 $0x1  }
0x13: {  	[smem:$0x3FB1] =	sst s0;
	s0 =	simm.s32 @!p1 $0x0  }
0x14: {  	s2 =	sld [smem:$0x3F95];
	s0 =	simm.s32 @p1 $0x1  }
0x15: {  	[smem:$0x3FB2] =	sst s0;
	s0 =	simm.s32 @!p2 $0x0  }
0x16: {  	s3 =	sld [smem:$0x3FDB];
	s0 =	simm.s32 @p2 $0x1  }
0x17: {  	s4 =	simm.s32 $0x1BF5;
	[smem:$0x3FB4] =	sst s0  }
0x18: {  	s0 =	sld [smem:$0x3F97];
	_ =	swait.ge [sflag:s4], $0x0  }
0x19: {  	s7 =	sld [smem:$0x3F98]  }
0x1a: {  	s8 =	sadd.s32 $0xFFFFE003, lr  }
0x1b: {  	s9 =	sadd.s32 $0xFFFFFEF7, lr;
	s5 =	simm.s32 $0xFFFFFFFF;
	p2 =	slt.u32 s8, $0xFFFFF086  }
0x1c: {  	p1 =	slt.u32 s9, $0xF7A;
	s5 =	simm.s32 @!p2 $0x0  }
0x1d: {  	s5 =	simm.s32 @p1 $0x1;
	p0 =	seq.s32 s7, s2  }
0x1e: {  	s7 =	smul.u32 @!p0 $0xF7A, s2;
	p2 =	seq.s32 @!p0 s5, $0x0  }
0x1f: {  	s9 =	smul.u32 $0xF7A, s1;
	s8 =	simm.s32 @!p0 $0x1BF5;
	p2 =	por !p2, p0  }
0x20: {  	[sflag:s8] =	ssyncset.s32 @!p0 $0xFFFFF086;
	s6 =	sadd.s32 @!p0 s3, s7;
	s7 =	simm.s32 @!p0 $0x108  }
0x21: {  	s3 =	sadd.s32 s3, s9;
	s6 =	sadd.s32 @!p0 $0x88, s6;
	s7 =	simm.s32 @p2 $0x1082  }
0x22: {  	[simem:s7], [sflag:s8] =	dma.local @!p0 [hbm:s6], $0xF7A  }
0x23: {  	s9 =	sor.u32 $0xD0000000, s2;
	s6 =	simm.s32 $0x108;
	_ =	swait.ge @!p0 [sflag:s8], $0x0  }
0x24: {  	s3 =	sadd.s32 $0x88, s3;
	s6 =	simm.s32 @!p1 $0x1082;
	[sflag:s4] =	ssyncset.s32 $0xFFFFF086  }
0x25: {  	[simem:s6], [sflag:s4] =	dma.local [hbm:s3], $0xF7A  }
0x26: {  	[smem:$0x3F98] =	sst s1;
	(tag) =	ssettag s2;
	_ =	strace s9  }
0x27: {  	s1 =	sld [smem:$0x3FA8]  }
0x28: {  	s2 =	sld [smem:$0x3FA9]  }
0x29: {  	s4 =	sld [smem:$0x3FAB]  }
0x2a: {  	p0 =	seq.s32 s5, $0x0;
	s5 =	sld [smem:$0x3FAC]  }
0x2b: {  	s6 =	sld [smem:$0x3FAD]  }
0x2c: {  	s7 =	sld [smem:$0x3FAE]  }
0x2d: {  	s3 =	simm.s32 $0x108;
	s8 =	sld [smem:$0x3FAF]  }
0x2e: {  	s3 =	simm.s32 @!p0 $0x1082;
	s9 =	sld [smem:$0x3FB0]  }
0x2f: {  	lr =	sadd.s32 s0, s3;
	s0 =	sld [smem:$0x3FA7]  }
0x30: {  	s3 =	sld [smem:$0x3FAA]  }
0x31: {  	[smem:$0x3FB3] =	sst s10  }
0x32: {  	s10 =	sld [smem:$0x3FB1];
	_ =	sdelay $0x3  }
0x33: {  	p0 =	seq.s32 s10, $0x1;
	s10 =	sld [smem:$0x3FB3];
	_ =	sdelay $0x3  }
0x34: {  	[smem:$0x3FB3] =	sst s10  }
0x35: {  	s10 =	sld [smem:$0x3FB2];
	_ =	sdelay $0x3  }
0x36: {  	p1 =	seq.s32 s10, $0x1;
	s10 =	sld [smem:$0x3FB3];
	_ =	sdelay $0x3  }
0x37: {  	[smem:$0x3FB3] =	sst s10  }
0x38: {  	s10 =	sld [smem:$0x3FB4]  }
0x39: {  	_ = 	snop;
	(pc) =	sbr.ind lr, $3  }
0x3a: {  	_ = 	snop  }
0x3b: {  	_ = 	snop  }
0x3c: {  	p2 =	seq.s32 s10, $0x1;
	s10 =	sld [smem:$0x3FB3]  }
0x3d: {  	_ =	shalt  }
0x3e: {  	_ =	shalt  }
0x3f: {  	_ =	shalt  }
0x40: {  	_ =	shalt  }
0x41: {  	_ =	shalt  }
0x42: {  	_ =	shalt  }
0x43: {  	_ =	shalt  }
0x44: {  	_ =	shalt  }
0x45: {  	_ =	shalt  }
0x46: {  	_ =	shalt  }
0x47: {  	_ =	shalt  }
0x48: {  	_ =	shalt  }
0x49: {  	_ =	shalt  }
0x4a: {  	_ =	shalt  }
0x4b: {  	_ =	shalt  }
0x4c: {  	_ =	shalt  }
0x4d: {  	_ =	shalt  }
0x4e: {  	_ =	shalt  }
0x4f: {  	_ =	shalt  }
0x50: {  	_ =	shalt  }
0x51: {  	_ =	shalt  }
0x52: {  	_ =	shalt  }
0x53: {  	_ =	shalt  }
0x54: {  	_ =	shalt  }
0x55: {  	_ =	shalt  }
0x56: {  	_ =	shalt  }
0x57: {  	_ =	shalt  }
0x58: {  	_ =	shalt  }
0x59: {  	_ =	shalt  }
0x5a: {  	_ =	shalt  }
0x5b: {  	_ =	shalt  }
0x5c: {  	_ =	shalt  }
0x5d: {  	_ =	shalt  }
0x5e: {  	_ =	shalt  }
0x5f: {  	_ =	shalt  }
0x60: {  	_ =	shalt  }
0x61: {  	_ =	shalt  }
0x62: {  	_ =	shalt  }
0x63: {  	_ =	shalt  }
0x64: {  	_ =	shalt  }
0x65: {  	_ =	shalt  }
0x66: {  	_ =	shalt  }
0x67: {  	_ =	shalt  }
0x68: {  	_ =	shalt  }
0x69: {  	_ =	shalt  }
0x6a: {  	_ =	shalt  }
0x6b: {  	_ =	shalt  }
0x6c: {  	_ =	shalt  }
0x6d: {  	_ =	shalt  }
0x6e: {  	_ =	shalt  }
0x6f: {  	_ =	shalt  }
0x70: {  	_ =	shalt  }
0x71: {  	_ =	shalt  }
0x72: {  	_ =	shalt  }
0x73: {  	_ =	shalt  }
0x74: {  	_ =	shalt  }
0x75: {  	_ =	shalt  }
0x76: {  	_ =	shalt  }
0x77: {  	_ =	shalt  }
0x78: {  	_ =	shalt  }
0x79: {  	_ =	shalt  }
0x7a: {  	_ =	shalt  }
0x7b: {  	_ =	shalt  }
0x7c: {  	_ =	shalt  }
0x7d: {  	_ =	shalt  }
0x7e: {  	_ =	shalt  }
0x7f: {  	_ =	shalt  }
0x80: {  	_ =	shalt  }
0x81: {  	_ =	shalt  }
0x82: {  	_ =	shalt  }
0x83: {  	_ =	shalt  }
0x84: {  	_ =	shalt  }
0x85: {  	_ =	shalt  }
0x86: {  	_ =	shalt  }
0x87: {  	_ =	shalt  }
.Lfunc_end0:
.L_simem_size_0:
called_computation.1_lowered:
.L_overlay_start_0:
0x88: {  	s2 =	sld [smem:$0x3FD9]  }
0x89: {  	s3 =	sld [smem:$0x3FFE];
	_ =	sdelay $0x1  }
0x8a: {  	s1 =	srdreg.scid  }
0x8b: {  	s0 =	sand.u32 $0x1, s1  }
0x8c: {  	s17 =	sshll.u32 s0, $0xA;
	s2 =	sadd.s32 s3, s2  }
0x8d: {  	s2 =	sadd.s32 s2, s17  }
0x8e: {  	[smem:$0x3FBF] =	sst s2  }
0x8f: {  	_ = 	snop  }
0x90: {  	s2 =	sld [smem:$0x3FD0];
	(tm) =	ssettm $0x1  }
0x91: {  	s18 =	sld [smem:$0x3FFB];
	_ =	sdelay $0x3  }
0x92: {  	_ =	strace s18  }
0x93: {  	s3 =	sld [smem:$0x3FFC];
	_ =	sdelay $0x3  }
0x94: {  	_ =	strace s3  }
0x95: {  	s3 =	sld [smem:$0x3FFD];
	_ =	sdelay $0x3  }
0x96: {  	_ =	strace s3  }
0x97: {  	_ =	strace $0x8FFFFFFF  }
0x98: {  	s19 =	sld [smem:$0x3FDB];
	_ =	sdelay $0x1  }
0x99: {  	s4 =	simm.s32 $_scs_section_size  }
0x9a: {  	s5 =	simm.s32 $_size__tile_overlayer_lowered;
	s6 =	simm.s32 $_tile_overlayer_lowered  }
0x9b: {  	s22 =	simm.s32 $0x1BFF;
	s21 =	sshll.u32 s6, $0x1;
	s3 =	sadd.s32 s4, s19  }
0x9c: {  	s7 =	simm.s32 $0x0;
	s20 =	sshll.u32 s5, $0x1;
	s5 =	sadd.s32 s21, s3  }
0x9d: {  	[timem:s7], [sflag:s22] =	dma.local [hbm:s5], s20  }
0x9e: {  	_ =	swait.ge [sflag:s22], s20  }
0x9f: {  	s4 =	ssub.s32 $0x0, s20;
	[sflag:s22] =	ssyncset.done $0x0  }
0xa0: {  	[sflag:s22] =	ssyncadd.s32 s4;
	_ =	sdelay $0x1  }
0xa1: {  	s23 =	simm.s32 $0x1B8B  }
0xa2: {  	_ =	swait.ge [sflag:s23], $0x1  }
0xa3: {  	[sflag:s23] =	ssyncset.done $0x0  }
0xa4: {  	s25 =	simm.s32 $0x1B8E;
	s24 =	sld [smem:$0x3FFE];
	[sflag:s23] =	ssyncadd.s32 $0xFFFFFFFF  }
0xa5: {  	s26 =	simm.s32 $execute0_lowered;
	[smem:$0x3FD2] =	sst s25  }
0xa6: {  	s5 =	sshll.u32 s26, $0x1;
	_ =	strace $0x80000049;
	[dreg:$0x1] =	wrdreg $0xFFFFFFFF  }
0xa7: {  	s28 =	simm.s32 $_size_execute0_lowered;
	s3 =	sadd.s32 s3, s5;
	[dreg:$0x0] =	wrdreg $0x0  }
0xa8: {  	s5 =	sshll.u32 s28, $0x1;
	[dreg:$0x2] =	wrdreg s3  }
0xa9: {  	[dreg:$0x3] =	wrdreg s5  }
0xaa: {  	[dreg:$0x4] =	wrdreg $0xC0  }
0xab: {  	_ =	task [dreg:s7], $0x5FFFF  }
0xac: {  	[dreg:$0x1] =	wrdreg $0xFFFFFFFF  }
0xad: {  	[dreg:$0x0] =	wrdreg $0x60  }
0xae: {  	[dreg:$0x2] =	wrdreg s24  }
0xaf: {  	[dreg:$0x3] =	wrdreg s2  }
0xb0: {  	[dreg:$0x4] =	wrdreg $0x90000  }
0xb1: {  	[dreg:$0x5] =	wrdreg $0x9  }
0xb2: {  	_ =	task.clear_ibuf [dreg:s7], $0x6FFFF;
	_ =	strace $0x90000049  }
0xb3: {  	s29 =	simm.s32 $0x9;
	_ =	strace $0x8000004B  }
0xb4: {  	_ =	swait.ge [sflag:s29], $0x1  }
0xb5: {  	[sflag:s29] =	ssyncadd.s32 $0xFFFFFFFF  }
0xb6: {  	_ =	strace $0x9000004B  }
0xb7: {  	_ =	sfence  }
0xb8: {  	s30 =	sld [smem:$0x0];
	_ =	sdelay $0x2  }
0xb9: {  	s31 =	sshll.u32 s1, $0xD;
	s1 =	sshrl.u32 s1, $0x2  }
0xba: {  	s3 =	sand.u32 $0x4000, s31;
	s1 =	sadd.s32 s1, s30  }
0xbb: {  	s0 =	sor.u32 s3, s0;
	s1 =	sshll.u32 s1, $0x11  }
0xbc: {  	s0 =	sor.u32 s1, s0  }
0xbd: {  	s0 =	sadd.s32 $0x8F2B, s0  }
0xbe: {  	[sflag:s0] =	ssyncadd.remote.s32 $0x1  }
0xbf: {  	_ =	sfence.sel $0xFFFF  }
0xc0: {  	[dreg:$0x0] =	wrdreg $0xFFFFFFFF;
	(pc) =	sbr.abs _section_cstart, $3  }
0xc1: {  	[dreg:$0x1] =	wrdreg $0xFFFFFFFF  }
0xc2: {  	_ =	task.clear_ibuf [dreg:s7], $0x2FFFF;
	_ =	strace $0x9FFFFFFF  }
0xc3: {  	(tm) =	ssettm $0x7FFFFFFF  }
tec
execute0_lowered:
.L_overlay_start_1:
0x0: {  	(tag) =	ssettag $0x1  }
0x1: {  	s0 =	rddreg [dreg:$0x0]  }
0x2: {  	s1 =	srdreg.scid;
	s5 =	rddreg [dreg:$0x1]  }
0x3: {  	s10 =	stileid.u32;
	s2 =	rddreg [dreg:$0x2]  }
0x4: {  	s3 =	simm.s32 $0x0;
	s11 =	simm.s32 $0x100;
	s13 =	simm.s32 $0x880  }
0x5: {  	s14 =	simm.s32 $0x180;
	s15 =	simm.s32 $0x900;
	[smem:$0x7FF] =	sst s3  }
0x6: {  	s17 =	simm.s32 $0x200;
	_ =	strace $0x8000004A;
	[dreg:$0x6] =	wrdreg s11  }
0x7: {  	s19 =	simm.s32 $0x980;
	s21 =	simm.s32 $0x280;
	[dreg:$0x7] =	wrdreg s13  }
0x8: {  	s22 =	simm.s32 $0xA00;
	s23 =	simm.s32 $0x300;
	[dreg:$0x8] =	wrdreg s14  }
0x9: {  	s24 =	simm.s32 $0xA80;
	s25 =	simm.s32 $0x380;
	[dreg:$0x9] =	wrdreg s15  }
0xa: {  	s28 =	simm.s32 $0x600;
	s6 =	smul.u32 $0x2800, s10;
	[dreg:$0xa] =	wrdreg s17  }
0xb: {  	s29 =	simm.s32 $0xD80;
	s8 =	smul.u32 $0x13C00, s10;
	[dreg:$0xb] =	wrdreg s19  }
0xc: {  	s1 =	sand.u32 $0x1, s1;
	s10 =	smul.u32 $0x4F000, s10;
	[dreg:$0xc] =	wrdreg s21  }
0xd: {  	s30 =	simm.s32 $0x680;
	s4 =	smul.u32 $0x28000, s1;
	[dreg:$0xd] =	wrdreg s22  }
0xe: {  	s31 =	simm.s32 $0xE00;
	s7 =	smul.u32 $0x140000, s1;
	[dreg:$0xe] =	wrdreg s23  }
0xf: {  	s1 =	ssub.s32 $0x2, s1;
	s13 =	simm.s32 $0x3;
	[dreg:$0xf] =	wrdreg s24  }
0x10: {  	s14 =	simm.s32 $0x800;
	s15 =	simm.s32 $0x80;
	[dreg:$0x10] =	wrdreg s25  }
0x11: {  	s17 =	simm.s32 $0x1;
	s19 =	simm.s32 $0x400;
	s21 =	simm.s32 $0x480  }
0x12: {  	s22 =	simm.s32 $0xC00;
	s23 =	simm.s32 $0x500;
	s24 =	simm.s32 $0xC80  }
0x13: {  	s25 =	simm.s32 $0x580;
	s26 =	sshrl.u32 s1, $0x1;
	s6 =	sadd.s32 s6, s4  }
0x14: {  	s4 =	sadd.s32 $0x5CE00, s0;
	s7 =	sadd.s32 s8, s7;
	s1 =	ssub.s32 s1, s26  }
0x15: {  	s8 =	sshrl.u32 s10, $0x2;
	s26 =	simm.s32 $0xB00;
	s6 =	sshrl.u32 s6, $0x3  }
0x16: {  	s7 =	sshrl.u32 s7, $0x3;
	s1 =	smax.u32 s1, $0x1;
	[dreg:$0x11] =	wrdreg s26  }
0x17: {  	s26 =	simm.s32 $0xD00;
	s5 =	sadd.s32 s6, s5;
	[dreg:$0x15] =	wrdreg s1  }
0x18: {  	s9 =	sadd.s32 s6, s0;
	s6 =	sadd.s32 s8, s2;
	[dreg:$0x4] =	wrdreg s5  }
0x19: {  	s0 =	sadd.s32 s7, s0;
	s10 =	sadd.s32 $0x52E00, s9;
	[dreg:$0x12] =	wrdreg s6  }
0x1a: {  	s1 =	simm.s32 $0x700;
	s12 =	sadd.s32 $0x10000, s6;
	[dreg:$0x5] =	wrdreg s10  }
0x1b: {  	s7 =	simm.s32 $0xF00;
	s0 =	sadd.s32 $0x84E00, s0;
	[dreg:$0x13] =	wrdreg s12  }
0x1c: {  	s8 =	simm.s32 $0xF80;
	s16 =	sadd.s32 $0x4000, s6;
	[dreg:$0x14] =	wrdreg s0  }
0x1d: {  	s18 =	sadd.s32 $0x8000, s6;
	s20 =	sadd.s32 $0xC000, s6;
	[dreg:$0x16] =	wrdreg s16  }
0x1e: {  	s6 =	simm.s32 $0x780;
	s9 =	simm.s32 $0x0;
	[dreg:$0x17] =	wrdreg s18  }
0x1f: {  	[dreg:$0x18] =	wrdreg s20;
	s12 =	simm.s32 $0x1000;
	s16 =	simm.s32 $0x5000  }
0x20: {  	v0 =	vimm.f32 $0.0e+00;
	s18 =	simm.s32 $0x2;
	s20 =	simm.s32 $0xB80;
	s0 =	simm.s32 $0xE80  }
.LBB2_1:
0x21: {  	s10 =	simm.s32 $0x0;
	s11 =	simm.s32 $0x200  }
.LBB2_2:
0x22: {  	p0 =	sne.s32 s11, $0xFE00;
	[tilespmem:s10+$0x1070] =	vst v0  }
0x23: {  	[tilespmem:s10+$0x1000] =	vst v0  }
0x24: {  	[tilespmem:s10+$0x1010] =	vst v0  }
.Ltmp0:
0x25: {  	[tilespmem:s10+$0x1020] =	vst v0;
	(pc) =	sbr.rel @p0 .LBB2_2-.Ltmp0, $4  }
0x26: {  	[tilespmem:s10+$0x1030] =	vst v0  }
0x27: {  	[tilespmem:s10+$0x1040] =	vst v0  }
0x28: {  	[tilespmem:s10+$0x1050] =	vst v0  }
0x29: {  	[tilespmem:s10+$0x1060] =	vst v0;
	s10 =	sshra.s32 s11, $0x2;
	s11 =	sadd.s32 $0x200, s11  }
0x2a: {  	[tilespmem:s10+$0x1070] =	vst v0  }
0x2b: {  	[tilespmem:s10+$0x1000] =	vst v0  }
0x2c: {  	[tilespmem:s10+$0x1010] =	vst v0  }
0x2d: {  	[tilespmem:s10+$0x1020] =	vst v0  }
0x2e: {  	[tilespmem:s10+$0x1030] =	vst v0  }
0x2f: {  	[tilespmem:s10+$0x1040] =	vst v0  }
0x30: {  	[dreg:$0x19] =	wrdreg s9;
	[tilespmem:s10+$0x1050] =	vst v0  }
0x31: {  	[tilespmem:s10+$0x1060] =	vst v0;
	s5 =	rddreg [dreg:$0x12]  }
0x32: {  	[spmem:s5] =	stream.linear.scatter [tilespmem:s12], [sflag:$0x3], $0x4000, $0x38;
	[tilespmem:$0x1CC00] =	vst v63  }
0x33: {  	_ =	swait.ge [sflag:s13], $0x4000  }
0x34: {  	[sflag:s13] =	ssyncset.done $0x0  }
0x35: {  	s9 =	rddreg [dreg:$0x16];
	[sflag:s13] =	ssyncadd.s32 $0xFFFFC000  }
0x36: {  	[spmem:s9] =	stream.linear.scatter [tilespmem:s12], [sflag:$0x3], $0x4000, $0x38;
	[tilespmem:$0x1CC00] =	vst v63  }
0x37: {  	_ =	swait.ge [sflag:s13], $0x4000  }
0x38: {  	[sflag:s13] =	ssyncset.done $0x0  }
0x39: {  	s10 =	rddreg [dreg:$0x17];
	[sflag:s13] =	ssyncadd.s32 $0xFFFFC000  }
0x3a: {  	[spmem:s10] =	stream.linear.scatter [tilespmem:s12], [sflag:$0x3], $0x4000, $0x38;
	[tilespmem:$0x1CC00] =	vst v63  }
0x3b: {  	_ =	swait.ge [sflag:s13], $0x4000  }
0x3c: {  	[sflag:s13] =	ssyncset.done $0x0  }
0x3d: {  	s11 =	rddreg [dreg:$0x18];
	[sflag:s13] =	ssyncadd.s32 $0xFFFFC000  }
0x3e: {  	[spmem:s11] =	stream.linear.scatter [tilespmem:s12], [sflag:$0x3], $0x4000, $0x38;
	[tilespmem:$0x1CC00] =	vst v63  }
0x3f: {  	_ =	swait.ge [sflag:s13], $0x4000  }
0x40: {  	[sflag:s13] =	ssyncset.done $0x0  }
0x41: {  	s9 =	rddreg [dreg:$0x13];
	[sflag:s13] =	ssyncadd.s32 $0xFFFFC000  }
0x42: {  	[spmem:s9] =	stream.linear.scatter [tilespmem:s12], [sflag:$0x3], $0x3C00, $0x38;
	[tilespmem:$0x1CC00] =	vst v63  }
0x43: {  	_ =	swait.ge [sflag:s13], $0x3C00  }
0x44: {  	[sflag:s13] =	ssyncset.done $0x0  }
0x45: {  	[sflag:s13] =	ssyncadd.s32 $0xFFFFC400  }
0x46: {  	[bflag:$0x0] =	sbarrier.arrive $0xFFFF  }
0x47: {  	s10 =	rddreg [dreg:$0x5]  }
0x48: {  	s5 =	sadd.s32 $0x0, s10  }
0x49: {  	[tilespmem:s3], [sflag:$0x3] =	stream.linear.gather [hbm4b:s5+s3], $0x800, $0x38;
	[tilespmem:$0x1CC00] =	vst v63  }
0x4a: {  	_ =	swait.ge [sflag:s13], $0x800  }
0x4b: {  	s11 =	rddreg [dreg:$0x4];
	[sflag:s13] =	ssyncset.done $0x0  }
0x4c: {  	[sflag:s13] =	ssyncadd.s32 $0xFFFFF800;
	s5 =	sadd.s32 $0x0, s11  }
0x4d: {  	[tilespmem:s14], [sflag:$0x3] =	stream.linear.gather [hbm4b:s5+s3], $0x800, $0x38;
	[tilespmem:$0x1CC00] =	vst v63  }
0x4e: {  	_ =	swait.ge [sflag:s13], $0x800  }
0x4f: {  	[sflag:s13] =	ssyncset.done $0x0  }
0x50: {  	[sflag:s13] =	ssyncadd.s32 $0xFFFFF800  }
0x51: {  	[tilespmem:s12], [sflag:$0x1] =	stream.indirect.gather [hbm4b:s4+s15], $0x80, s3, s15, $0xb8;
	[tilespmem:$0x1CC00] =	vst v63  }
0x52: {  	_ = 	snop  }
0x53: {  	[tilespmem:s16], [sflag:$0x2] =	stream.indirect.gather [hbm4b:s4+s15], $0x80, s15, s15, $0xb8;
	[tilespmem:$0x1CC00] =	vst v63  }
0x54: {  	_ =	swait.ge [sflag:s17], $0x4000  }
0x55: {  	[sflag:s17] =	ssyncset.done $0x0  }
0x56: {  	[sflag:s17] =	ssyncadd.s32 $0xFFFFC000  }
0x57: {  	[spmem:s2] =	stream.indirect.scatter.add.f32 [tilespmem:s12], [sflag:$0x3], $0x80, s14, s15, $0xb8;
	[tilespmem:$0x1CC00] =	vst v63  }
0x58: {  	_ =	swait.ge [sflag:s13], $0x4000  }
0x59: {  	[sflag:s13] =	ssyncset.done $0x0  }
0x5a: {  	s9 =	rddreg [dreg:$0x6];
	[sflag:s13] =	ssyncadd.s32 $0xFFFFC000  }
0x5b: {  	[tilespmem:s12], [sflag:$0x1] =	stream.indirect.gather [hbm4b:s4+s15], $0x80, s9, s15, $0xb8;
	[tilespmem:$0x1CC00] =	vst v63  }
0x5c: {  	_ =	swait.ge [sflag:s18], $0x4000  }
0x5d: {  	[sflag:s18] =	ssyncset.done $0x0  }
0x5e: {  	s10 =	rddreg [dreg:$0x7];
	[sflag:s18] =	ssyncadd.s32 $0xFFFFC000  }
0x5f: {  	[spmem:s2] =	stream.indirect.scatter.add.f32 [tilespmem:s16], [sflag:$0x3], $0x80, s10, s15, $0xb8;
	[tilespmem:$0x1CC00] =	vst v63  }
0x60: {  	_ =	swait.ge [sflag:s13], $0x4000  }
0x61: {  	[sflag:s13] =	ssyncset.done $0x0  }
0x62: {  	s11 =	rddreg [dreg:$0x8];
	[sflag:s13] =	ssyncadd.s32 $0xFFFFC000  }
0x63: {  	[tilespmem:s16], [sflag:$0x2] =	stream.indirect.gather [hbm4b:s4+s15], $0x80, s11, s15, $0xb8;
	[tilespmem:$0x1CC00] =	vst v63  }
0x64: {  	_ =	swait.ge [sflag:s17], $0x4000  }
0x65: {  	[sflag:s17] =	ssyncset.done $0x0  }
0x66: {  	s9 =	rddreg [dreg:$0x9];
	[sflag:s17] =	ssyncadd.s32 $0xFFFFC000  }
0x67: {  	[spmem:s2] =	stream.indirect.scatter.add.f32 [tilespmem:s12], [sflag:$0x3], $0x80, s9, s15, $0xb8;
	[tilespmem:$0x1CC00] =	vst v63  }
0x68: {  	_ =	swait.ge [sflag:s13], $0x4000  }
0x69: {  	[sflag:s13] =	ssyncset.done $0x0  }
0x6a: {  	s10 =	rddreg [dreg:$0xa];
	[sflag:s13] =	ssyncadd.s32 $0xFFFFC000  }
0x6b: {  	[tilespmem:s12], [sflag:$0x1] =	stream.indirect.gather [hbm4b:s4+s15], $0x80, s10, s15, $0xb8;
	[tilespmem:$0x1CC00] =	vst v63  }
0x6c: {  	_ =	swait.ge [sflag:s18], $0x4000  }
0x6d: {  	[sflag:s18] =	ssyncset.done $0x0  }
0x6e: {  	s11 =	rddreg [dreg:$0xb];
	[sflag:s18] =	ssyncadd.s32 $0xFFFFC000  }
0x6f: {  	[spmem:s2] =	stream.indirect.scatter.add.f32 [tilespmem:s16], [sflag:$0x3], $0x80, s11, s15, $0xb8;
	[tilespmem:$0x1CC00] =	vst v63  }
0x70: {  	_ =	swait.ge [sflag:s13], $0x4000  }
0x71: {  	[sflag:s13] =	ssyncset.done $0x0  }
0x72: {  	s9 =	rddreg [dreg:$0xc];
	[sflag:s13] =	ssyncadd.s32 $0xFFFFC000  }
0x73: {  	[tilespmem:s16], [sflag:$0x2] =	stream.indirect.gather [hbm4b:s4+s15], $0x80, s9, s15, $0xb8;
	[tilespmem:$0x1CC00] =	vst v63  }
0x74: {  	_ =	swait.ge [sflag:s17], $0x4000  }
0x75: {  	[sflag:s17] =	ssyncset.done $0x0  }
0x76: {  	s10 =	rddreg [dreg:$0xd];
	[sflag:s17] =	ssyncadd.s32 $0xFFFFC000  }
0x77: {  	[spmem:s2] =	stream.indirect.scatter.add.f32 [tilespmem:s12], [sflag:$0x3], $0x80, s10, s15, $0xb8;
	[tilespmem:$0x1CC00] =	vst v63  }
0x78: {  	_ =	swait.ge [sflag:s13], $0x4000  }
0x79: {  	[sflag:s13] =	ssyncset.done $0x0  }
0x7a: {  	s11 =	rddreg [dreg:$0xe];
	[sflag:s13] =	ssyncadd.s32 $0xFFFFC000  }
0x7b: {  	[tilespmem:s12], [sflag:$0x1] =	stream.indirect.gather [hbm4b:s4+s15], $0x80, s11, s15, $0xb8;
	[tilespmem:$0x1CC00] =	vst v63  }
0x7c: {  	_ =	swait.ge [sflag:s18], $0x4000  }
0x7d: {  	[sflag:s18] =	ssyncset.done $0x0  }
0x7e: {  	s9 =	rddreg [dreg:$0xf];
	[sflag:s18] =	ssyncadd.s32 $0xFFFFC000  }
0x7f: {  	[spmem:s2] =	stream.indirect.scatter.add.f32 [tilespmem:s16], [sflag:$0x3], $0x80, s9, s15, $0xb8;
	[tilespmem:$0x1CC00] =	vst v63  }
0x80: {  	_ =	swait.ge [sflag:s13], $0x4000  }
0x81: {  	[sflag:s13] =	ssyncset.done $0x0  }
0x82: {  	s10 =	rddreg [dreg:$0x10];
	[sflag:s13] =	ssyncadd.s32 $0xFFFFC000  }
0x83: {  	[tilespmem:s16], [sflag:$0x2] =	stream.indirect.gather [hbm4b:s4+s15], $0x80, s10, s15, $0xb8;
	[tilespmem:$0x1CC00] =	vst v63  }
0x84: {  	_ =	swait.ge [sflag:s17], $0x4000  }
0x85: {  	[sflag:s17] =	ssyncset.done $0x0  }
0x86: {  	s11 =	rddreg [dreg:$0x11];
	[sflag:s17] =	ssyncadd.s32 $0xFFFFC000  }
0x87: {  	[spmem:s2] =	stream.indirect.scatter.add.f32 [tilespmem:s12], [sflag:$0x3], $0x80, s11, s15, $0xb8;
	[tilespmem:$0x1CC00] =	vst v63  }
0x88: {  	_ =	swait.ge [sflag:s13], $0x4000  }
0x89: {  	[sflag:s13] =	ssyncset.done $0x0  }
0x8a: {  	[sflag:s13] =	ssyncadd.s32 $0xFFFFC000  }
0x8b: {  	[tilespmem:s12], [sflag:$0x1] =	stream.indirect.gather [hbm4b:s4+s15], $0x80, s19, s15, $0xb8;
	[tilespmem:$0x1CC00] =	vst v63  }
0x8c: {  	_ =	swait.ge [sflag:s18], $0x4000  }
0x8d: {  	[sflag:s18] =	ssyncset.done $0x0  }
0x8e: {  	[sflag:s18] =	ssyncadd.s32 $0xFFFFC000  }
0x8f: {  	[spmem:s2] =	stream.indirect.scatter.add.f32 [tilespmem:s16], [sflag:$0x3], $0x80, s20, s15, $0xb8;
	[tilespmem:$0x1CC00] =	vst v63  }
0x90: {  	_ =	swait.ge [sflag:s13], $0x4000  }
0x91: {  	[sflag:s13] =	ssyncset.done $0x0  }
0x92: {  	[sflag:s13] =	ssyncadd.s32 $0xFFFFC000  }
0x93: {  	[tilespmem:s16], [sflag:$0x2] =	stream.indirect.gather [hbm4b:s4+s15], $0x80, s21, s15, $0xb8;
	[tilespmem:$0x1CC00] =	vst v63  }
0x94: {  	_ =	swait.ge [sflag:s17], $0x4000  }
0x95: {  	[sflag:s17] =	ssyncset.done $0x0  }
0x96: {  	[sflag:s17] =	ssyncadd.s32 $0xFFFFC000  }
0x97: {  	[spmem:s2] =	stream.indirect.scatter.add.f32 [tilespmem:s12], [sflag:$0x3], $0x80, s22, s15, $0xb8;
	[tilespmem:$0x1CC00] =	vst v63  }
0x98: {  	_ =	swait.ge [sflag:s13], $0x4000  }
0x99: {  	[sflag:s13] =	ssyncset.done $0x0  }
0x9a: {  	[sflag:s13] =	ssyncadd.s32 $0xFFFFC000  }
0x9b: {  	[tilespmem:s12], [sflag:$0x1] =	stream.indirect.gather [hbm4b:s4+s15], $0x80, s23, s15, $0xb8;
	[tilespmem:$0x1CC00] =	vst v63  }
0x9c: {  	_ =	swait.ge [sflag:s18], $0x4000  }
0x9d: {  	[sflag:s18] =	ssyncset.done $0x0  }
0x9e: {  	[sflag:s18] =	ssyncadd.s32 $0xFFFFC000  }
0x9f: {  	[spmem:s2] =	stream.indirect.scatter.add.f32 [tilespmem:s16], [sflag:$0x3], $0x80, s24, s15, $0xb8;
	[tilespmem:$0x1CC00] =	vst v63  }
0xa0: {  	_ =	swait.ge [sflag:s13], $0x4000  }
0xa1: {  	[sflag:s13] =	ssyncset.done $0x0  }
0xa2: {  	[sflag:s13] =	ssyncadd.s32 $0xFFFFC000  }
0xa3: {  	[tilespmem:s16], [sflag:$0x2] =	stream.indirect.gather [hbm4b:s4+s15], $0x80, s25, s15, $0xb8;
	[tilespmem:$0x1CC00] =	vst v63  }
0xa4: {  	_ =	swait.ge [sflag:s17], $0x4000  }
0xa5: {  	[sflag:s17] =	ssyncset.done $0x0  }
0xa6: {  	[sflag:s17] =	ssyncadd.s32 $0xFFFFC000  }
0xa7: {  	[spmem:s2] =	stream.indirect.scatter.add.f32 [tilespmem:s12], [sflag:$0x3], $0x80, s26, s15, $0xb8;
	[tilespmem:$0x1CC00] =	vst v63  }
0xa8: {  	_ =	swait.ge [sflag:s13], $0x4000  }
0xa9: {  	[sflag:s13] =	ssyncset.done $0x0  }
0xaa: {  	[sflag:s13] =	ssyncadd.s32 $0xFFFFC000  }
0xab: {  	[tilespmem:s12], [sflag:$0x1] =	stream.indirect.gather [hbm4b:s4+s15], $0x80, s28, s15, $0xb8;
	[tilespmem:$0x1CC00] =	vst v63  }
0xac: {  	_ =	swait.ge [sflag:s18], $0x4000  }
0xad: {  	[sflag:s18] =	ssyncset.done $0x0  }
0xae: {  	[sflag:s18] =	ssyncadd.s32 $0xFFFFC000  }
0xaf: {  	[spmem:s2] =	stream.indirect.scatter.add.f32 [tilespmem:s16], [sflag:$0x3], $0x80, s29, s15, $0xb8;
	[tilespmem:$0x1CC00] =	vst v63  }
0xb0: {  	_ =	swait.ge [sflag:s13], $0x4000  }
0xb1: {  	[sflag:s13] =	ssyncset.done $0x0  }
0xb2: {  	[sflag:s13] =	ssyncadd.s32 $0xFFFFC000  }
0xb3: {  	[tilespmem:s16], [sflag:$0x2] =	stream.indirect.gather [hbm4b:s4+s15], $0x80, s30, s15, $0xb8;
	[tilespmem:$0x1CC00] =	vst v63  }
0xb4: {  	_ =	swait.ge [sflag:s17], $0x4000  }
0xb5: {  	[sflag:s17] =	ssyncset.done $0x0  }
0xb6: {  	[sflag:s17] =	ssyncadd.s32 $0xFFFFC000  }
0xb7: {  	[spmem:s2] =	stream.indirect.scatter.add.f32 [tilespmem:s12], [sflag:$0x3], $0x80, s31, s15, $0xb8;
	[tilespmem:$0x1CC00] =	vst v63  }
0xb8: {  	_ =	swait.ge [sflag:s13], $0x4000  }
0xb9: {  	[sflag:s13] =	ssyncset.done $0x0  }
0xba: {  	[sflag:s13] =	ssyncadd.s32 $0xFFFFC000  }
0xbb: {  	[tilespmem:s12], [sflag:$0x1] =	stream.indirect.gather [hbm4b:s4+s15], $0x80, s1, s15, $0xb8;
	[tilespmem:$0x1CC00] =	vst v63  }
0xbc: {  	_ =	swait.ge [sflag:s18], $0x4000  }
0xbd: {  	[sflag:s18] =	ssyncset.done $0x0  }
0xbe: {  	[sflag:s18] =	ssyncadd.s32 $0xFFFFC000  }
0xbf: {  	[spmem:s2] =	stream.indirect.scatter.add.f32 [tilespmem:s16], [sflag:$0x3], $0x80, s0, s15, $0xb8;
	[tilespmem:$0x1CC00] =	vst v63  }
0xc0: {  	_ =	swait.ge [sflag:s13], $0x4000  }
0xc1: {  	[sflag:s13] =	ssyncset.done $0x0  }
0xc2: {  	[sflag:s13] =	ssyncadd.s32 $0xFFFFC000  }
0xc3: {  	[tilespmem:s16], [sflag:$0x2] =	stream.indirect.gather [hbm4b:s4+s15], $0x80, s6, s15, $0xb8;
	[tilespmem:$0x1CC00] =	vst v63  }
0xc4: {  	_ =	swait.ge [sflag:s17], $0x4000  }
0xc5: {  	[sflag:s17] =	ssyncset.done $0x0  }
0xc6: {  	[sflag:s17] =	ssyncadd.s32 $0xFFFFC000  }
0xc7: {  	[spmem:s2] =	stream.indirect.scatter.add.f32 [tilespmem:s12], [sflag:$0x3], $0x80, s7, s15, $0xb8;
	[tilespmem:$0x1CC00] =	vst v63  }
0xc8: {  	_ =	swait.ge [sflag:s13], $0x4000  }
0xc9: {  	[sflag:s13] =	ssyncset.done $0x0  }
0xca: {  	[sflag:s13] =	ssyncadd.s32 $0xFFFFC000  }
0xcb: {  	_ =	swait.ge [sflag:s18], $0x4000  }
0xcc: {  	[sflag:s18] =	ssyncset.done $0x0  }
0xcd: {  	[sflag:s18] =	ssyncadd.s32 $0xFFFFC000  }
0xce: {  	[spmem:s2] =	stream.indirect.scatter.add.f32 [tilespmem:s16], [sflag:$0x3], $0x80, s8, s15, $0xb8;
	[tilespmem:$0x1CC00] =	vst v63  }
0xcf: {  	s10 =	simm.s32 $0x100;
	_ =	swait.ge [sflag:s13], $0x4000  }
0xd0: {  	s11 =	simm.s32 $0x200;
	s5 =	rddreg [dreg:$0x5];
	[sflag:s13] =	ssyncset.done $0x0  }
.LBB2_4:
0xd1: {  	[sflag:s13] =	ssyncadd.s32 $0xFFFFC000;
	s5 =	sadd.s32 s10, s5  }
0xd2: {  	[tilespmem:s3], [sflag:$0x3] =	stream.linear.gather [hbm4b:s5+s3], $0x800, $0x38;
	[tilespmem:$0x1CC00] =	vst v63  }
0xd3: {  	_ =	swait.ge [sflag:s13], $0x800  }
0xd4: {  	s5 =	rddreg [dreg:$0x4];
	[sflag:s13] =	ssyncset.done $0x0  }
0xd5: {  	[sflag:s13] =	ssyncadd.s32 $0xFFFFF800;
	s5 =	sadd.s32 s10, s5  }
0xd6: {  	[tilespmem:s14], [sflag:$0x3] =	stream.linear.gather [hbm4b:s5+s3], $0x800, $0x38;
	[tilespmem:$0x1CC00] =	vst v63  }
0xd7: {  	_ =	swait.ge [sflag:s13], $0x800  }
0xd8: {  	[sflag:s13] =	ssyncset.done $0x0  }
0xd9: {  	[sflag:s13] =	ssyncadd.s32 $0xFFFFF800  }
0xda: {  	[tilespmem:s12], [sflag:$0x1] =	stream.indirect.gather [hbm4b:s4+s15], $0x80, s3, s15, $0xb8;
	[tilespmem:$0x1CC00] =	vst v63  }
0xdb: {  	_ = 	snop  }
0xdc: {  	[tilespmem:s16], [sflag:$0x2] =	stream.indirect.gather [hbm4b:s4+s15], $0x80, s15, s15, $0xb8;
	[tilespmem:$0x1CC00] =	vst v63  }
0xdd: {  	_ =	swait.ge [sflag:s17], $0x4000  }
0xde: {  	[sflag:s17] =	ssyncset.done $0x0  }
0xdf: {  	[sflag:s17] =	ssyncadd.s32 $0xFFFFC000  }
0xe0: {  	[spmem:s2] =	stream.indirect.scatter.add.f32 [tilespmem:s12], [sflag:$0x3], $0x80, s14, s15, $0xb8;
	[tilespmem:$0x1CC00] =	vst v63  }
0xe1: {  	_ =	swait.ge [sflag:s13], $0x4000  }
0xe2: {  	s9 =	smov.u32 s11;
	[sflag:s13] =	ssyncset.done $0x0  }
0xe3: {  	s10 =	smov.u32 s9;
	s9 =	rddreg [dreg:$0x6];
	[sflag:s13] =	ssyncadd.s32 $0xFFFFC000  }
0xe4: {  	[tilespmem:s12], [sflag:$0x1] =	stream.indirect.gather [hbm4b:s4+s15], $0x80, s9, s15, $0xb8;
	[tilespmem:$0x1CC00] =	vst v63  }
0xe5: {  	_ =	swait.ge [sflag:s18], $0x4000  }
0xe6: {  	[sflag:s18] =	ssyncset.done $0x0  }
0xe7: {  	s9 =	rddreg [dreg:$0x7];
	[sflag:s18] =	ssyncadd.s32 $0xFFFFC000  }
0xe8: {  	[spmem:s2] =	stream.indirect.scatter.add.f32 [tilespmem:s16], [sflag:$0x3], $0x80, s9, s15, $0xb8;
	[tilespmem:$0x1CC00] =	vst v63  }
0xe9: {  	_ =	swait.ge [sflag:s13], $0x4000  }
0xea: {  	[sflag:s13] =	ssyncset.done $0x0  }
0xeb: {  	s9 =	rddreg [dreg:$0x8];
	[sflag:s13] =	ssyncadd.s32 $0xFFFFC000  }
0xec: {  	[tilespmem:s16], [sflag:$0x2] =	stream.indirect.gather [hbm4b:s4+s15], $0x80, s9, s15, $0xb8;
	[tilespmem:$0x1CC00] =	vst v63  }
0xed: {  	_ =	swait.ge [sflag:s17], $0x4000  }
0xee: {  	[sflag:s17] =	ssyncset.done $0x0  }
0xef: {  	s9 =	rddreg [dreg:$0x9];
	[sflag:s17] =	ssyncadd.s32 $0xFFFFC000  }
0xf0: {  	[spmem:s2] =	stream.indirect.scatter.add.f32 [tilespmem:s12], [sflag:$0x3], $0x80, s9, s15, $0xb8;
	[tilespmem:$0x1CC00] =	vst v63  }
0xf1: {  	_ =	swait.ge [sflag:s13], $0x4000  }
0xf2: {  	[sflag:s13] =	ssyncset.done $0x0  }
0xf3: {  	s9 =	rddreg [dreg:$0xa];
	[sflag:s13] =	ssyncadd.s32 $0xFFFFC000  }
0xf4: {  	[tilespmem:s12], [sflag:$0x1] =	stream.indirect.gather [hbm4b:s4+s15], $0x80, s9, s15, $0xb8;
	[tilespmem:$0x1CC00] =	vst v63  }
0xf5: {  	_ =	swait.ge [sflag:s18], $0x4000  }
0xf6: {  	[sflag:s18] =	ssyncset.done $0x0  }
0xf7: {  	s9 =	rddreg [dreg:$0xb];
	[sflag:s18] =	ssyncadd.s32 $0xFFFFC000  }
0xf8: {  	[spmem:s2] =	stream.indirect.scatter.add.f32 [tilespmem:s16], [sflag:$0x3], $0x80, s9, s15, $0xb8;
	[tilespmem:$0x1CC00] =	vst v63  }
0xf9: {  	_ =	swait.ge [sflag:s13], $0x4000  }
0xfa: {  	[sflag:s13] =	ssyncset.done $0x0  }
0xfb: {  	s9 =	rddreg [dreg:$0xc];
	[sflag:s13] =	ssyncadd.s32 $0xFFFFC000  }
0xfc: {  	[tilespmem:s16], [sflag:$0x2] =	stream.indirect.gather [hbm4b:s4+s15], $0x80, s9, s15, $0xb8;
	[tilespmem:$0x1CC00] =	vst v63  }
0xfd: {  	_ =	swait.ge [sflag:s17], $0x4000  }
0xfe: {  	[sflag:s17] =	ssyncset.done $0x0  }
0xff: {  	s9 =	rddreg [dreg:$0xd];
	[sflag:s17] =	ssyncadd.s32 $0xFFFFC000  }
0x100: {  	[spmem:s2] =	stream.indirect.scatter.add.f32 [tilespmem:s12], [sflag:$0x3], $0x80, s9, s15, $0xb8;
	[tilespmem:$0x1CC00] =	vst v63  }
0x101: {  	_ =	swait.ge [sflag:s13], $0x4000  }
0x102: {  	[sflag:s13] =	ssyncset.done $0x0  }
0x103: {  	s9 =	rddreg [dreg:$0xe];
	[sflag:s13] =	ssyncadd.s32 $0xFFFFC000  }
0x104: {  	[tilespmem:s12], [sflag:$0x1] =	stream.indirect.gather [hbm4b:s4+s15], $0x80, s9, s15, $0xb8;
	[tilespmem:$0x1CC00] =	vst v63  }
0x105: {  	_ =	swait.ge [sflag:s18], $0x4000  }
0x106: {  	[sflag:s18] =	ssyncset.done $0x0  }
0x107: {  	s9 =	rddreg [dreg:$0xf];
	[sflag:s18] =	ssyncadd.s32 $0xFFFFC000  }
0x108: {  	[spmem:s2] =	stream.indirect.scatter.add.f32 [tilespmem:s16], [sflag:$0x3], $0x80, s9, s15, $0xb8;
	[tilespmem:$0x1CC00] =	vst v63  }
0x109: {  	_ =	swait.ge [sflag:s13], $0x4000  }
0x10a: {  	[sflag:s13] =	ssyncset.done $0x0  }
0x10b: {  	s9 =	rddreg [dreg:$0x10];
	[sflag:s13] =	ssyncadd.s32 $0xFFFFC000  }
0x10c: {  	[tilespmem:s16], [sflag:$0x2] =	stream.indirect.gather [hbm4b:s4+s15], $0x80, s9, s15, $0xb8;
	[tilespmem:$0x1CC00] =	vst v63  }
0x10d: {  	_ =	swait.ge [sflag:s17], $0x4000  }
0x10e: {  	[sflag:s17] =	ssyncset.done $0x0  }
0x10f: {  	s9 =	rddreg [dreg:$0x11];
	[sflag:s17] =	ssyncadd.s32 $0xFFFFC000  }
0x110: {  	[spmem:s2] =	stream.indirect.scatter.add.f32 [tilespmem:s12], [sflag:$0x3], $0x80, s9, s15, $0xb8;
	[tilespmem:$0x1CC00] =	vst v63  }
0x111: {  	_ =	swait.ge [sflag:s13], $0x4000  }
0x112: {  	[sflag:s13] =	ssyncset.done $0x0  }
0x113: {  	[sflag:s13] =	ssyncadd.s32 $0xFFFFC000  }
0x114: {  	[tilespmem:s12], [sflag:$0x1] =	stream.indirect.gather [hbm4b:s4+s15], $0x80, s19, s15, $0xb8;
	[tilespmem:$0x1CC00] =	vst v63  }
0x115: {  	_ =	swait.ge [sflag:s18], $0x4000  }
0x116: {  	[sflag:s18] =	ssyncset.done $0x0  }
0x117: {  	[sflag:s18] =	ssyncadd.s32 $0xFFFFC000  }
0x118: {  	[spmem:s2] =	stream.indirect.scatter.add.f32 [tilespmem:s16], [sflag:$0x3], $0x80, s20, s15, $0xb8;
	[tilespmem:$0x1CC00] =	vst v63  }
0x119: {  	_ =	swait.ge [sflag:s13], $0x4000  }
0x11a: {  	[sflag:s13] =	ssyncset.done $0x0  }
0x11b: {  	[sflag:s13] =	ssyncadd.s32 $0xFFFFC000  }
0x11c: {  	[tilespmem:s16], [sflag:$0x2] =	stream.indirect.gather [hbm4b:s4+s15], $0x80, s21, s15, $0xb8;
	[tilespmem:$0x1CC00] =	vst v63  }
0x11d: {  	_ =	swait.ge [sflag:s17], $0x4000  }
0x11e: {  	[sflag:s17] =	ssyncset.done $0x0  }
0x11f: {  	[sflag:s17] =	ssyncadd.s32 $0xFFFFC000  }
0x120: {  	[spmem:s2] =	stream.indirect.scatter.add.f32 [tilespmem:s12], [sflag:$0x3], $0x80, s22, s15, $0xb8;
	[tilespmem:$0x1CC00] =	vst v63  }
0x121: {  	_ =	swait.ge [sflag:s13], $0x4000  }
0x122: {  	[sflag:s13] =	ssyncset.done $0x0  }
0x123: {  	[sflag:s13] =	ssyncadd.s32 $0xFFFFC000  }
0x124: {  	[tilespmem:s12], [sflag:$0x1] =	stream.indirect.gather [hbm4b:s4+s15], $0x80, s23, s15, $0xb8;
	[tilespmem:$0x1CC00] =	vst v63  }
0x125: {  	_ =	swait.ge [sflag:s18], $0x4000  }
0x126: {  	[sflag:s18] =	ssyncset.done $0x0  }
0x127: {  	[sflag:s18] =	ssyncadd.s32 $0xFFFFC000  }
0x128: {  	[spmem:s2] =	stream.indirect.scatter.add.f32 [tilespmem:s16], [sflag:$0x3], $0x80, s24, s15, $0xb8;
	[tilespmem:$0x1CC00] =	vst v63  }
0x129: {  	_ =	swait.ge [sflag:s13], $0x4000  }
0x12a: {  	[sflag:s13] =	ssyncset.done $0x0  }
0x12b: {  	[sflag:s13] =	ssyncadd.s32 $0xFFFFC000  }
0x12c: {  	[tilespmem:s16], [sflag:$0x2] =	stream.indirect.gather [hbm4b:s4+s15], $0x80, s25, s15, $0xb8;
	[tilespmem:$0x1CC00] =	vst v63  }
0x12d: {  	_ =	swait.ge [sflag:s17], $0x4000  }
0x12e: {  	[sflag:s17] =	ssyncset.done $0x0  }
0x12f: {  	[sflag:s17] =	ssyncadd.s32 $0xFFFFC000  }
0x130: {  	[spmem:s2] =	stream.indirect.scatter.add.f32 [tilespmem:s12], [sflag:$0x3], $0x80, s26, s15, $0xb8;
	[tilespmem:$0x1CC00] =	vst v63  }
0x131: {  	_ =	swait.ge [sflag:s13], $0x4000  }
0x132: {  	[sflag:s13] =	ssyncset.done $0x0  }
0x133: {  	[sflag:s13] =	ssyncadd.s32 $0xFFFFC000  }
0x134: {  	[tilespmem:s12], [sflag:$0x1] =	stream.indirect.gather [hbm4b:s4+s15], $0x80, s28, s15, $0xb8;
	[tilespmem:$0x1CC00] =	vst v63  }
0x135: {  	_ =	swait.ge [sflag:s18], $0x4000  }
0x136: {  	[sflag:s18] =	ssyncset.done $0x0  }
0x137: {  	[sflag:s18] =	ssyncadd.s32 $0xFFFFC000  }
0x138: {  	[spmem:s2] =	stream.indirect.scatter.add.f32 [tilespmem:s16], [sflag:$0x3], $0x80, s29, s15, $0xb8;
	[tilespmem:$0x1CC00] =	vst v63  }
0x139: {  	_ =	swait.ge [sflag:s13], $0x4000  }
0x13a: {  	[sflag:s13] =	ssyncset.done $0x0  }
0x13b: {  	[sflag:s13] =	ssyncadd.s32 $0xFFFFC000  }
0x13c: {  	[tilespmem:s16], [sflag:$0x2] =	stream.indirect.gather [hbm4b:s4+s15], $0x80, s30, s15, $0xb8;
	[tilespmem:$0x1CC00] =	vst v63  }
0x13d: {  	_ =	swait.ge [sflag:s17], $0x4000  }
0x13e: {  	[sflag:s17] =	ssyncset.done $0x0  }
0x13f: {  	[sflag:s17] =	ssyncadd.s32 $0xFFFFC000  }
0x140: {  	[spmem:s2] =	stream.indirect.scatter.add.f32 [tilespmem:s12], [sflag:$0x3], $0x80, s31, s15, $0xb8;
	[tilespmem:$0x1CC00] =	vst v63  }
0x141: {  	_ =	swait.ge [sflag:s13], $0x4000  }
0x142: {  	[sflag:s13] =	ssyncset.done $0x0  }
0x143: {  	[sflag:s13] =	ssyncadd.s32 $0xFFFFC000  }
0x144: {  	[tilespmem:s12], [sflag:$0x1] =	stream.indirect.gather [hbm4b:s4+s15], $0x80, s1, s15, $0xb8;
	[tilespmem:$0x1CC00] =	vst v63  }
0x145: {  	_ =	swait.ge [sflag:s18], $0x4000  }
0x146: {  	[sflag:s18] =	ssyncset.done $0x0  }
0x147: {  	[sflag:s18] =	ssyncadd.s32 $0xFFFFC000  }
0x148: {  	[spmem:s2] =	stream.indirect.scatter.add.f32 [tilespmem:s16], [sflag:$0x3], $0x80, s0, s15, $0xb8;
	[tilespmem:$0x1CC00] =	vst v63  }
0x149: {  	_ =	swait.ge [sflag:s13], $0x4000  }
0x14a: {  	[sflag:s13] =	ssyncset.done $0x0  }
0x14b: {  	[sflag:s13] =	ssyncadd.s32 $0xFFFFC000  }
0x14c: {  	[tilespmem:s16], [sflag:$0x2] =	stream.indirect.gather [hbm4b:s4+s15], $0x80, s6, s15, $0xb8;
	[tilespmem:$0x1CC00] =	vst v63  }
0x14d: {  	_ =	swait.ge [sflag:s17], $0x4000  }
0x14e: {  	[sflag:s17] =	ssyncset.done $0x0  }
0x14f: {  	[sflag:s17] =	ssyncadd.s32 $0xFFFFC000  }
0x150: {  	[spmem:s2] =	stream.indirect.scatter.add.f32 [tilespmem:s12], [sflag:$0x3], $0x80, s7, s15, $0xb8;
	[tilespmem:$0x1CC00] =	vst v63  }
0x151: {  	_ =	swait.ge [sflag:s13], $0x4000  }
0x152: {  	[sflag:s13] =	ssyncset.done $0x0  }
0x153: {  	[sflag:s13] =	ssyncadd.s32 $0xFFFFC000  }
0x154: {  	p0 =	sne.s32 s11, $0x400;
	_ =	swait.ge [sflag:s18], $0x4000  }
.Ltmp1:
0x155: {  	[sflag:s18] =	ssyncset.done $0x0;
	(pc) =	sbr.rel @p0 .LBB2_4-.Ltmp1, $4  }
0x156: {  	[sflag:s18] =	ssyncadd.s32 $0xFFFFC000  }
0x157: {  	[spmem:s2] =	stream.indirect.scatter.add.f32 [tilespmem:s16], [sflag:$0x3], $0x80, s8, s15, $0xb8;
	[tilespmem:$0x1CC00] =	vst v63  }
0x158: {  	_ =	swait.ge [sflag:s13], $0x4000  }
0x159: {  	s11 =	sadd.s32 $0x100, s11;
	s5 =	rddreg [dreg:$0x5];
	[sflag:s13] =	ssyncset.done $0x0  }
0x15a: {  	[sflag:s13] =	ssyncadd.s32 $0xFFFFC000;
	s5 =	sadd.s32 s10, s5  }
0x15b: {  	[tilespmem:s3], [sflag:$0x3] =	stream.linear.gather [hbm4b:s5+s3], $0x800, $0x38;
	[tilespmem:$0x1CC00] =	vst v63  }
0x15c: {  	_ =	swait.ge [sflag:s13], $0x800  }
0x15d: {  	s9 =	rddreg [dreg:$0x4];
	[sflag:s13] =	ssyncset.done $0x0  }
0x15e: {  	[sflag:s13] =	ssyncadd.s32 $0xFFFFF800;
	s5 =	sadd.s32 s10, s9  }
0x15f: {  	[tilespmem:s14], [sflag:$0x3] =	stream.linear.gather [hbm4b:s5+s3], $0x800, $0x38;
	[tilespmem:$0x1CC00] =	vst v63  }
0x160: {  	_ =	swait.ge [sflag:s13], $0x800  }
0x161: {  	[sflag:s13] =	ssyncset.done $0x0  }
0x162: {  	[sflag:s13] =	ssyncadd.s32 $0xFFFFF800  }
0x163: {  	[tilespmem:s12], [sflag:$0x1] =	stream.indirect.gather [hbm4b:s4+s15], $0x80, s3, s15, $0xb8;
	[tilespmem:$0x1CC00] =	vst v63  }
0x164: {  	_ = 	snop  }
0x165: {  	[tilespmem:s16], [sflag:$0x2] =	stream.indirect.gather [hbm4b:s4+s15], $0x80, s15, s15, $0xb8;
	[tilespmem:$0x1CC00] =	vst v63  }
0x166: {  	_ =	swait.ge [sflag:s17], $0x4000  }
0x167: {  	[sflag:s17] =	ssyncset.done $0x0  }
0x168: {  	[sflag:s17] =	ssyncadd.s32 $0xFFFFC000  }
0x169: {  	[spmem:s2] =	stream.indirect.scatter.add.f32 [tilespmem:s12], [sflag:$0x3], $0x80, s14, s15, $0xb8;
	[tilespmem:$0x1CC00] =	vst v63  }
0x16a: {  	_ =	swait.ge [sflag:s13], $0x4000  }
0x16b: {  	[sflag:s13] =	ssyncset.done $0x0  }
0x16c: {  	s10 =	rddreg [dreg:$0x6];
	[sflag:s13] =	ssyncadd.s32 $0xFFFFC000  }
0x16d: {  	[tilespmem:s12], [sflag:$0x1] =	stream.indirect.gather [hbm4b:s4+s15], $0x80, s10, s15, $0xb8;
	[tilespmem:$0x1CC00] =	vst v63  }
0x16e: {  	_ =	swait.ge [sflag:s18], $0x4000  }
0x16f: {  	[sflag:s18] =	ssyncset.done $0x0  }
0x170: {  	s11 =	rddreg [dreg:$0x7];
	[sflag:s18] =	ssyncadd.s32 $0xFFFFC000  }
0x171: {  	[spmem:s2] =	stream.indirect.scatter.add.f32 [tilespmem:s16], [sflag:$0x3], $0x80, s11, s15, $0xb8;
	[tilespmem:$0x1CC00] =	vst v63  }
0x172: {  	_ =	swait.ge [sflag:s13], $0x4000  }
0x173: {  	[sflag:s13] =	ssyncset.done $0x0  }
0x174: {  	s9 =	rddreg [dreg:$0x8];
	[sflag:s13] =	ssyncadd.s32 $0xFFFFC000  }
0x175: {  	[tilespmem:s16], [sflag:$0x2] =	stream.indirect.gather [hbm4b:s4+s15], $0x80, s9, s15, $0xb8;
	[tilespmem:$0x1CC00] =	vst v63  }
0x176: {  	_ =	swait.ge [sflag:s17], $0x4000  }
0x177: {  	[sflag:s17] =	ssyncset.done $0x0  }
0x178: {  	s10 =	rddreg [dreg:$0x9];
	[sflag:s17] =	ssyncadd.s32 $0xFFFFC000  }
0x179: {  	[spmem:s2] =	stream.indirect.scatter.add.f32 [tilespmem:s12], [sflag:$0x3], $0x80, s10, s15, $0xb8;
	[tilespmem:$0x1CC00] =	vst v63  }
0x17a: {  	_ =	swait.ge [sflag:s13], $0x4000  }
0x17b: {  	[sflag:s13] =	ssyncset.done $0x0  }
0x17c: {  	s11 =	rddreg [dreg:$0xa];
	[sflag:s13] =	ssyncadd.s32 $0xFFFFC000  }
0x17d: {  	[tilespmem:s12], [sflag:$0x1] =	stream.indirect.gather [hbm4b:s4+s15], $0x80, s11, s15, $0xb8;
	[tilespmem:$0x1CC00] =	vst v63  }
0x17e: {  	_ =	swait.ge [sflag:s18], $0x4000  }
0x17f: {  	[sflag:s18] =	ssyncset.done $0x0  }
0x180: {  	s9 =	rddreg [dreg:$0xb];
	[sflag:s18] =	ssyncadd.s32 $0xFFFFC000  }
0x181: {  	[spmem:s2] =	stream.indirect.scatter.add.f32 [tilespmem:s16], [sflag:$0x3], $0x80, s9, s15, $0xb8;
	[tilespmem:$0x1CC00] =	vst v63  }
0x182: {  	_ =	swait.ge [sflag:s13], $0x4000  }
0x183: {  	[sflag:s13] =	ssyncset.done $0x0  }
0x184: {  	s10 =	rddreg [dreg:$0xc];
	[sflag:s13] =	ssyncadd.s32 $0xFFFFC000  }
0x185: {  	[tilespmem:s16], [sflag:$0x2] =	stream.indirect.gather [hbm4b:s4+s15], $0x80, s10, s15, $0xb8;
	[tilespmem:$0x1CC00] =	vst v63  }
0x186: {  	_ =	swait.ge [sflag:s17], $0x4000  }
0x187: {  	[sflag:s17] =	ssyncset.done $0x0  }
0x188: {  	s11 =	rddreg [dreg:$0xd];
	[sflag:s17] =	ssyncadd.s32 $0xFFFFC000  }
0x189: {  	[spmem:s2] =	stream.indirect.scatter.add.f32 [tilespmem:s12], [sflag:$0x3], $0x80, s11, s15, $0xb8;
	[tilespmem:$0x1CC00] =	vst v63  }
0x18a: {  	_ =	swait.ge [sflag:s13], $0x4000  }
0x18b: {  	[sflag:s13] =	ssyncset.done $0x0  }
0x18c: {  	s9 =	rddreg [dreg:$0xe];
	[sflag:s13] =	ssyncadd.s32 $0xFFFFC000  }
0x18d: {  	[tilespmem:s12], [sflag:$0x1] =	stream.indirect.gather [hbm4b:s4+s15], $0x80, s9, s15, $0xb8;
	[tilespmem:$0x1CC00] =	vst v63  }
0x18e: {  	_ =	swait.ge [sflag:s18], $0x4000  }
0x18f: {  	[sflag:s18] =	ssyncset.done $0x0  }
0x190: {  	s10 =	rddreg [dreg:$0xf];
	[sflag:s18] =	ssyncadd.s32 $0xFFFFC000  }
0x191: {  	[spmem:s2] =	stream.indirect.scatter.add.f32 [tilespmem:s16], [sflag:$0x3], $0x80, s10, s15, $0xb8;
	[tilespmem:$0x1CC00] =	vst v63  }
0x192: {  	_ =	swait.ge [sflag:s13], $0x4000  }
0x193: {  	[sflag:s13] =	ssyncset.done $0x0  }
0x194: {  	s11 =	rddreg [dreg:$0x10];
	[sflag:s13] =	ssyncadd.s32 $0xFFFFC000  }
0x195: {  	[tilespmem:s16], [sflag:$0x2] =	stream.indirect.gather [hbm4b:s4+s15], $0x80, s11, s15, $0xb8;
	[tilespmem:$0x1CC00] =	vst v63  }
0x196: {  	_ =	swait.ge [sflag:s17], $0x4000  }
0x197: {  	[sflag:s17] =	ssyncset.done $0x0  }
0x198: {  	s9 =	rddreg [dreg:$0x11];
	[sflag:s17] =	ssyncadd.s32 $0xFFFFC000  }
0x199: {  	[spmem:s2] =	stream.indirect.scatter.add.f32 [tilespmem:s12], [sflag:$0x3], $0x80, s9, s15, $0xb8;
	[tilespmem:$0x1CC00] =	vst v63  }
0x19a: {  	_ =	swait.ge [sflag:s13], $0x4000  }
0x19b: {  	[sflag:s13] =	ssyncset.done $0x0  }
0x19c: {  	[sflag:s13] =	ssyncadd.s32 $0xFFFFC000  }
0x19d: {  	[tilespmem:s12], [sflag:$0x1] =	stream.indirect.gather [hbm4b:s4+s15], $0x80, s19, s15, $0xb8;
	[tilespmem:$0x1CC00] =	vst v63  }
0x19e: {  	_ =	swait.ge [sflag:s18], $0x4000  }
0x19f: {  	[sflag:s18] =	ssyncset.done $0x0  }
0x1a0: {  	[sflag:s18] =	ssyncadd.s32 $0xFFFFC000  }
0x1a1: {  	[spmem:s2] =	stream.indirect.scatter.add.f32 [tilespmem:s16], [sflag:$0x3], $0x80, s20, s15, $0xb8;
	[tilespmem:$0x1CC00] =	vst v63  }
0x1a2: {  	_ =	swait.ge [sflag:s13], $0x4000  }
0x1a3: {  	[sflag:s13] =	ssyncset.done $0x0  }
0x1a4: {  	[sflag:s13] =	ssyncadd.s32 $0xFFFFC000  }
0x1a5: {  	[tilespmem:s16], [sflag:$0x2] =	stream.indirect.gather [hbm4b:s4+s15], $0x80, s21, s15, $0xb8;
	[tilespmem:$0x1CC00] =	vst v63  }
0x1a6: {  	_ =	swait.ge [sflag:s17], $0x4000  }
0x1a7: {  	[sflag:s17] =	ssyncset.done $0x0  }
0x1a8: {  	[sflag:s17] =	ssyncadd.s32 $0xFFFFC000  }
0x1a9: {  	[spmem:s2] =	stream.indirect.scatter.add.f32 [tilespmem:s12], [sflag:$0x3], $0x80, s22, s15, $0xb8;
	[tilespmem:$0x1CC00] =	vst v63  }
0x1aa: {  	_ =	swait.ge [sflag:s13], $0x4000  }
0x1ab: {  	[sflag:s13] =	ssyncset.done $0x0  }
0x1ac: {  	[sflag:s13] =	ssyncadd.s32 $0xFFFFC000  }
0x1ad: {  	[tilespmem:s12], [sflag:$0x1] =	stream.indirect.gather [hbm4b:s4+s15], $0x80, s23, s15, $0xb8;
	[tilespmem:$0x1CC00] =	vst v63  }
0x1ae: {  	_ =	swait.ge [sflag:s18], $0x4000  }
0x1af: {  	[sflag:s18] =	ssyncset.done $0x0  }
0x1b0: {  	[sflag:s18] =	ssyncadd.s32 $0xFFFFC000  }
0x1b1: {  	[spmem:s2] =	stream.indirect.scatter.add.f32 [tilespmem:s16], [sflag:$0x3], $0x80, s24, s15, $0xb8;
	[tilespmem:$0x1CC00] =	vst v63  }
0x1b2: {  	_ =	swait.ge [sflag:s13], $0x4000  }
0x1b3: {  	[sflag:s13] =	ssyncset.done $0x0  }
0x1b4: {  	[sflag:s13] =	ssyncadd.s32 $0xFFFFC000  }
0x1b5: {  	[tilespmem:s16], [sflag:$0x2] =	stream.indirect.gather [hbm4b:s4+s15], $0x80, s25, s15, $0xb8;
	[tilespmem:$0x1CC00] =	vst v63  }
0x1b6: {  	_ =	swait.ge [sflag:s17], $0x4000  }
0x1b7: {  	[sflag:s17] =	ssyncset.done $0x0  }
0x1b8: {  	[sflag:s17] =	ssyncadd.s32 $0xFFFFC000  }
0x1b9: {  	[spmem:s2] =	stream.indirect.scatter.add.f32 [tilespmem:s12], [sflag:$0x3], $0x80, s26, s15, $0xb8;
	[tilespmem:$0x1CC00] =	vst v63  }
0x1ba: {  	_ =	swait.ge [sflag:s13], $0x4000  }
0x1bb: {  	[sflag:s13] =	ssyncset.done $0x0  }
0x1bc: {  	[sflag:s13] =	ssyncadd.s32 $0xFFFFC000  }
0x1bd: {  	[tilespmem:s12], [sflag:$0x1] =	stream.indirect.gather [hbm4b:s4+s15], $0x80, s28, s15, $0xb8;
	[tilespmem:$0x1CC00] =	vst v63  }
0x1be: {  	_ =	swait.ge [sflag:s18], $0x4000  }
0x1bf: {  	[sflag:s18] =	ssyncset.done $0x0  }
0x1c0: {  	[sflag:s18] =	ssyncadd.s32 $0xFFFFC000  }
0x1c1: {  	[spmem:s2] =	stream.indirect.scatter.add.f32 [tilespmem:s16], [sflag:$0x3], $0x80, s29, s15, $0xb8;
	[tilespmem:$0x1CC00] =	vst v63  }
0x1c2: {  	_ =	swait.ge [sflag:s13], $0x4000  }
0x1c3: {  	[sflag:s13] =	ssyncset.done $0x0  }
0x1c4: {  	[sflag:s13] =	ssyncadd.s32 $0xFFFFC000  }
0x1c5: {  	[tilespmem:s16], [sflag:$0x2] =	stream.indirect.gather [hbm4b:s4+s15], $0x80, s30, s15, $0xb8;
	[tilespmem:$0x1CC00] =	vst v63  }
0x1c6: {  	_ =	swait.ge [sflag:s17], $0x4000  }
0x1c7: {  	[sflag:s17] =	ssyncset.done $0x0  }
0x1c8: {  	[sflag:s17] =	ssyncadd.s32 $0xFFFFC000  }
0x1c9: {  	[spmem:s2] =	stream.indirect.scatter.add.f32 [tilespmem:s12], [sflag:$0x3], $0x80, s31, s15, $0xb8;
	[tilespmem:$0x1CC00] =	vst v63  }
0x1ca: {  	_ =	swait.ge [sflag:s13], $0x4000  }
0x1cb: {  	[sflag:s13] =	ssyncset.done $0x0  }
0x1cc: {  	[sflag:s13] =	ssyncadd.s32 $0xFFFFC000  }
0x1cd: {  	[tilespmem:s12], [sflag:$0x1] =	stream.indirect.gather [hbm4b:s4+s15], $0x80, s1, s15, $0xb8;
	[tilespmem:$0x1CC00] =	vst v63  }
0x1ce: {  	_ =	swait.ge [sflag:s18], $0x4000  }
0x1cf: {  	[sflag:s18] =	ssyncset.done $0x0  }
0x1d0: {  	[sflag:s18] =	ssyncadd.s32 $0xFFFFC000  }
0x1d1: {  	[spmem:s2] =	stream.indirect.scatter.add.f32 [tilespmem:s16], [sflag:$0x3], $0x80, s0, s15, $0xb8;
	[tilespmem:$0x1CC00] =	vst v63  }
0x1d2: {  	_ =	swait.ge [sflag:s13], $0x4000  }
0x1d3: {  	[sflag:s13] =	ssyncset.done $0x0  }
0x1d4: {  	[sflag:s13] =	ssyncadd.s32 $0xFFFFC000  }
0x1d5: {  	[tilespmem:s16], [sflag:$0x2] =	stream.indirect.gather [hbm4b:s4+s15], $0x80, s6, s15, $0xb8;
	[tilespmem:$0x1CC00] =	vst v63  }
0x1d6: {  	_ =	swait.ge [sflag:s17], $0x4000  }
0x1d7: {  	[sflag:s17] =	ssyncset.done $0x0  }
0x1d8: {  	[sflag:s17] =	ssyncadd.s32 $0xFFFFC000  }
0x1d9: {  	[spmem:s2] =	stream.indirect.scatter.add.f32 [tilespmem:s12], [sflag:$0x3], $0x80, s7, s15, $0xb8;
	[tilespmem:$0x1CC00] =	vst v63  }
0x1da: {  	_ =	swait.ge [sflag:s13], $0x4000  }
0x1db: {  	[sflag:s13] =	ssyncset.done $0x0  }
0x1dc: {  	[sflag:s13] =	ssyncadd.s32 $0xFFFFC000  }
0x1dd: {  	_ =	swait.ge [sflag:s18], $0x4000  }
0x1de: {  	[sflag:s18] =	ssyncset.done $0x0  }
0x1df: {  	[sflag:s18] =	ssyncadd.s32 $0xFFFFC000  }
0x1e0: {  	[spmem:s2] =	stream.indirect.scatter.add.f32 [tilespmem:s16], [sflag:$0x3], $0x80, s8, s15, $0xb8;
	[tilespmem:$0x1CC00] =	vst v63  }
0x1e1: {  	_ =	swait.ge [sflag:s13], $0x4000  }
0x1e2: {  	[sflag:s13] =	ssyncset.done $0x0  }
0x1e3: {  	[sflag:s13] =	ssyncadd.s32 $0xFFFFC000  }
0x1e4: {  	s10 =	stileid.u32;
	[bflag:$0x0] =	sbarrier.arrive $0xFFFF  }
0x1e5: {  	s5 =	sshll.u32 s10, $0x6;
	s9 =	rddreg [dreg:$0x12]  }
0x1e6: {  	s5 =	sor.u32 $0x1C03, s5;
	s11 =	rddreg [dreg:$0x14];
	s9 =	sshrl.u32 s9, $0x3  }
0x1e7: {  	[hbm:s11], [sflag:s5] =	dma.local [spmem:s9], $0x2780  }
0x1e8: {  	_ =	swait.ge [sflag:s13], $0x2780  }
0x1e9: {  	s10 =	rddreg [dreg:$0x19]  }
0x1ea: {  	s11 =	rddreg [dreg:$0x15];
	s9 =	sadd.s32 $0x1, s10  }
0x1eb: {  	p0 =	sne.s32 s9, s11  }
.Ltmp2:
0x1ec: {  	_ = 	snop;
	(pc) =	sbr.rel @p0 .LBB2_1-.Ltmp2, $3  }
0x1ed: {  	_ =	sdelay $0x1  }
0x1ee: {  	[sflag:s13] =	ssyncset.done $0x0  }
0x1ef: {  	[sflag:s13] =	ssyncadd.s32 $0xFFFFD880  }
0x1f0: {  	_ =	sfence.sel $0x180000  }
0x1f1: {  	[bflag:$0x0] =	sbarrier.arrive $0xFFFF  }
0x1f2: {  	_ =	strace $0x9000004A  }
0x1f3: {  	s0 =	stileid.u32;
	[bflag:$0x2] =	sbarrier.arrive $0xFFFF  }
0x1f4: {  	p0 =	sne.s32 s0, $0x0;
	s0 =	rddreg [dreg:$0x3]  }
0x1f5: {  	s0 =	sadd.s32 @!p0 $0x100000, s0  }
0x1f6: {  	[sflag:s0] =	ssyncadd.tile.s32 @!p0 $0x1;
	_ =	shalt  }
.Lfunc_end2:
_tile_overlayer_lowered:
.L_overlay_start_2:
0x1f7: {  	(tag) =	ssettag $0x2  }
0x1f8: {  	s0 =	rddreg [dreg:$0x0];
	s2 =	stileid.u32  }
0x1f9: {  	s1 =	rddreg [dreg:$0x1];
	p0 =	sne.s32 s2, $0x0  }
0x1fa: {  	s3 =	rddreg [dreg:$0x2];
	[bflag:$0x3] =	sbarrier.arrive $0xFFFF;
	s2 =	simm.s32 @!p0 $0x1C03  }
0x1fb: {  	[timem:s3], [sflag:s2] =	dma.local @!p0 [hbm:s0], s1  }
0x1fc: {  	s0 =	simm.s32 @!p0 $0x3  }
0x1fd: {  	_ =	swait.ge @!p0 [sflag:s0], s1  }
0x1fe: {  	s1 =	ssub.s32 @!p0 $0x0, s1;
	[sflag:s0] =	ssyncset.done @!p0 $0x0  }
0x1ff: {  	[sflag:s0] =	ssyncadd.s32 @!p0 s1  }
0x200: {  	[bflag:$0x3] =	sbarrier.arrive $0xFFFF  }
0x201: {  	_ =	shalt  }

// kernel: kernel.14.cloned.1.call-start
scs
__scs_entry_jumppad:
0x0: {  	(pc) =	sbr.rel $0x88, $3  }
0x1: {  	(tag) =	ssettag $0x0;
	lr =	simm.s32 $0x1  }
0x2: {  	[smem:$0x3F98] =	sst lr;
	_ =	strace $0xD0000000  }
0x3: {  	_ = 	snop  }
0x4: {  	_ = 	snop  }
0x5: {  	_ = 	snop  }
0x6: {  	_ = 	snop  }
0x7: {  	_ = 	snop  }
__scs_overlays_trampoline_lowered:
0x8: {  	[smem:$0x3FA7] =	sst s0  }
0x9: {  	[smem:$0x3FA8] =	sst s1  }
0xa: {  	[smem:$0x3FA9] =	sst s2  }
0xb: {  	[smem:$0x3FAA] =	sst s3  }
0xc: {  	[smem:$0x3FAB] =	sst s4  }
0xd: {  	[smem:$0x3FAC] =	sst s5  }
0xe: {  	[smem:$0x3FAD] =	sst s6  }
0xf: {  	[smem:$0x3FAE] =	sst s7  }
0x10: {  	[smem:$0x3FAF] =	sst s8  }
0x11: {  	[smem:$0x3FB0] =	sst s9;
	s0 =	simm.s32 @!p0 $0x0  }
0x12: {  	s1 =	sld [smem:$0x3F96];
	s0 =	simm.s32 @p0 $0x1  }
0x13: {  	[smem:$0x3FB1] =	sst s0;
	s0 =	simm.s32 @!p1 $0x0  }
0x14: {  	s2 =	sld [smem:$0x3F95];
	s0 =	simm.s32 @p1 $0x1  }
0x15: {  	[smem:$0x3FB2] =	sst s0;
	s0 =	simm.s32 @!p2 $0x0  }
0x16: {  	s3 =	sld [smem:$0x3FDB];
	s0 =	simm.s32 @p2 $0x1  }
0x17: {  	s4 =	simm.s32 $0x1BF5;
	[smem:$0x3FB4] =	sst s0  }
0x18: {  	s0 =	sld [smem:$0x3F97];
	_ =	swait.ge [sflag:s4], $0x0  }
0x19: {  	s7 =	sld [smem:$0x3F98]  }
0x1a: {  	s8 =	sadd.s32 $0xFFFFE003, lr  }
0x1b: {  	s9 =	sadd.s32 $0xFFFFFEF7, lr;
	s5 =	simm.s32 $0xFFFFFFFF;
	p2 =	slt.u32 s8, $0xFFFFF086  }
0x1c: {  	p1 =	slt.u32 s9, $0xF7A;
	s5 =	simm.s32 @!p2 $0x0  }
0x1d: {  	s5 =	simm.s32 @p1 $0x1;
	p0 =	seq.s32 s7, s2  }
0x1e: {  	s7 =	smul.u32 @!p0 $0xF7A, s2;
	p2 =	seq.s32 @!p0 s5, $0x0  }
0x1f: {  	s9 =	smul.u32 $0xF7A, s1;
	s8 =	simm.s32 @!p0 $0x1BF5;
	p2 =	por !p2, p0  }
0x20: {  	[sflag:s8] =	ssyncset.s32 @!p0 $0xFFFFF086;
	s6 =	sadd.s32 @!p0 s3, s7;
	s7 =	simm.s32 @!p0 $0x108  }
0x21: {  	s3 =	sadd.s32 s3, s9;
	s6 =	sadd.s32 @!p0 $0x88, s6;
	s7 =	simm.s32 @p2 $0x1082  }
0x22: {  	[simem:s7], [sflag:s8] =	dma.local @!p0 [hbm:s6], $0xF7A  }
0x23: {  	s9 =	sor.u32 $0xD0000000, s2;
	s6 =	simm.s32 $0x108;
	_ =	swait.ge @!p0 [sflag:s8], $0x0  }
0x24: {  	s3 =	sadd.s32 $0x88, s3;
	s6 =	simm.s32 @!p1 $0x1082;
	[sflag:s4] =	ssyncset.s32 $0xFFFFF086  }
0x25: {  	[simem:s6], [sflag:s4] =	dma.local [hbm:s3], $0xF7A  }
0x26: {  	[smem:$0x3F98] =	sst s1;
	(tag) =	ssettag s2;
	_ =	strace s9  }
0x27: {  	s1 =	sld [smem:$0x3FA8]  }
0x28: {  	s2 =	sld [smem:$0x3FA9]  }
0x29: {  	s4 =	sld [smem:$0x3FAB]  }
0x2a: {  	p0 =	seq.s32 s5, $0x0;
	s5 =	sld [smem:$0x3FAC]  }
0x2b: {  	s6 =	sld [smem:$0x3FAD]  }
0x2c: {  	s7 =	sld [smem:$0x3FAE]  }
0x2d: {  	s3 =	simm.s32 $0x108;
	s8 =	sld [smem:$0x3FAF]  }
0x2e: {  	s3 =	simm.s32 @!p0 $0x1082;
	s9 =	sld [smem:$0x3FB0]  }
0x2f: {  	lr =	sadd.s32 s0, s3;
	s0 =	sld [smem:$0x3FA7]  }
0x30: {  	s3 =	sld [smem:$0x3FAA]  }
0x31: {  	[smem:$0x3FB3] =	sst s10  }
0x32: {  	s10 =	sld [smem:$0x3FB1];
	_ =	sdelay $0x3  }
0x33: {  	p0 =	seq.s32 s10, $0x1;
	s10 =	sld [smem:$0x3FB3];
	_ =	sdelay $0x3  }
0x34: {  	[smem:$0x3FB3] =	sst s10  }
0x35: {  	s10 =	sld [smem:$0x3FB2];
	_ =	sdelay $0x3  }
0x36: {  	p1 =	seq.s32 s10, $0x1;
	s10 =	sld [smem:$0x3FB3];
	_ =	sdelay $0x3  }
0x37: {  	[smem:$0x3FB3] =	sst s10  }
0x38: {  	s10 =	sld [smem:$0x3FB4]  }
0x39: {  	_ = 	snop;
	(pc) =	sbr.ind lr, $3  }
0x3a: {  	_ = 	snop  }
0x3b: {  	_ = 	snop  }
0x3c: {  	p2 =	seq.s32 s10, $0x1;
	s10 =	sld [smem:$0x3FB3]  }
0x3d: {  	_ =	shalt  }
0x3e: {  	_ =	shalt  }
0x3f: {  	_ =	shalt  }
0x40: {  	_ =	shalt  }
0x41: {  	_ =	shalt  }
0x42: {  	_ =	shalt  }
0x43: {  	_ =	shalt  }
0x44: {  	_ =	shalt  }
0x45: {  	_ =	shalt  }
0x46: {  	_ =	shalt  }
0x47: {  	_ =	shalt  }
0x48: {  	_ =	shalt  }
0x49: {  	_ =	shalt  }
0x4a: {  	_ =	shalt  }
0x4b: {  	_ =	shalt  }
0x4c: {  	_ =	shalt  }
0x4d: {  	_ =	shalt  }
0x4e: {  	_ =	shalt  }
0x4f: {  	_ =	shalt  }
0x50: {  	_ =	shalt  }
0x51: {  	_ =	shalt  }
0x52: {  	_ =	shalt  }
0x53: {  	_ =	shalt  }
0x54: {  	_ =	shalt  }
0x55: {  	_ =	shalt  }
0x56: {  	_ =	shalt  }
0x57: {  	_ =	shalt  }
0x58: {  	_ =	shalt  }
0x59: {  	_ =	shalt  }
0x5a: {  	_ =	shalt  }
0x5b: {  	_ =	shalt  }
0x5c: {  	_ =	shalt  }
0x5d: {  	_ =	shalt  }
0x5e: {  	_ =	shalt  }
0x5f: {  	_ =	shalt  }
0x60: {  	_ =	shalt  }
0x61: {  	_ =	shalt  }
0x62: {  	_ =	shalt  }
0x63: {  	_ =	shalt  }
0x64: {  	_ =	shalt  }
0x65: {  	_ =	shalt  }
0x66: {  	_ =	shalt  }
0x67: {  	_ =	shalt  }
0x68: {  	_ =	shalt  }
0x69: {  	_ =	shalt  }
0x6a: {  	_ =	shalt  }
0x6b: {  	_ =	shalt  }
0x6c: {  	_ =	shalt  }
0x6d: {  	_ =	shalt  }
0x6e: {  	_ =	shalt  }
0x6f: {  	_ =	shalt  }
0x70: {  	_ =	shalt  }
0x71: {  	_ =	shalt  }
0x72: {  	_ =	shalt  }
0x73: {  	_ =	shalt  }
0x74: {  	_ =	shalt  }
0x75: {  	_ =	shalt  }
0x76: {  	_ =	shalt  }
0x77: {  	_ =	shalt  }
0x78: {  	_ =	shalt  }
0x79: {  	_ =	shalt  }
0x7a: {  	_ =	shalt  }
0x7b: {  	_ =	shalt  }
0x7c: {  	_ =	shalt  }
0x7d: {  	_ =	shalt  }
0x7e: {  	_ =	shalt  }
0x7f: {  	_ =	shalt  }
0x80: {  	_ =	shalt  }
0x81: {  	_ =	shalt  }
0x82: {  	_ =	shalt  }
0x83: {  	_ =	shalt  }
0x84: {  	_ =	shalt  }
0x85: {  	_ =	shalt  }
0x86: {  	_ =	shalt  }
0x87: {  	_ =	shalt  }
.Lfunc_end0:
.L_simem_size_0:
called_computation.2_lowered:
.L_overlay_start_0:
0x88: {  	s2 =	sld [smem:$0x3FD9]  }
0x89: {  	s3 =	sld [smem:$0x3FFE];
	_ =	sdelay $0x1  }
0x8a: {  	s1 =	srdreg.scid  }
0x8b: {  	s0 =	sand.u32 $0x1, s1  }
0x8c: {  	s17 =	sshll.u32 s0, $0xA;
	s2 =	sadd.s32 s3, s2  }
0x8d: {  	s2 =	sadd.s32 s2, s17  }
0x8e: {  	[smem:$0x3FBF] =	sst s2  }
0x8f: {  	_ = 	snop  }
0x90: {  	s2 =	sld [smem:$0x3FD0];
	(tm) =	ssettm $0x1  }
0x91: {  	s18 =	sld [smem:$0x3FFB];
	_ =	sdelay $0x3  }
0x92: {  	_ =	strace s18  }
0x93: {  	s3 =	sld [smem:$0x3FFC];
	_ =	sdelay $0x3  }
0x94: {  	_ =	strace s3  }
0x95: {  	s3 =	sld [smem:$0x3FFD];
	_ =	sdelay $0x3  }
0x96: {  	_ =	strace s3  }
0x97: {  	_ =	strace $0x8FFFFFFF  }
0x98: {  	s19 =	sld [smem:$0x3FDB];
	_ =	sdelay $0x1  }
0x99: {  	s4 =	simm.s32 $_scs_section_size  }
0x9a: {  	s5 =	simm.s32 $_size__tile_overlayer_lowered;
	s6 =	simm.s32 $_tile_overlayer_lowered  }
0x9b: {  	s22 =	simm.s32 $0x1BFF;
	s21 =	sshll.u32 s6, $0x1;
	s3 =	sadd.s32 s4, s19  }
0x9c: {  	s7 =	simm.s32 $0x0;
	s20 =	sshll.u32 s5, $0x1;
	s5 =	sadd.s32 s21, s3  }
0x9d: {  	[timem:s7], [sflag:s22] =	dma.local [hbm:s5], s20  }
0x9e: {  	_ =	swait.ge [sflag:s22], s20  }
0x9f: {  	s4 =	ssub.s32 $0x0, s20;
	[sflag:s22] =	ssyncset.done $0x0  }
0xa0: {  	[sflag:s22] =	ssyncadd.s32 s4;
	_ =	sdelay $0x1  }
0xa1: {  	s23 =	simm.s32 $0x1B8B  }
0xa2: {  	_ =	swait.ge [sflag:s23], $0x1  }
0xa3: {  	[sflag:s23] =	ssyncset.done $0x0  }
0xa4: {  	s25 =	simm.s32 $0x1B8E;
	s24 =	sld [smem:$0x3FFE];
	[sflag:s23] =	ssyncadd.s32 $0xFFFFFFFF  }
0xa5: {  	s26 =	simm.s32 $execute0_lowered;
	[smem:$0x3FD2] =	sst s25  }
0xa6: {  	s5 =	sshll.u32 s26, $0x1;
	_ =	strace $0x8000004C;
	[dreg:$0x1] =	wrdreg $0xFFFFFFFF  }
0xa7: {  	s28 =	simm.s32 $_size_execute0_lowered;
	s3 =	sadd.s32 s3, s5;
	[dreg:$0x0] =	wrdreg $0x0  }
0xa8: {  	s5 =	sshll.u32 s28, $0x1;
	[dreg:$0x2] =	wrdreg s3  }
0xa9: {  	[dreg:$0x3] =	wrdreg s5  }
0xaa: {  	[dreg:$0x4] =	wrdreg $0xC0  }
0xab: {  	_ =	task [dreg:s7], $0x5FFFF  }
0xac: {  	[dreg:$0x1] =	wrdreg $0xFFFFFFFF  }
0xad: {  	[dreg:$0x0] =	wrdreg $0x60  }
0xae: {  	[dreg:$0x2] =	wrdreg s24  }
0xaf: {  	[dreg:$0x3] =	wrdreg s2  }
0xb0: {  	[dreg:$0x4] =	wrdreg $0x90000  }
0xb1: {  	[dreg:$0x5] =	wrdreg $0x9  }
0xb2: {  	_ =	task.clear_ibuf [dreg:s7], $0x6FFFF;
	_ =	strace $0x9000004C  }
0xb3: {  	s29 =	simm.s32 $0x9;
	_ =	strace $0x8000004E  }
0xb4: {  	_ =	swait.ge [sflag:s29], $0x1  }
0xb5: {  	[sflag:s29] =	ssyncadd.s32 $0xFFFFFFFF  }
0xb6: {  	_ =	strace $0x9000004E  }
0xb7: {  	_ =	sfence  }
0xb8: {  	s30 =	sld [smem:$0x0];
	_ =	sdelay $0x2  }
0xb9: {  	s31 =	sshll.u32 s1, $0xD;
	s1 =	sshrl.u32 s1, $0x2  }
0xba: {  	s3 =	sand.u32 $0x4000, s31;
	s1 =	sadd.s32 s1, s30  }
0xbb: {  	s0 =	sor.u32 s3, s0;
	s1 =	sshll.u32 s1, $0x11  }
0xbc: {  	s0 =	sor.u32 s1, s0  }
0xbd: {  	s0 =	sadd.s32 $0x8F2B, s0  }
0xbe: {  	[sflag:s0] =	ssyncadd.remote.s32 $0x1  }
0xbf: {  	_ =	sfence.sel $0xFFFF  }
0xc0: {  	[dreg:$0x0] =	wrdreg $0xFFFFFFFF;
	(pc) =	sbr.abs _section_cstart, $3  }
0xc1: {  	[dreg:$0x1] =	wrdreg $0xFFFFFFFF  }
0xc2: {  	_ =	task.clear_ibuf [dreg:s7], $0x2FFFF;
	_ =	strace $0x9FFFFFFF  }
0xc3: {  	(tm) =	ssettm $0x7FFFFFFF  }
tec
execute0_lowered:
.L_overlay_start_1:
0x0: {  	(tag) =	ssettag $0x1  }
0x1: {  	s0 =	rddreg [dreg:$0x0]  }
0x2: {  	s1 =	srdreg.scid;
	s5 =	rddreg [dreg:$0x1]  }
0x3: {  	s10 =	stileid.u32;
	s2 =	rddreg [dreg:$0x2]  }
0x4: {  	s3 =	simm.s32 $0x0;
	s11 =	simm.s32 $0x100;
	s13 =	simm.s32 $0x880  }
0x5: {  	s14 =	simm.s32 $0x180;
	s15 =	simm.s32 $0x900;
	[smem:$0x7FF] =	sst s3  }
0x6: {  	s17 =	simm.s32 $0x200;
	_ =	strace $0x8000004D;
	[dreg:$0x6] =	wrdreg s11  }
0x7: {  	s19 =	simm.s32 $0x980;
	s21 =	simm.s32 $0x280;
	[dreg:$0x7] =	wrdreg s13  }
0x8: {  	s22 =	simm.s32 $0xA00;
	s23 =	simm.s32 $0x300;
	[dreg:$0x8] =	wrdreg s14  }
0x9: {  	s24 =	simm.s32 $0xA80;
	s25 =	simm.s32 $0x380;
	[dreg:$0x9] =	wrdreg s15  }
0xa: {  	s28 =	simm.s32 $0x600;
	s6 =	smul.u32 $0x2800, s10;
	[dreg:$0xa] =	wrdreg s17  }
0xb: {  	s29 =	simm.s32 $0xD80;
	s8 =	smul.u32 $0x13C00, s10;
	[dreg:$0xb] =	wrdreg s19  }
0xc: {  	s1 =	sand.u32 $0x1, s1;
	s10 =	smul.u32 $0x4F000, s10;
	[dreg:$0xc] =	wrdreg s21  }
0xd: {  	s30 =	simm.s32 $0x680;
	s4 =	smul.u32 $0x28000, s1;
	[dreg:$0xd] =	wrdreg s22  }
0xe: {  	s31 =	simm.s32 $0xE00;
	s7 =	smul.u32 $0x140000, s1;
	[dreg:$0xe] =	wrdreg s23  }
0xf: {  	s1 =	ssub.s32 $0x2, s1;
	s13 =	simm.s32 $0x3;
	[dreg:$0xf] =	wrdreg s24  }
0x10: {  	s14 =	simm.s32 $0x800;
	s15 =	simm.s32 $0x80;
	[dreg:$0x10] =	wrdreg s25  }
0x11: {  	s17 =	simm.s32 $0x1;
	s19 =	simm.s32 $0x400;
	s21 =	simm.s32 $0x480  }
0x12: {  	s22 =	simm.s32 $0xC00;
	s23 =	simm.s32 $0x500;
	s24 =	simm.s32 $0xC80  }
0x13: {  	s25 =	simm.s32 $0x580;
	s26 =	sshrl.u32 s1, $0x1;
	s6 =	sadd.s32 s6, s4  }
0x14: {  	s4 =	sadd.s32 $0x5CE00, s0;
	s7 =	sadd.s32 s8, s7;
	s1 =	ssub.s32 s1, s26  }
0x15: {  	s8 =	sshrl.u32 s10, $0x2;
	s26 =	simm.s32 $0xB00;
	s6 =	sshrl.u32 s6, $0x3  }
0x16: {  	s7 =	sshrl.u32 s7, $0x3;
	s1 =	smax.u32 s1, $0x1;
	[dreg:$0x11] =	wrdreg s26  }
0x17: {  	s26 =	simm.s32 $0xD00;
	s5 =	sadd.s32 s6, s5;
	[dreg:$0x15] =	wrdreg s1  }
0x18: {  	s9 =	sadd.s32 s6, s0;
	s6 =	sadd.s32 s8, s2;
	[dreg:$0x4] =	wrdreg s5  }
0x19: {  	s0 =	sadd.s32 s7, s0;
	s10 =	sadd.s32 $0x52E00, s9;
	[dreg:$0x12] =	wrdreg s6  }
0x1a: {  	s1 =	simm.s32 $0x700;
	s12 =	sadd.s32 $0x10000, s6;
	[dreg:$0x5] =	wrdreg s10  }
0x1b: {  	s7 =	simm.s32 $0xF00;
	s0 =	sadd.s32 $0x84E00, s0;
	[dreg:$0x13] =	wrdreg s12  }
0x1c: {  	s8 =	simm.s32 $0xF80;
	s16 =	sadd.s32 $0x4000, s6;
	[dreg:$0x14] =	wrdreg s0  }
0x1d: {  	s18 =	sadd.s32 $0x8000, s6;
	s20 =	sadd.s32 $0xC000, s6;
	[dreg:$0x16] =	wrdreg s16  }
0x1e: {  	s6 =	simm.s32 $0x780;
	s9 =	simm.s32 $0x0;
	[dreg:$0x17] =	wrdreg s18  }
0x1f: {  	[dreg:$0x18] =	wrdreg s20;
	s12 =	simm.s32 $0x1000;
	s16 =	simm.s32 $0x5000  }
0x20: {  	v0 =	vimm.f32 $0.0e+00;
	s18 =	simm.s32 $0x2;
	s20 =	simm.s32 $0xB80;
	s0 =	simm.s32 $0xE80  }
.LBB2_1:
0x21: {  	s10 =	simm.s32 $0x0;
	s11 =	simm.s32 $0x200  }
.LBB2_2:
0x22: {  	p0 =	sne.s32 s11, $0xFE00;
	[tilespmem:s10+$0x1070] =	vst v0  }
0x23: {  	[tilespmem:s10+$0x1000] =	vst v0  }
0x24: {  	[tilespmem:s10+$0x1010] =	vst v0  }
.Ltmp0:
0x25: {  	[tilespmem:s10+$0x1020] =	vst v0;
	(pc) =	sbr.rel @p0 .LBB2_2-.Ltmp0, $4  }
0x26: {  	[tilespmem:s10+$0x1030] =	vst v0  }
0x27: {  	[tilespmem:s10+$0x1040] =	vst v0  }
0x28: {  	[tilespmem:s10+$0x1050] =	vst v0  }
0x29: {  	[tilespmem:s10+$0x1060] =	vst v0;
	s10 =	sshra.s32 s11, $0x2;
	s11 =	sadd.s32 $0x200, s11  }
0x2a: {  	[tilespmem:s10+$0x1070] =	vst v0  }
0x2b: {  	[tilespmem:s10+$0x1000] =	vst v0  }
0x2c: {  	[tilespmem:s10+$0x1010] =	vst v0  }
0x2d: {  	[tilespmem:s10+$0x1020] =	vst v0  }
0x2e: {  	[tilespmem:s10+$0x1030] =	vst v0  }
0x2f: {  	[tilespmem:s10+$0x1040] =	vst v0  }
0x30: {  	[dreg:$0x19] =	wrdreg s9;
	[tilespmem:s10+$0x1050] =	vst v0  }
0x31: {  	[tilespmem:s10+$0x1060] =	vst v0;
	s5 =	rddreg [dreg:$0x12]  }
0x32: {  	[spmem:s5] =	stream.linear.scatter [tilespmem:s12], [sflag:$0x3], $0x4000, $0x38;
	[tilespmem:$0x1CC00] =	vst v63  }
0x33: {  	_ =	swait.ge [sflag:s13], $0x4000  }
0x34: {  	[sflag:s13] =	ssyncset.done $0x0  }
0x35: {  	s9 =	rddreg [dreg:$0x16];
	[sflag:s13] =	ssyncadd.s32 $0xFFFFC000  }
0x36: {  	[spmem:s9] =	stream.linear.scatter [tilespmem:s12], [sflag:$0x3], $0x4000, $0x38;
	[tilespmem:$0x1CC00] =	vst v63  }
0x37: {  	_ =	swait.ge [sflag:s13], $0x4000  }
0x38: {  	[sflag:s13] =	ssyncset.done $0x0  }
0x39: {  	s10 =	rddreg [dreg:$0x17];
	[sflag:s13] =	ssyncadd.s32 $0xFFFFC000  }
0x3a: {  	[spmem:s10] =	stream.linear.scatter [tilespmem:s12], [sflag:$0x3], $0x4000, $0x38;
	[tilespmem:$0x1CC00] =	vst v63  }
0x3b: {  	_ =	swait.ge [sflag:s13], $0x4000  }
0x3c: {  	[sflag:s13] =	ssyncset.done $0x0  }
0x3d: {  	s11 =	rddreg [dreg:$0x18];
	[sflag:s13] =	ssyncadd.s32 $0xFFFFC000  }
0x3e: {  	[spmem:s11] =	stream.linear.scatter [tilespmem:s12], [sflag:$0x3], $0x4000, $0x38;
	[tilespmem:$0x1CC00] =	vst v63  }
0x3f: {  	_ =	swait.ge [sflag:s13], $0x4000  }
0x40: {  	[sflag:s13] =	ssyncset.done $0x0  }
0x41: {  	s9 =	rddreg [dreg:$0x13];
	[sflag:s13] =	ssyncadd.s32 $0xFFFFC000  }
0x42: {  	[spmem:s9] =	stream.linear.scatter [tilespmem:s12], [sflag:$0x3], $0x3C00, $0x38;
	[tilespmem:$0x1CC00] =	vst v63  }
0x43: {  	_ =	swait.ge [sflag:s13], $0x3C00  }
0x44: {  	[sflag:s13] =	ssyncset.done $0x0  }
0x45: {  	[sflag:s13] =	ssyncadd.s32 $0xFFFFC400  }
0x46: {  	[bflag:$0x0] =	sbarrier.arrive $0xFFFF  }
0x47: {  	s10 =	rddreg [dreg:$0x5]  }
0x48: {  	s5 =	sadd.s32 $0x0, s10  }
0x49: {  	[tilespmem:s3], [sflag:$0x3] =	stream.linear.gather [hbm4b:s5+s3], $0x800, $0x38;
	[tilespmem:$0x1CC00] =	vst v63  }
0x4a: {  	_ =	swait.ge [sflag:s13], $0x800  }
0x4b: {  	s11 =	rddreg [dreg:$0x4];
	[sflag:s13] =	ssyncset.done $0x0  }
0x4c: {  	[sflag:s13] =	ssyncadd.s32 $0xFFFFF800;
	s5 =	sadd.s32 $0x0, s11  }
0x4d: {  	[tilespmem:s14], [sflag:$0x3] =	stream.linear.gather [hbm4b:s5+s3], $0x800, $0x38;
	[tilespmem:$0x1CC00] =	vst v63  }
0x4e: {  	_ =	swait.ge [sflag:s13], $0x800  }
0x4f: {  	[sflag:s13] =	ssyncset.done $0x0  }
0x50: {  	[sflag:s13] =	ssyncadd.s32 $0xFFFFF800  }
0x51: {  	[tilespmem:s12], [sflag:$0x1] =	stream.indirect.gather [hbm4b:s4+s15], $0x80, s3, s15, $0xb8;
	[tilespmem:$0x1CC00] =	vst v63  }
0x52: {  	_ = 	snop  }
0x53: {  	[tilespmem:s16], [sflag:$0x2] =	stream.indirect.gather [hbm4b:s4+s15], $0x80, s15, s15, $0xb8;
	[tilespmem:$0x1CC00] =	vst v63  }
0x54: {  	_ =	swait.ge [sflag:s17], $0x4000  }
0x55: {  	[sflag:s17] =	ssyncset.done $0x0  }
0x56: {  	[sflag:s17] =	ssyncadd.s32 $0xFFFFC000  }
0x57: {  	[spmem:s2] =	stream.indirect.scatter.add.f32 [tilespmem:s12], [sflag:$0x3], $0x80, s14, s15, $0xb8;
	[tilespmem:$0x1CC00] =	vst v63  }
0x58: {  	_ =	swait.ge [sflag:s13], $0x4000  }
0x59: {  	[sflag:s13] =	ssyncset.done $0x0  }
0x5a: {  	s9 =	rddreg [dreg:$0x6];
	[sflag:s13] =	ssyncadd.s32 $0xFFFFC000  }
0x5b: {  	[tilespmem:s12], [sflag:$0x1] =	stream.indirect.gather [hbm4b:s4+s15], $0x80, s9, s15, $0xb8;
	[tilespmem:$0x1CC00] =	vst v63  }
0x5c: {  	_ =	swait.ge [sflag:s18], $0x4000  }
0x5d: {  	[sflag:s18] =	ssyncset.done $0x0  }
0x5e: {  	s10 =	rddreg [dreg:$0x7];
	[sflag:s18] =	ssyncadd.s32 $0xFFFFC000  }
0x5f: {  	[spmem:s2] =	stream.indirect.scatter.add.f32 [tilespmem:s16], [sflag:$0x3], $0x80, s10, s15, $0xb8;
	[tilespmem:$0x1CC00] =	vst v63  }
0x60: {  	_ =	swait.ge [sflag:s13], $0x4000  }
0x61: {  	[sflag:s13] =	ssyncset.done $0x0  }
0x62: {  	s11 =	rddreg [dreg:$0x8];
	[sflag:s13] =	ssyncadd.s32 $0xFFFFC000  }
0x63: {  	[tilespmem:s16], [sflag:$0x2] =	stream.indirect.gather [hbm4b:s4+s15], $0x80, s11, s15, $0xb8;
	[tilespmem:$0x1CC00] =	vst v63  }
0x64: {  	_ =	swait.ge [sflag:s17], $0x4000  }
0x65: {  	[sflag:s17] =	ssyncset.done $0x0  }
0x66: {  	s9 =	rddreg [dreg:$0x9];
	[sflag:s17] =	ssyncadd.s32 $0xFFFFC000  }
0x67: {  	[spmem:s2] =	stream.indirect.scatter.add.f32 [tilespmem:s12], [sflag:$0x3], $0x80, s9, s15, $0xb8;
	[tilespmem:$0x1CC00] =	vst v63  }
0x68: {  	_ =	swait.ge [sflag:s13], $0x4000  }
0x69: {  	[sflag:s13] =	ssyncset.done $0x0  }
0x6a: {  	s10 =	rddreg [dreg:$0xa];
	[sflag:s13] =	ssyncadd.s32 $0xFFFFC000  }
0x6b: {  	[tilespmem:s12], [sflag:$0x1] =	stream.indirect.gather [hbm4b:s4+s15], $0x80, s10, s15, $0xb8;
	[tilespmem:$0x1CC00] =	vst v63  }
0x6c: {  	_ =	swait.ge [sflag:s18], $0x4000  }
0x6d: {  	[sflag:s18] =	ssyncset.done $0x0  }
0x6e: {  	s11 =	rddreg [dreg:$0xb];
	[sflag:s18] =	ssyncadd.s32 $0xFFFFC000  }
0x6f: {  	[spmem:s2] =	stream.indirect.scatter.add.f32 [tilespmem:s16], [sflag:$0x3], $0x80, s11, s15, $0xb8;
	[tilespmem:$0x1CC00] =	vst v63  }
0x70: {  	_ =	swait.ge [sflag:s13], $0x4000  }
0x71: {  	[sflag:s13] =	ssyncset.done $0x0  }
0x72: {  	s9 =	rddreg [dreg:$0xc];
	[sflag:s13] =	ssyncadd.s32 $0xFFFFC000  }
0x73: {  	[tilespmem:s16], [sflag:$0x2] =	stream.indirect.gather [hbm4b:s4+s15], $0x80, s9, s15, $0xb8;
	[tilespmem:$0x1CC00] =	vst v63  }
0x74: {  	_ =	swait.ge [sflag:s17], $0x4000  }
0x75: {  	[sflag:s17] =	ssyncset.done $0x0  }
0x76: {  	s10 =	rddreg [dreg:$0xd];
	[sflag:s17] =	ssyncadd.s32 $0xFFFFC000  }
0x77: {  	[spmem:s2] =	stream.indirect.scatter.add.f32 [tilespmem:s12], [sflag:$0x3], $0x80, s10, s15, $0xb8;
	[tilespmem:$0x1CC00] =	vst v63  }
0x78: {  	_ =	swait.ge [sflag:s13], $0x4000  }
0x79: {  	[sflag:s13] =	ssyncset.done $0x0  }
0x7a: {  	s11 =	rddreg [dreg:$0xe];
	[sflag:s13] =	ssyncadd.s32 $0xFFFFC000  }
0x7b: {  	[tilespmem:s12], [sflag:$0x1] =	stream.indirect.gather [hbm4b:s4+s15], $0x80, s11, s15, $0xb8;
	[tilespmem:$0x1CC00] =	vst v63  }
0x7c: {  	_ =	swait.ge [sflag:s18], $0x4000  }
0x7d: {  	[sflag:s18] =	ssyncset.done $0x0  }
0x7e: {  	s9 =	rddreg [dreg:$0xf];
	[sflag:s18] =	ssyncadd.s32 $0xFFFFC000  }
0x7f: {  	[spmem:s2] =	stream.indirect.scatter.add.f32 [tilespmem:s16], [sflag:$0x3], $0x80, s9, s15, $0xb8;
	[tilespmem:$0x1CC00] =	vst v63  }
0x80: {  	_ =	swait.ge [sflag:s13], $0x4000  }
0x81: {  	[sflag:s13] =	ssyncset.done $0x0  }
0x82: {  	s10 =	rddreg [dreg:$0x10];
	[sflag:s13] =	ssyncadd.s32 $0xFFFFC000  }
0x83: {  	[tilespmem:s16], [sflag:$0x2] =	stream.indirect.gather [hbm4b:s4+s15], $0x80, s10, s15, $0xb8;
	[tilespmem:$0x1CC00] =	vst v63  }
0x84: {  	_ =	swait.ge [sflag:s17], $0x4000  }
0x85: {  	[sflag:s17] =	ssyncset.done $0x0  }
0x86: {  	s11 =	rddreg [dreg:$0x11];
	[sflag:s17] =	ssyncadd.s32 $0xFFFFC000  }
0x87: {  	[spmem:s2] =	stream.indirect.scatter.add.f32 [tilespmem:s12], [sflag:$0x3], $0x80, s11, s15, $0xb8;
	[tilespmem:$0x1CC00] =	vst v63  }
0x88: {  	_ =	swait.ge [sflag:s13], $0x4000  }
0x89: {  	[sflag:s13] =	ssyncset.done $0x0  }
0x8a: {  	[sflag:s13] =	ssyncadd.s32 $0xFFFFC000  }
0x8b: {  	[tilespmem:s12], [sflag:$0x1] =	stream.indirect.gather [hbm4b:s4+s15], $0x80, s19, s15, $0xb8;
	[tilespmem:$0x1CC00] =	vst v63  }
0x8c: {  	_ =	swait.ge [sflag:s18], $0x4000  }
0x8d: {  	[sflag:s18] =	ssyncset.done $0x0  }
0x8e: {  	[sflag:s18] =	ssyncadd.s32 $0xFFFFC000  }
0x8f: {  	[spmem:s2] =	stream.indirect.scatter.add.f32 [tilespmem:s16], [sflag:$0x3], $0x80, s20, s15, $0xb8;
	[tilespmem:$0x1CC00] =	vst v63  }
0x90: {  	_ =	swait.ge [sflag:s13], $0x4000  }
0x91: {  	[sflag:s13] =	ssyncset.done $0x0  }
0x92: {  	[sflag:s13] =	ssyncadd.s32 $0xFFFFC000  }
0x93: {  	[tilespmem:s16], [sflag:$0x2] =	stream.indirect.gather [hbm4b:s4+s15], $0x80, s21, s15, $0xb8;
	[tilespmem:$0x1CC00] =	vst v63  }
0x94: {  	_ =	swait.ge [sflag:s17], $0x4000  }
0x95: {  	[sflag:s17] =	ssyncset.done $0x0  }
0x96: {  	[sflag:s17] =	ssyncadd.s32 $0xFFFFC000  }
0x97: {  	[spmem:s2] =	stream.indirect.scatter.add.f32 [tilespmem:s12], [sflag:$0x3], $0x80, s22, s15, $0xb8;
	[tilespmem:$0x1CC00] =	vst v63  }
0x98: {  	_ =	swait.ge [sflag:s13], $0x4000  }
0x99: {  	[sflag:s13] =	ssyncset.done $0x0  }
0x9a: {  	[sflag:s13] =	ssyncadd.s32 $0xFFFFC000  }
0x9b: {  	[tilespmem:s12], [sflag:$0x1] =	stream.indirect.gather [hbm4b:s4+s15], $0x80, s23, s15, $0xb8;
	[tilespmem:$0x1CC00] =	vst v63  }
0x9c: {  	_ =	swait.ge [sflag:s18], $0x4000  }
0x9d: {  	[sflag:s18] =	ssyncset.done $0x0  }
0x9e: {  	[sflag:s18] =	ssyncadd.s32 $0xFFFFC000  }
0x9f: {  	[spmem:s2] =	stream.indirect.scatter.add.f32 [tilespmem:s16], [sflag:$0x3], $0x80, s24, s15, $0xb8;
	[tilespmem:$0x1CC00] =	vst v63  }
0xa0: {  	_ =	swait.ge [sflag:s13], $0x4000  }
0xa1: {  	[sflag:s13] =	ssyncset.done $0x0  }
0xa2: {  	[sflag:s13] =	ssyncadd.s32 $0xFFFFC000  }
0xa3: {  	[tilespmem:s16], [sflag:$0x2] =	stream.indirect.gather [hbm4b:s4+s15], $0x80, s25, s15, $0xb8;
	[tilespmem:$0x1CC00] =	vst v63  }
0xa4: {  	_ =	swait.ge [sflag:s17], $0x4000  }
0xa5: {  	[sflag:s17] =	ssyncset.done $0x0  }
0xa6: {  	[sflag:s17] =	ssyncadd.s32 $0xFFFFC000  }
0xa7: {  	[spmem:s2] =	stream.indirect.scatter.add.f32 [tilespmem:s12], [sflag:$0x3], $0x80, s26, s15, $0xb8;
	[tilespmem:$0x1CC00] =	vst v63  }
0xa8: {  	_ =	swait.ge [sflag:s13], $0x4000  }
0xa9: {  	[sflag:s13] =	ssyncset.done $0x0  }
0xaa: {  	[sflag:s13] =	ssyncadd.s32 $0xFFFFC000  }
0xab: {  	[tilespmem:s12], [sflag:$0x1] =	stream.indirect.gather [hbm4b:s4+s15], $0x80, s28, s15, $0xb8;
	[tilespmem:$0x1CC00] =	vst v63  }
0xac: {  	_ =	swait.ge [sflag:s18], $0x4000  }
0xad: {  	[sflag:s18] =	ssyncset.done $0x0  }
0xae: {  	[sflag:s18] =	ssyncadd.s32 $0xFFFFC000  }
0xaf: {  	[spmem:s2] =	stream.indirect.scatter.add.f32 [tilespmem:s16], [sflag:$0x3], $0x80, s29, s15, $0xb8;
	[tilespmem:$0x1CC00] =	vst v63  }
0xb0: {  	_ =	swait.ge [sflag:s13], $0x4000  }
0xb1: {  	[sflag:s13] =	ssyncset.done $0x0  }
0xb2: {  	[sflag:s13] =	ssyncadd.s32 $0xFFFFC000  }
0xb3: {  	[tilespmem:s16], [sflag:$0x2] =	stream.indirect.gather [hbm4b:s4+s15], $0x80, s30, s15, $0xb8;
	[tilespmem:$0x1CC00] =	vst v63  }
0xb4: {  	_ =	swait.ge [sflag:s17], $0x4000  }
0xb5: {  	[sflag:s17] =	ssyncset.done $0x0  }
0xb6: {  	[sflag:s17] =	ssyncadd.s32 $0xFFFFC000  }
0xb7: {  	[spmem:s2] =	stream.indirect.scatter.add.f32 [tilespmem:s12], [sflag:$0x3], $0x80, s31, s15, $0xb8;
	[tilespmem:$0x1CC00] =	vst v63  }
0xb8: {  	_ =	swait.ge [sflag:s13], $0x4000  }
0xb9: {  	[sflag:s13] =	ssyncset.done $0x0  }
0xba: {  	[sflag:s13] =	ssyncadd.s32 $0xFFFFC000  }
0xbb: {  	[tilespmem:s12], [sflag:$0x1] =	stream.indirect.gather [hbm4b:s4+s15], $0x80, s1, s15, $0xb8;
	[tilespmem:$0x1CC00] =	vst v63  }
0xbc: {  	_ =	swait.ge [sflag:s18], $0x4000  }
0xbd: {  	[sflag:s18] =	ssyncset.done $0x0  }
0xbe: {  	[sflag:s18] =	ssyncadd.s32 $0xFFFFC000  }
0xbf: {  	[spmem:s2] =	stream.indirect.scatter.add.f32 [tilespmem:s16], [sflag:$0x3], $0x80, s0, s15, $0xb8;
	[tilespmem:$0x1CC00] =	vst v63  }
0xc0: {  	_ =	swait.ge [sflag:s13], $0x4000  }
0xc1: {  	[sflag:s13] =	ssyncset.done $0x0  }
0xc2: {  	[sflag:s13] =	ssyncadd.s32 $0xFFFFC000  }
0xc3: {  	[tilespmem:s16], [sflag:$0x2] =	stream.indirect.gather [hbm4b:s4+s15], $0x80, s6, s15, $0xb8;
	[tilespmem:$0x1CC00] =	vst v63  }
0xc4: {  	_ =	swait.ge [sflag:s17], $0x4000  }
0xc5: {  	[sflag:s17] =	ssyncset.done $0x0  }
0xc6: {  	[sflag:s17] =	ssyncadd.s32 $0xFFFFC000  }
0xc7: {  	[spmem:s2] =	stream.indirect.scatter.add.f32 [tilespmem:s12], [sflag:$0x3], $0x80, s7, s15, $0xb8;
	[tilespmem:$0x1CC00] =	vst v63  }
0xc8: {  	_ =	swait.ge [sflag:s13], $0x4000  }
0xc9: {  	[sflag:s13] =	ssyncset.done $0x0  }
0xca: {  	[sflag:s13] =	ssyncadd.s32 $0xFFFFC000  }
0xcb: {  	_ =	swait.ge [sflag:s18], $0x4000  }
0xcc: {  	[sflag:s18] =	ssyncset.done $0x0  }
0xcd: {  	[sflag:s18] =	ssyncadd.s32 $0xFFFFC000  }
0xce: {  	[spmem:s2] =	stream.indirect.scatter.add.f32 [tilespmem:s16], [sflag:$0x3], $0x80, s8, s15, $0xb8;
	[tilespmem:$0x1CC00] =	vst v63  }
0xcf: {  	s10 =	simm.s32 $0x100;
	_ =	swait.ge [sflag:s13], $0x4000  }
0xd0: {  	s11 =	simm.s32 $0x200;
	s5 =	rddreg [dreg:$0x5];
	[sflag:s13] =	ssyncset.done $0x0  }
.LBB2_4:
0xd1: {  	[sflag:s13] =	ssyncadd.s32 $0xFFFFC000;
	s5 =	sadd.s32 s10, s5  }
0xd2: {  	[tilespmem:s3], [sflag:$0x3] =	stream.linear.gather [hbm4b:s5+s3], $0x800, $0x38;
	[tilespmem:$0x1CC00] =	vst v63  }
0xd3: {  	_ =	swait.ge [sflag:s13], $0x800  }
0xd4: {  	s5 =	rddreg [dreg:$0x4];
	[sflag:s13] =	ssyncset.done $0x0  }
0xd5: {  	[sflag:s13] =	ssyncadd.s32 $0xFFFFF800;
	s5 =	sadd.s32 s10, s5  }
0xd6: {  	[tilespmem:s14], [sflag:$0x3] =	stream.linear.gather [hbm4b:s5+s3], $0x800, $0x38;
	[tilespmem:$0x1CC00] =	vst v63  }
0xd7: {  	_ =	swait.ge [sflag:s13], $0x800  }
0xd8: {  	[sflag:s13] =	ssyncset.done $0x0  }
0xd9: {  	[sflag:s13] =	ssyncadd.s32 $0xFFFFF800  }
0xda: {  	[tilespmem:s12], [sflag:$0x1] =	stream.indirect.gather [hbm4b:s4+s15], $0x80, s3, s15, $0xb8;
	[tilespmem:$0x1CC00] =	vst v63  }
0xdb: {  	_ = 	snop  }
0xdc: {  	[tilespmem:s16], [sflag:$0x2] =	stream.indirect.gather [hbm4b:s4+s15], $0x80, s15, s15, $0xb8;
	[tilespmem:$0x1CC00] =	vst v63  }
0xdd: {  	_ =	swait.ge [sflag:s17], $0x4000  }
0xde: {  	[sflag:s17] =	ssyncset.done $0x0  }
0xdf: {  	[sflag:s17] =	ssyncadd.s32 $0xFFFFC000  }
0xe0: {  	[spmem:s2] =	stream.indirect.scatter.add.f32 [tilespmem:s12], [sflag:$0x3], $0x80, s14, s15, $0xb8;
	[tilespmem:$0x1CC00] =	vst v63  }
0xe1: {  	_ =	swait.ge [sflag:s13], $0x4000  }
0xe2: {  	s9 =	smov.u32 s11;
	[sflag:s13] =	ssyncset.done $0x0  }
0xe3: {  	s10 =	smov.u32 s9;
	s9 =	rddreg [dreg:$0x6];
	[sflag:s13] =	ssyncadd.s32 $0xFFFFC000  }
0xe4: {  	[tilespmem:s12], [sflag:$0x1] =	stream.indirect.gather [hbm4b:s4+s15], $0x80, s9, s15, $0xb8;
	[tilespmem:$0x1CC00] =	vst v63  }
0xe5: {  	_ =	swait.ge [sflag:s18], $0x4000  }
0xe6: {  	[sflag:s18] =	ssyncset.done $0x0  }
0xe7: {  	s9 =	rddreg [dreg:$0x7];
	[sflag:s18] =	ssyncadd.s32 $0xFFFFC000  }
0xe8: {  	[spmem:s2] =	stream.indirect.scatter.add.f32 [tilespmem:s16], [sflag:$0x3], $0x80, s9, s15, $0xb8;
	[tilespmem:$0x1CC00] =	vst v63  }
0xe9: {  	_ =	swait.ge [sflag:s13], $0x4000  }
0xea: {  	[sflag:s13] =	ssyncset.done $0x0  }
0xeb: {  	s9 =	rddreg [dreg:$0x8];
	[sflag:s13] =	ssyncadd.s32 $0xFFFFC000  }
0xec: {  	[tilespmem:s16], [sflag:$0x2] =	stream.indirect.gather [hbm4b:s4+s15], $0x80, s9, s15, $0xb8;
	[tilespmem:$0x1CC00] =	vst v63  }
0xed: {  	_ =	swait.ge [sflag:s17], $0x4000  }
0xee: {  	[sflag:s17] =	ssyncset.done $0x0  }
0xef: {  	s9 =	rddreg [dreg:$0x9];
	[sflag:s17] =	ssyncadd.s32 $0xFFFFC000  }
0xf0: {  	[spmem:s2] =	stream.indirect.scatter.add.f32 [tilespmem:s12], [sflag:$0x3], $0x80, s9, s15, $0xb8;
	[tilespmem:$0x1CC00] =	vst v63  }
0xf1: {  	_ =	swait.ge [sflag:s13], $0x4000  }
0xf2: {  	[sflag:s13] =	ssyncset.done $0x0  }
0xf3: {  	s9 =	rddreg [dreg:$0xa];
	[sflag:s13] =	ssyncadd.s32 $0xFFFFC000  }
0xf4: {  	[tilespmem:s12], [sflag:$0x1] =	stream.indirect.gather [hbm4b:s4+s15], $0x80, s9, s15, $0xb8;
	[tilespmem:$0x1CC00] =	vst v63  }
0xf5: {  	_ =	swait.ge [sflag:s18], $0x4000  }
0xf6: {  	[sflag:s18] =	ssyncset.done $0x0  }
0xf7: {  	s9 =	rddreg [dreg:$0xb];
	[sflag:s18] =	ssyncadd.s32 $0xFFFFC000  }
0xf8: {  	[spmem:s2] =	stream.indirect.scatter.add.f32 [tilespmem:s16], [sflag:$0x3], $0x80, s9, s15, $0xb8;
	[tilespmem:$0x1CC00] =	vst v63  }
0xf9: {  	_ =	swait.ge [sflag:s13], $0x4000  }
0xfa: {  	[sflag:s13] =	ssyncset.done $0x0  }
0xfb: {  	s9 =	rddreg [dreg:$0xc];
	[sflag:s13] =	ssyncadd.s32 $0xFFFFC000  }
0xfc: {  	[tilespmem:s16], [sflag:$0x2] =	stream.indirect.gather [hbm4b:s4+s15], $0x80, s9, s15, $0xb8;
	[tilespmem:$0x1CC00] =	vst v63  }
0xfd: {  	_ =	swait.ge [sflag:s17], $0x4000  }
0xfe: {  	[sflag:s17] =	ssyncset.done $0x0  }
0xff: {  	s9 =	rddreg [dreg:$0xd];
	[sflag:s17] =	ssyncadd.s32 $0xFFFFC000  }
0x100: {  	[spmem:s2] =	stream.indirect.scatter.add.f32 [tilespmem:s12], [sflag:$0x3], $0x80, s9, s15, $0xb8;
	[tilespmem:$0x1CC00] =	vst v63  }
0x101: {  	_ =	swait.ge [sflag:s13], $0x4000  }
0x102: {  	[sflag:s13] =	ssyncset.done $0x0  }
0x103: {  	s9 =	rddreg [dreg:$0xe];
	[sflag:s13] =	ssyncadd.s32 $0xFFFFC000  }
0x104: {  	[tilespmem:s12], [sflag:$0x1] =	stream.indirect.gather [hbm4b:s4+s15], $0x80, s9, s15, $0xb8;
	[tilespmem:$0x1CC00] =	vst v63  }
0x105: {  	_ =	swait.ge [sflag:s18], $0x4000  }
0x106: {  	[sflag:s18] =	ssyncset.done $0x0  }
0x107: {  	s9 =	rddreg [dreg:$0xf];
	[sflag:s18] =	ssyncadd.s32 $0xFFFFC000  }
0x108: {  	[spmem:s2] =	stream.indirect.scatter.add.f32 [tilespmem:s16], [sflag:$0x3], $0x80, s9, s15, $0xb8;
	[tilespmem:$0x1CC00] =	vst v63  }
0x109: {  	_ =	swait.ge [sflag:s13], $0x4000  }
0x10a: {  	[sflag:s13] =	ssyncset.done $0x0  }
0x10b: {  	s9 =	rddreg [dreg:$0x10];
	[sflag:s13] =	ssyncadd.s32 $0xFFFFC000  }
0x10c: {  	[tilespmem:s16], [sflag:$0x2] =	stream.indirect.gather [hbm4b:s4+s15], $0x80, s9, s15, $0xb8;
	[tilespmem:$0x1CC00] =	vst v63  }
0x10d: {  	_ =	swait.ge [sflag:s17], $0x4000  }
0x10e: {  	[sflag:s17] =	ssyncset.done $0x0  }
0x10f: {  	s9 =	rddreg [dreg:$0x11];
	[sflag:s17] =	ssyncadd.s32 $0xFFFFC000  }
0x110: {  	[spmem:s2] =	stream.indirect.scatter.add.f32 [tilespmem:s12], [sflag:$0x3], $0x80, s9, s15, $0xb8;
	[tilespmem:$0x1CC00] =	vst v63  }
0x111: {  	_ =	swait.ge [sflag:s13], $0x4000  }
0x112: {  	[sflag:s13] =	ssyncset.done $0x0  }
0x113: {  	[sflag:s13] =	ssyncadd.s32 $0xFFFFC000  }
0x114: {  	[tilespmem:s12], [sflag:$0x1] =	stream.indirect.gather [hbm4b:s4+s15], $0x80, s19, s15, $0xb8;
	[tilespmem:$0x1CC00] =	vst v63  }
0x115: {  	_ =	swait.ge [sflag:s18], $0x4000  }
0x116: {  	[sflag:s18] =	ssyncset.done $0x0  }
0x117: {  	[sflag:s18] =	ssyncadd.s32 $0xFFFFC000  }
0x118: {  	[spmem:s2] =	stream.indirect.scatter.add.f32 [tilespmem:s16], [sflag:$0x3], $0x80, s20, s15, $0xb8;
	[tilespmem:$0x1CC00] =	vst v63  }
0x119: {  	_ =	swait.ge [sflag:s13], $0x4000  }
0x11a: {  	[sflag:s13] =	ssyncset.done $0x0  }
0x11b: {  	[sflag:s13] =	ssyncadd.s32 $0xFFFFC000  }
0x11c: {  	[tilespmem:s16], [sflag:$0x2] =	stream.indirect.gather [hbm4b:s4+s15], $0x80, s21, s15, $0xb8;
	[tilespmem:$0x1CC00] =	vst v63  }
0x11d: {  	_ =	swait.ge [sflag:s17], $0x4000  }
0x11e: {  	[sflag:s17] =	ssyncset.done $0x0  }
0x11f: {  	[sflag:s17] =	ssyncadd.s32 $0xFFFFC000  }
0x120: {  	[spmem:s2] =	stream.indirect.scatter.add.f32 [tilespmem:s12], [sflag:$0x3], $0x80, s22, s15, $0xb8;
	[tilespmem:$0x1CC00] =	vst v63  }
0x121: {  	_ =	swait.ge [sflag:s13], $0x4000  }
0x122: {  	[sflag:s13] =	ssyncset.done $0x0  }
0x123: {  	[sflag:s13] =	ssyncadd.s32 $0xFFFFC000  }
0x124: {  	[tilespmem:s12], [sflag:$0x1] =	stream.indirect.gather [hbm4b:s4+s15], $0x80, s23, s15, $0xb8;
	[tilespmem:$0x1CC00] =	vst v63  }
0x125: {  	_ =	swait.ge [sflag:s18], $0x4000  }
0x126: {  	[sflag:s18] =	ssyncset.done $0x0  }
0x127: {  	[sflag:s18] =	ssyncadd.s32 $0xFFFFC000  }
0x128: {  	[spmem:s2] =	stream.indirect.scatter.add.f32 [tilespmem:s16], [sflag:$0x3], $0x80, s24, s15, $0xb8;
	[tilespmem:$0x1CC00] =	vst v63  }
0x129: {  	_ =	swait.ge [sflag:s13], $0x4000  }
0x12a: {  	[sflag:s13] =	ssyncset.done $0x0  }
0x12b: {  	[sflag:s13] =	ssyncadd.s32 $0xFFFFC000  }
0x12c: {  	[tilespmem:s16], [sflag:$0x2] =	stream.indirect.gather [hbm4b:s4+s15], $0x80, s25, s15, $0xb8;
	[tilespmem:$0x1CC00] =	vst v63  }
0x12d: {  	_ =	swait.ge [sflag:s17], $0x4000  }
0x12e: {  	[sflag:s17] =	ssyncset.done $0x0  }
0x12f: {  	[sflag:s17] =	ssyncadd.s32 $0xFFFFC000  }
0x130: {  	[spmem:s2] =	stream.indirect.scatter.add.f32 [tilespmem:s12], [sflag:$0x3], $0x80, s26, s15, $0xb8;
	[tilespmem:$0x1CC00] =	vst v63  }
0x131: {  	_ =	swait.ge [sflag:s13], $0x4000  }
0x132: {  	[sflag:s13] =	ssyncset.done $0x0  }
0x133: {  	[sflag:s13] =	ssyncadd.s32 $0xFFFFC000  }
0x134: {  	[tilespmem:s12], [sflag:$0x1] =	stream.indirect.gather [hbm4b:s4+s15], $0x80, s28, s15, $0xb8;
	[tilespmem:$0x1CC00] =	vst v63  }
0x135: {  	_ =	swait.ge [sflag:s18], $0x4000  }
0x136: {  	[sflag:s18] =	ssyncset.done $0x0  }
0x137: {  	[sflag:s18] =	ssyncadd.s32 $0xFFFFC000  }
0x138: {  	[spmem:s2] =	stream.indirect.scatter.add.f32 [tilespmem:s16], [sflag:$0x3], $0x80, s29, s15, $0xb8;
	[tilespmem:$0x1CC00] =	vst v63  }
0x139: {  	_ =	swait.ge [sflag:s13], $0x4000  }
0x13a: {  	[sflag:s13] =	ssyncset.done $0x0  }
0x13b: {  	[sflag:s13] =	ssyncadd.s32 $0xFFFFC000  }
0x13c: {  	[tilespmem:s16], [sflag:$0x2] =	stream.indirect.gather [hbm4b:s4+s15], $0x80, s30, s15, $0xb8;
	[tilespmem:$0x1CC00] =	vst v63  }
0x13d: {  	_ =	swait.ge [sflag:s17], $0x4000  }
0x13e: {  	[sflag:s17] =	ssyncset.done $0x0  }
0x13f: {  	[sflag:s17] =	ssyncadd.s32 $0xFFFFC000  }
0x140: {  	[spmem:s2] =	stream.indirect.scatter.add.f32 [tilespmem:s12], [sflag:$0x3], $0x80, s31, s15, $0xb8;
	[tilespmem:$0x1CC00] =	vst v63  }
0x141: {  	_ =	swait.ge [sflag:s13], $0x4000  }
0x142: {  	[sflag:s13] =	ssyncset.done $0x0  }
0x143: {  	[sflag:s13] =	ssyncadd.s32 $0xFFFFC000  }
0x144: {  	[tilespmem:s12], [sflag:$0x1] =	stream.indirect.gather [hbm4b:s4+s15], $0x80, s1, s15, $0xb8;
	[tilespmem:$0x1CC00] =	vst v63  }
0x145: {  	_ =	swait.ge [sflag:s18], $0x4000  }
0x146: {  	[sflag:s18] =	ssyncset.done $0x0  }
0x147: {  	[sflag:s18] =	ssyncadd.s32 $0xFFFFC000  }
0x148: {  	[spmem:s2] =	stream.indirect.scatter.add.f32 [tilespmem:s16], [sflag:$0x3], $0x80, s0, s15, $0xb8;
	[tilespmem:$0x1CC00] =	vst v63  }
0x149: {  	_ =	swait.ge [sflag:s13], $0x4000  }
0x14a: {  	[sflag:s13] =	ssyncset.done $0x0  }
0x14b: {  	[sflag:s13] =	ssyncadd.s32 $0xFFFFC000  }
0x14c: {  	[tilespmem:s16], [sflag:$0x2] =	stream.indirect.gather [hbm4b:s4+s15], $0x80, s6, s15, $0xb8;
	[tilespmem:$0x1CC00] =	vst v63  }
0x14d: {  	_ =	swait.ge [sflag:s17], $0x4000  }
0x14e: {  	[sflag:s17] =	ssyncset.done $0x0  }
0x14f: {  	[sflag:s17] =	ssyncadd.s32 $0xFFFFC000  }
0x150: {  	[spmem:s2] =	stream.indirect.scatter.add.f32 [tilespmem:s12], [sflag:$0x3], $0x80, s7, s15, $0xb8;
	[tilespmem:$0x1CC00] =	vst v63  }
0x151: {  	_ =	swait.ge [sflag:s13], $0x4000  }
0x152: {  	[sflag:s13] =	ssyncset.done $0x0  }
0x153: {  	[sflag:s13] =	ssyncadd.s32 $0xFFFFC000  }
0x154: {  	p0 =	sne.s32 s11, $0x400;
	_ =	swait.ge [sflag:s18], $0x4000  }
.Ltmp1:
0x155: {  	[sflag:s18] =	ssyncset.done $0x0;
	(pc) =	sbr.rel @p0 .LBB2_4-.Ltmp1, $4  }
0x156: {  	[sflag:s18] =	ssyncadd.s32 $0xFFFFC000  }
0x157: {  	[spmem:s2] =	stream.indirect.scatter.add.f32 [tilespmem:s16], [sflag:$0x3], $0x80, s8, s15, $0xb8;
	[tilespmem:$0x1CC00] =	vst v63  }
0x158: {  	_ =	swait.ge [sflag:s13], $0x4000  }
0x159: {  	s11 =	sadd.s32 $0x100, s11;
	s5 =	rddreg [dreg:$0x5];
	[sflag:s13] =	ssyncset.done $0x0  }
0x15a: {  	[sflag:s13] =	ssyncadd.s32 $0xFFFFC000;
	s5 =	sadd.s32 s10, s5  }
0x15b: {  	[tilespmem:s3], [sflag:$0x3] =	stream.linear.gather [hbm4b:s5+s3], $0x800, $0x38;
	[tilespmem:$0x1CC00] =	vst v63  }
0x15c: {  	_ =	swait.ge [sflag:s13], $0x800  }
0x15d: {  	s9 =	rddreg [dreg:$0x4];
	[sflag:s13] =	ssyncset.done $0x0  }
0x15e: {  	[sflag:s13] =	ssyncadd.s32 $0xFFFFF800;
	s5 =	sadd.s32 s10, s9  }
0x15f: {  	[tilespmem:s14], [sflag:$0x3] =	stream.linear.gather [hbm4b:s5+s3], $0x800, $0x38;
	[tilespmem:$0x1CC00] =	vst v63  }
0x160: {  	_ =	swait.ge [sflag:s13], $0x800  }
0x161: {  	[sflag:s13] =	ssyncset.done $0x0  }
0x162: {  	[sflag:s13] =	ssyncadd.s32 $0xFFFFF800  }
0x163: {  	[tilespmem:s12], [sflag:$0x1] =	stream.indirect.gather [hbm4b:s4+s15], $0x80, s3, s15, $0xb8;
	[tilespmem:$0x1CC00] =	vst v63  }
0x164: {  	_ = 	snop  }
0x165: {  	[tilespmem:s16], [sflag:$0x2] =	stream.indirect.gather [hbm4b:s4+s15], $0x80, s15, s15, $0xb8;
	[tilespmem:$0x1CC00] =	vst v63  }
0x166: {  	_ =	swait.ge [sflag:s17], $0x4000  }
0x167: {  	[sflag:s17] =	ssyncset.done $0x0  }
0x168: {  	[sflag:s17] =	ssyncadd.s32 $0xFFFFC000  }
0x169: {  	[spmem:s2] =	stream.indirect.scatter.add.f32 [tilespmem:s12], [sflag:$0x3], $0x80, s14, s15, $0xb8;
	[tilespmem:$0x1CC00] =	vst v63  }
0x16a: {  	_ =	swait.ge [sflag:s13], $0x4000  }
0x16b: {  	[sflag:s13] =	ssyncset.done $0x0  }
0x16c: {  	s10 =	rddreg [dreg:$0x6];
	[sflag:s13] =	ssyncadd.s32 $0xFFFFC000  }
0x16d: {  	[tilespmem:s12], [sflag:$0x1] =	stream.indirect.gather [hbm4b:s4+s15], $0x80, s10, s15, $0xb8;
	[tilespmem:$0x1CC00] =	vst v63  }
0x16e: {  	_ =	swait.ge [sflag:s18], $0x4000  }
0x16f: {  	[sflag:s18] =	ssyncset.done $0x0  }
0x170: {  	s11 =	rddreg [dreg:$0x7];
	[sflag:s18] =	ssyncadd.s32 $0xFFFFC000  }
0x171: {  	[spmem:s2] =	stream.indirect.scatter.add.f32 [tilespmem:s16], [sflag:$0x3], $0x80, s11, s15, $0xb8;
	[tilespmem:$0x1CC00] =	vst v63  }
0x172: {  	_ =	swait.ge [sflag:s13], $0x4000  }
0x173: {  	[sflag:s13] =	ssyncset.done $0x0  }
0x174: {  	s9 =	rddreg [dreg:$0x8];
	[sflag:s13] =	ssyncadd.s32 $0xFFFFC000  }
0x175: {  	[tilespmem:s16], [sflag:$0x2] =	stream.indirect.gather [hbm4b:s4+s15], $0x80, s9, s15, $0xb8;
	[tilespmem:$0x1CC00] =	vst v63  }
0x176: {  	_ =	swait.ge [sflag:s17], $0x4000  }
0x177: {  	[sflag:s17] =	ssyncset.done $0x0  }
0x178: {  	s10 =	rddreg [dreg:$0x9];
	[sflag:s17] =	ssyncadd.s32 $0xFFFFC000  }
0x179: {  	[spmem:s2] =	stream.indirect.scatter.add.f32 [tilespmem:s12], [sflag:$0x3], $0x80, s10, s15, $0xb8;
	[tilespmem:$0x1CC00] =	vst v63  }
0x17a: {  	_ =	swait.ge [sflag:s13], $0x4000  }
0x17b: {  	[sflag:s13] =	ssyncset.done $0x0  }
0x17c: {  	s11 =	rddreg [dreg:$0xa];
	[sflag:s13] =	ssyncadd.s32 $0xFFFFC000  }
0x17d: {  	[tilespmem:s12], [sflag:$0x1] =	stream.indirect.gather [hbm4b:s4+s15], $0x80, s11, s15, $0xb8;
	[tilespmem:$0x1CC00] =	vst v63  }
0x17e: {  	_ =	swait.ge [sflag:s18], $0x4000  }
0x17f: {  	[sflag:s18] =	ssyncset.done $0x0  }
0x180: {  	s9 =	rddreg [dreg:$0xb];
	[sflag:s18] =	ssyncadd.s32 $0xFFFFC000  }
0x181: {  	[spmem:s2] =	stream.indirect.scatter.add.f32 [tilespmem:s16], [sflag:$0x3], $0x80, s9, s15, $0xb8;
	[tilespmem:$0x1CC00] =	vst v63  }
0x182: {  	_ =	swait.ge [sflag:s13], $0x4000  }
0x183: {  	[sflag:s13] =	ssyncset.done $0x0  }
0x184: {  	s10 =	rddreg [dreg:$0xc];
	[sflag:s13] =	ssyncadd.s32 $0xFFFFC000  }
0x185: {  	[tilespmem:s16], [sflag:$0x2] =	stream.indirect.gather [hbm4b:s4+s15], $0x80, s10, s15, $0xb8;
	[tilespmem:$0x1CC00] =	vst v63  }
0x186: {  	_ =	swait.ge [sflag:s17], $0x4000  }
0x187: {  	[sflag:s17] =	ssyncset.done $0x0  }
0x188: {  	s11 =	rddreg [dreg:$0xd];
	[sflag:s17] =	ssyncadd.s32 $0xFFFFC000  }
0x189: {  	[spmem:s2] =	stream.indirect.scatter.add.f32 [tilespmem:s12], [sflag:$0x3], $0x80, s11, s15, $0xb8;
	[tilespmem:$0x1CC00] =	vst v63  }
0x18a: {  	_ =	swait.ge [sflag:s13], $0x4000  }
0x18b: {  	[sflag:s13] =	ssyncset.done $0x0  }
0x18c: {  	s9 =	rddreg [dreg:$0xe];
	[sflag:s13] =	ssyncadd.s32 $0xFFFFC000  }
0x18d: {  	[tilespmem:s12], [sflag:$0x1] =	stream.indirect.gather [hbm4b:s4+s15], $0x80, s9, s15, $0xb8;
	[tilespmem:$0x1CC00] =	vst v63  }
0x18e: {  	_ =	swait.ge [sflag:s18], $0x4000  }
0x18f: {  	[sflag:s18] =	ssyncset.done $0x0  }
0x190: {  	s10 =	rddreg [dreg:$0xf];
	[sflag:s18] =	ssyncadd.s32 $0xFFFFC000  }
0x191: {  	[spmem:s2] =	stream.indirect.scatter.add.f32 [tilespmem:s16], [sflag:$0x3], $0x80, s10, s15, $0xb8;
	[tilespmem:$0x1CC00] =	vst v63  }
0x192: {  	_ =	swait.ge [sflag:s13], $0x4000  }
0x193: {  	[sflag:s13] =	ssyncset.done $0x0  }
0x194: {  	s11 =	rddreg [dreg:$0x10];
	[sflag:s13] =	ssyncadd.s32 $0xFFFFC000  }
0x195: {  	[tilespmem:s16], [sflag:$0x2] =	stream.indirect.gather [hbm4b:s4+s15], $0x80, s11, s15, $0xb8;
	[tilespmem:$0x1CC00] =	vst v63  }
0x196: {  	_ =	swait.ge [sflag:s17], $0x4000  }
0x197: {  	[sflag:s17] =	ssyncset.done $0x0  }
0x198: {  	s9 =	rddreg [dreg:$0x11];
	[sflag:s17] =	ssyncadd.s32 $0xFFFFC000  }
0x199: {  	[spmem:s2] =	stream.indirect.scatter.add.f32 [tilespmem:s12], [sflag:$0x3], $0x80, s9, s15, $0xb8;
	[tilespmem:$0x1CC00] =	vst v63  }
0x19a: {  	_ =	swait.ge [sflag:s13], $0x4000  }
0x19b: {  	[sflag:s13] =	ssyncset.done $0x0  }
0x19c: {  	[sflag:s13] =	ssyncadd.s32 $0xFFFFC000  }
0x19d: {  	[tilespmem:s12], [sflag:$0x1] =	stream.indirect.gather [hbm4b:s4+s15], $0x80, s19, s15, $0xb8;
	[tilespmem:$0x1CC00] =	vst v63  }
0x19e: {  	_ =	swait.ge [sflag:s18], $0x4000  }
0x19f: {  	[sflag:s18] =	ssyncset.done $0x0  }
0x1a0: {  	[sflag:s18] =	ssyncadd.s32 $0xFFFFC000  }
0x1a1: {  	[spmem:s2] =	stream.indirect.scatter.add.f32 [tilespmem:s16], [sflag:$0x3], $0x80, s20, s15, $0xb8;
	[tilespmem:$0x1CC00] =	vst v63  }
0x1a2: {  	_ =	swait.ge [sflag:s13], $0x4000  }
0x1a3: {  	[sflag:s13] =	ssyncset.done $0x0  }
0x1a4: {  	[sflag:s13] =	ssyncadd.s32 $0xFFFFC000  }
0x1a5: {  	[tilespmem:s16], [sflag:$0x2] =	stream.indirect.gather [hbm4b:s4+s15], $0x80, s21, s15, $0xb8;
	[tilespmem:$0x1CC00] =	vst v63  }
0x1a6: {  	_ =	swait.ge [sflag:s17], $0x4000  }
0x1a7: {  	[sflag:s17] =	ssyncset.done $0x0  }
0x1a8: {  	[sflag:s17] =	ssyncadd.s32 $0xFFFFC000  }
0x1a9: {  	[spmem:s2] =	stream.indirect.scatter.add.f32 [tilespmem:s12], [sflag:$0x3], $0x80, s22, s15, $0xb8;
	[tilespmem:$0x1CC00] =	vst v63  }
0x1aa: {  	_ =	swait.ge [sflag:s13], $0x4000  }
0x1ab: {  	[sflag:s13] =	ssyncset.done $0x0  }
0x1ac: {  	[sflag:s13] =	ssyncadd.s32 $0xFFFFC000  }
0x1ad: {  	[tilespmem:s12], [sflag:$0x1] =	stream.indirect.gather [hbm4b:s4+s15], $0x80, s23, s15, $0xb8;
	[tilespmem:$0x1CC00] =	vst v63  }
0x1ae: {  	_ =	swait.ge [sflag:s18], $0x4000  }
0x1af: {  	[sflag:s18] =	ssyncset.done $0x0  }
0x1b0: {  	[sflag:s18] =	ssyncadd.s32 $0xFFFFC000  }
0x1b1: {  	[spmem:s2] =	stream.indirect.scatter.add.f32 [tilespmem:s16], [sflag:$0x3], $0x80, s24, s15, $0xb8;
	[tilespmem:$0x1CC00] =	vst v63  }
0x1b2: {  	_ =	swait.ge [sflag:s13], $0x4000  }
0x1b3: {  	[sflag:s13] =	ssyncset.done $0x0  }
0x1b4: {  	[sflag:s13] =	ssyncadd.s32 $0xFFFFC000  }
0x1b5: {  	[tilespmem:s16], [sflag:$0x2] =	stream.indirect.gather [hbm4b:s4+s15], $0x80, s25, s15, $0xb8;
	[tilespmem:$0x1CC00] =	vst v63  }
0x1b6: {  	_ =	swait.ge [sflag:s17], $0x4000  }
0x1b7: {  	[sflag:s17] =	ssyncset.done $0x0  }
0x1b8: {  	[sflag:s17] =	ssyncadd.s32 $0xFFFFC000  }
0x1b9: {  	[spmem:s2] =	stream.indirect.scatter.add.f32 [tilespmem:s12], [sflag:$0x3], $0x80, s26, s15, $0xb8;
	[tilespmem:$0x1CC00] =	vst v63  }
0x1ba: {  	_ =	swait.ge [sflag:s13], $0x4000  }
0x1bb: {  	[sflag:s13] =	ssyncset.done $0x0  }
0x1bc: {  	[sflag:s13] =	ssyncadd.s32 $0xFFFFC000  }
0x1bd: {  	[tilespmem:s12], [sflag:$0x1] =	stream.indirect.gather [hbm4b:s4+s15], $0x80, s28, s15, $0xb8;
	[tilespmem:$0x1CC00] =	vst v63  }
0x1be: {  	_ =	swait.ge [sflag:s18], $0x4000  }
0x1bf: {  	[sflag:s18] =	ssyncset.done $0x0  }
0x1c0: {  	[sflag:s18] =	ssyncadd.s32 $0xFFFFC000  }
0x1c1: {  	[spmem:s2] =	stream.indirect.scatter.add.f32 [tilespmem:s16], [sflag:$0x3], $0x80, s29, s15, $0xb8;
	[tilespmem:$0x1CC00] =	vst v63  }
0x1c2: {  	_ =	swait.ge [sflag:s13], $0x4000  }
0x1c3: {  	[sflag:s13] =	ssyncset.done $0x0  }
0x1c4: {  	[sflag:s13] =	ssyncadd.s32 $0xFFFFC000  }
0x1c5: {  	[tilespmem:s16], [sflag:$0x2] =	stream.indirect.gather [hbm4b:s4+s15], $0x80, s30, s15, $0xb8;
	[tilespmem:$0x1CC00] =	vst v63  }
0x1c6: {  	_ =	swait.ge [sflag:s17], $0x4000  }
0x1c7: {  	[sflag:s17] =	ssyncset.done $0x0  }
0x1c8: {  	[sflag:s17] =	ssyncadd.s32 $0xFFFFC000  }
0x1c9: {  	[spmem:s2] =	stream.indirect.scatter.add.f32 [tilespmem:s12], [sflag:$0x3], $0x80, s31, s15, $0xb8;
	[tilespmem:$0x1CC00] =	vst v63  }
0x1ca: {  	_ =	swait.ge [sflag:s13], $0x4000  }
0x1cb: {  	[sflag:s13] =	ssyncset.done $0x0  }
0x1cc: {  	[sflag:s13] =	ssyncadd.s32 $0xFFFFC000  }
0x1cd: {  	[tilespmem:s12], [sflag:$0x1] =	stream.indirect.gather [hbm4b:s4+s15], $0x80, s1, s15, $0xb8;
	[tilespmem:$0x1CC00] =	vst v63  }
0x1ce: {  	_ =	swait.ge [sflag:s18], $0x4000  }
0x1cf: {  	[sflag:s18] =	ssyncset.done $0x0  }
0x1d0: {  	[sflag:s18] =	ssyncadd.s32 $0xFFFFC000  }
0x1d1: {  	[spmem:s2] =	stream.indirect.scatter.add.f32 [tilespmem:s16], [sflag:$0x3], $0x80, s0, s15, $0xb8;
	[tilespmem:$0x1CC00] =	vst v63  }
0x1d2: {  	_ =	swait.ge [sflag:s13], $0x4000  }
0x1d3: {  	[sflag:s13] =	ssyncset.done $0x0  }
0x1d4: {  	[sflag:s13] =	ssyncadd.s32 $0xFFFFC000  }
0x1d5: {  	[tilespmem:s16], [sflag:$0x2] =	stream.indirect.gather [hbm4b:s4+s15], $0x80, s6, s15, $0xb8;
	[tilespmem:$0x1CC00] =	vst v63  }
0x1d6: {  	_ =	swait.ge [sflag:s17], $0x4000  }
0x1d7: {  	[sflag:s17] =	ssyncset.done $0x0  }
0x1d8: {  	[sflag:s17] =	ssyncadd.s32 $0xFFFFC000  }
0x1d9: {  	[spmem:s2] =	stream.indirect.scatter.add.f32 [tilespmem:s12], [sflag:$0x3], $0x80, s7, s15, $0xb8;
	[tilespmem:$0x1CC00] =	vst v63  }
0x1da: {  	_ =	swait.ge [sflag:s13], $0x4000  }
0x1db: {  	[sflag:s13] =	ssyncset.done $0x0  }
0x1dc: {  	[sflag:s13] =	ssyncadd.s32 $0xFFFFC000  }
0x1dd: {  	_ =	swait.ge [sflag:s18], $0x4000  }
0x1de: {  	[sflag:s18] =	ssyncset.done $0x0  }
0x1df: {  	[sflag:s18] =	ssyncadd.s32 $0xFFFFC000  }
0x1e0: {  	[spmem:s2] =	stream.indirect.scatter.add.f32 [tilespmem:s16], [sflag:$0x3], $0x80, s8, s15, $0xb8;
	[tilespmem:$0x1CC00] =	vst v63  }
0x1e1: {  	_ =	swait.ge [sflag:s13], $0x4000  }
0x1e2: {  	[sflag:s13] =	ssyncset.done $0x0  }
0x1e3: {  	[sflag:s13] =	ssyncadd.s32 $0xFFFFC000  }
0x1e4: {  	s10 =	stileid.u32;
	[bflag:$0x0] =	sbarrier.arrive $0xFFFF  }
0x1e5: {  	s5 =	sshll.u32 s10, $0x6;
	s9 =	rddreg [dreg:$0x12]  }
0x1e6: {  	s5 =	sor.u32 $0x1C03, s5;
	s11 =	rddreg [dreg:$0x14];
	s9 =	sshrl.u32 s9, $0x3  }
0x1e7: {  	[hbm:s11], [sflag:s5] =	dma.local [spmem:s9], $0x2780  }
0x1e8: {  	_ =	swait.ge [sflag:s13], $0x2780  }
0x1e9: {  	s10 =	rddreg [dreg:$0x19]  }
0x1ea: {  	s11 =	rddreg [dreg:$0x15];
	s9 =	sadd.s32 $0x1, s10  }
0x1eb: {  	p0 =	sne.s32 s9, s11  }
.Ltmp2:
0x1ec: {  	_ = 	snop;
	(pc) =	sbr.rel @p0 .LBB2_1-.Ltmp2, $3  }
0x1ed: {  	_ =	sdelay $0x1  }
0x1ee: {  	[sflag:s13] =	ssyncset.done $0x0  }
0x1ef: {  	[sflag:s13] =	ssyncadd.s32 $0xFFFFD880  }
0x1f0: {  	_ =	sfence.sel $0x180000  }
0x1f1: {  	[bflag:$0x0] =	sbarrier.arrive $0xFFFF  }
0x1f2: {  	_ =	strace $0x9000004D  }
0x1f3: {  	s0 =	stileid.u32;
	[bflag:$0x2] =	sbarrier.arrive $0xFFFF  }
0x1f4: {  	p0 =	sne.s32 s0, $0x0;
	s0 =	rddreg [dreg:$0x3]  }
0x1f5: {  	s0 =	sadd.s32 @!p0 $0x100000, s0  }
0x1f6: {  	[sflag:s0] =	ssyncadd.tile.s32 @!p0 $0x1;
	_ =	shalt  }
.Lfunc_end2:
_tile_overlayer_lowered:
.L_overlay_start_2:
0x1f7: {  	(tag) =	ssettag $0x2  }
0x1f8: {  	s0 =	rddreg [dreg:$0x0];
	s2 =	stileid.u32  }
0x1f9: {  	s1 =	rddreg [dreg:$0x1];
	p0 =	sne.s32 s2, $0x0  }
0x1fa: {  	s3 =	rddreg [dreg:$0x2];
	[bflag:$0x3] =	sbarrier.arrive $0xFFFF;
	s2 =	simm.s32 @!p0 $0x1C03  }
0x1fb: {  	[timem:s3], [sflag:s2] =	dma.local @!p0 [hbm:s0], s1  }
0x1fc: {  	s0 =	simm.s32 @!p0 $0x3  }
0x1fd: {  	_ =	swait.ge @!p0 [sflag:s0], s1  }
0x1fe: {  	s1 =	ssub.s32 @!p0 $0x0, s1;
	[sflag:s0] =	ssyncset.done @!p0 $0x0  }
0x1ff: {  	[sflag:s0] =	ssyncadd.s32 @!p0 s1  }
0x200: {  	[bflag:$0x3] =	sbarrier.arrive $0xFFFF  }
0x201: {  	_ =	shalt  }

// kernel: kernel.8.cloned.1.call-start
scs
__scs_entry_jumppad:
0x0: {  	(pc) =	sbr.rel $0x88, $3  }
0x1: {  	(tag) =	ssettag $0x0;
	lr =	simm.s32 $0x1  }
0x2: {  	[smem:$0x3F98] =	sst lr;
	_ =	strace $0xD0000000  }
0x3: {  	_ = 	snop  }
0x4: {  	_ = 	snop  }
0x5: {  	_ = 	snop  }
0x6: {  	_ = 	snop  }
0x7: {  	_ = 	snop  }
__scs_overlays_trampoline_lowered:
0x8: {  	[smem:$0x3FA7] =	sst s0  }
0x9: {  	[smem:$0x3FA8] =	sst s1  }
0xa: {  	[smem:$0x3FA9] =	sst s2  }
0xb: {  	[smem:$0x3FAA] =	sst s3  }
0xc: {  	[smem:$0x3FAB] =	sst s4  }
0xd: {  	[smem:$0x3FAC] =	sst s5  }
0xe: {  	[smem:$0x3FAD] =	sst s6  }
0xf: {  	[smem:$0x3FAE] =	sst s7  }
0x10: {  	[smem:$0x3FAF] =	sst s8  }
0x11: {  	[smem:$0x3FB0] =	sst s9;
	s0 =	simm.s32 @!p0 $0x0  }
0x12: {  	s1 =	sld [smem:$0x3F96];
	s0 =	simm.s32 @p0 $0x1  }
0x13: {  	[smem:$0x3FB1] =	sst s0;
	s0 =	simm.s32 @!p1 $0x0  }
0x14: {  	s2 =	sld [smem:$0x3F95];
	s0 =	simm.s32 @p1 $0x1  }
0x15: {  	[smem:$0x3FB2] =	sst s0;
	s0 =	simm.s32 @!p2 $0x0  }
0x16: {  	s3 =	sld [smem:$0x3FDB];
	s0 =	simm.s32 @p2 $0x1  }
0x17: {  	s4 =	simm.s32 $0x1BF5;
	[smem:$0x3FB4] =	sst s0  }
0x18: {  	s0 =	sld [smem:$0x3F97];
	_ =	swait.ge [sflag:s4], $0x0  }
0x19: {  	s7 =	sld [smem:$0x3F98]  }
0x1a: {  	s8 =	sadd.s32 $0xFFFFE003, lr  }
0x1b: {  	s9 =	sadd.s32 $0xFFFFFEF7, lr;
	s5 =	simm.s32 $0xFFFFFFFF;
	p2 =	slt.u32 s8, $0xFFFFF086  }
0x1c: {  	p1 =	slt.u32 s9, $0xF7A;
	s5 =	simm.s32 @!p2 $0x0  }
0x1d: {  	s5 =	simm.s32 @p1 $0x1;
	p0 =	seq.s32 s7, s2  }
0x1e: {  	s7 =	smul.u32 @!p0 $0xF7A, s2;
	p2 =	seq.s32 @!p0 s5, $0x0  }
0x1f: {  	s9 =	smul.u32 $0xF7A, s1;
	s8 =	simm.s32 @!p0 $0x1BF5;
	p2 =	por !p2, p0  }
0x20: {  	[sflag:s8] =	ssyncset.s32 @!p0 $0xFFFFF086;
	s6 =	sadd.s32 @!p0 s3, s7;
	s7 =	simm.s32 @!p0 $0x108  }
0x21: {  	s3 =	sadd.s32 s3, s9;
	s6 =	sadd.s32 @!p0 $0x88, s6;
	s7 =	simm.s32 @p2 $0x1082  }
0x22: {  	[simem:s7], [sflag:s8] =	dma.local @!p0 [hbm:s6], $0xF7A  }
0x23: {  	s9 =	sor.u32 $0xD0000000, s2;
	s6 =	simm.s32 $0x108;
	_ =	swait.ge @!p0 [sflag:s8], $0x0  }
0x24: {  	s3 =	sadd.s32 $0x88, s3;
	s6 =	simm.s32 @!p1 $0x1082;
	[sflag:s4] =	ssyncset.s32 $0xFFFFF086  }
0x25: {  	[simem:s6], [sflag:s4] =	dma.local [hbm:s3], $0xF7A  }
0x26: {  	[smem:$0x3F98] =	sst s1;
	(tag) =	ssettag s2;
	_ =	strace s9  }
0x27: {  	s1 =	sld [smem:$0x3FA8]  }
0x28: {  	s2 =	sld [smem:$0x3FA9]  }
0x29: {  	s4 =	sld [smem:$0x3FAB]  }
0x2a: {  	p0 =	seq.s32 s5, $0x0;
	s5 =	sld [smem:$0x3FAC]  }
0x2b: {  	s6 =	sld [smem:$0x3FAD]  }
0x2c: {  	s7 =	sld [smem:$0x3FAE]  }
0x2d: {  	s3 =	simm.s32 $0x108;
	s8 =	sld [smem:$0x3FAF]  }
0x2e: {  	s3 =	simm.s32 @!p0 $0x1082;
	s9 =	sld [smem:$0x3FB0]  }
0x2f: {  	lr =	sadd.s32 s0, s3;
	s0 =	sld [smem:$0x3FA7]  }
0x30: {  	s3 =	sld [smem:$0x3FAA]  }
0x31: {  	[smem:$0x3FB3] =	sst s10  }
0x32: {  	s10 =	sld [smem:$0x3FB1];
	_ =	sdelay $0x3  }
0x33: {  	p0 =	seq.s32 s10, $0x1;
	s10 =	sld [smem:$0x3FB3];
	_ =	sdelay $0x3  }
0x34: {  	[smem:$0x3FB3] =	sst s10  }
0x35: {  	s10 =	sld [smem:$0x3FB2];
	_ =	sdelay $0x3  }
0x36: {  	p1 =	seq.s32 s10, $0x1;
	s10 =	sld [smem:$0x3FB3];
	_ =	sdelay $0x3  }
0x37: {  	[smem:$0x3FB3] =	sst s10  }
0x38: {  	s10 =	sld [smem:$0x3FB4]  }
0x39: {  	_ = 	snop;
	(pc) =	sbr.ind lr, $3  }
0x3a: {  	_ = 	snop  }
0x3b: {  	_ = 	snop  }
0x3c: {  	p2 =	seq.s32 s10, $0x1;
	s10 =	sld [smem:$0x3FB3]  }
0x3d: {  	_ =	shalt  }
0x3e: {  	_ =	shalt  }
0x3f: {  	_ =	shalt  }
0x40: {  	_ =	shalt  }
0x41: {  	_ =	shalt  }
0x42: {  	_ =	shalt  }
0x43: {  	_ =	shalt  }
0x44: {  	_ =	shalt  }
0x45: {  	_ =	shalt  }
0x46: {  	_ =	shalt  }
0x47: {  	_ =	shalt  }
0x48: {  	_ =	shalt  }
0x49: {  	_ =	shalt  }
0x4a: {  	_ =	shalt  }
0x4b: {  	_ =	shalt  }
0x4c: {  	_ =	shalt  }
0x4d: {  	_ =	shalt  }
0x4e: {  	_ =	shalt  }
0x4f: {  	_ =	shalt  }
0x50: {  	_ =	shalt  }
0x51: {  	_ =	shalt  }
0x52: {  	_ =	shalt  }
0x53: {  	_ =	shalt  }
0x54: {  	_ =	shalt  }
0x55: {  	_ =	shalt  }
0x56: {  	_ =	shalt  }
0x57: {  	_ =	shalt  }
0x58: {  	_ =	shalt  }
0x59: {  	_ =	shalt  }
0x5a: {  	_ =	shalt  }
0x5b: {  	_ =	shalt  }
0x5c: {  	_ =	shalt  }
0x5d: {  	_ =	shalt  }
0x5e: {  	_ =	shalt  }
0x5f: {  	_ =	shalt  }
0x60: {  	_ =	shalt  }
0x61: {  	_ =	shalt  }
0x62: {  	_ =	shalt  }
0x63: {  	_ =	shalt  }
0x64: {  	_ =	shalt  }
0x65: {  	_ =	shalt  }
0x66: {  	_ =	shalt  }
0x67: {  	_ =	shalt  }
0x68: {  	_ =	shalt  }
0x69: {  	_ =	shalt  }
0x6a: {  	_ =	shalt  }
0x6b: {  	_ =	shalt  }
0x6c: {  	_ =	shalt  }
0x6d: {  	_ =	shalt  }
0x6e: {  	_ =	shalt  }
0x6f: {  	_ =	shalt  }
0x70: {  	_ =	shalt  }
0x71: {  	_ =	shalt  }
0x72: {  	_ =	shalt  }
0x73: {  	_ =	shalt  }
0x74: {  	_ =	shalt  }
0x75: {  	_ =	shalt  }
0x76: {  	_ =	shalt  }
0x77: {  	_ =	shalt  }
0x78: {  	_ =	shalt  }
0x79: {  	_ =	shalt  }
0x7a: {  	_ =	shalt  }
0x7b: {  	_ =	shalt  }
0x7c: {  	_ =	shalt  }
0x7d: {  	_ =	shalt  }
0x7e: {  	_ =	shalt  }
0x7f: {  	_ =	shalt  }
0x80: {  	_ =	shalt  }
0x81: {  	_ =	shalt  }
0x82: {  	_ =	shalt  }
0x83: {  	_ =	shalt  }
0x84: {  	_ =	shalt  }
0x85: {  	_ =	shalt  }
0x86: {  	_ =	shalt  }
0x87: {  	_ =	shalt  }
.Lfunc_end0:
.L_simem_size_0:
called_computation_lowered:
.L_overlay_start_0:
0x88: {  	s2 =	sld [smem:$0x3FD9]  }
0x89: {  	s3 =	sld [smem:$0x3FFE];
	_ =	sdelay $0x1  }
0x8a: {  	s1 =	srdreg.scid  }
0x8b: {  	s0 =	sand.u32 $0x1, s1  }
0x8c: {  	s17 =	sshll.u32 s0, $0xA;
	s2 =	sadd.s32 s3, s2  }
0x8d: {  	s2 =	sadd.s32 s2, s17  }
0x8e: {  	[smem:$0x3FBF] =	sst s2  }
0x8f: {  	_ = 	snop  }
0x90: {  	s2 =	sld [smem:$0x3FD0];
	(tm) =	ssettm $0x1  }
0x91: {  	s18 =	sld [smem:$0x3FFB];
	_ =	sdelay $0x3  }
0x92: {  	_ =	strace s18  }
0x93: {  	s3 =	sld [smem:$0x3FFC];
	_ =	sdelay $0x3  }
0x94: {  	_ =	strace s3  }
0x95: {  	s3 =	sld [smem:$0x3FFD];
	_ =	sdelay $0x3  }
0x96: {  	_ =	strace s3  }
0x97: {  	_ =	strace $0x8FFFFFFF  }
0x98: {  	s19 =	sld [smem:$0x3FDB];
	_ =	sdelay $0x1  }
0x99: {  	s4 =	simm.s32 $_scs_section_size  }
0x9a: {  	s5 =	simm.s32 $_size__tile_overlayer_lowered;
	s6 =	simm.s32 $_tile_overlayer_lowered  }
0x9b: {  	s22 =	simm.s32 $0x1BFF;
	s21 =	sshll.u32 s6, $0x1;
	s3 =	sadd.s32 s4, s19  }
0x9c: {  	s7 =	simm.s32 $0x0;
	s20 =	sshll.u32 s5, $0x1;
	s5 =	sadd.s32 s21, s3  }
0x9d: {  	[timem:s7], [sflag:s22] =	dma.local [hbm:s5], s20  }
0x9e: {  	_ =	swait.ge [sflag:s22], s20  }
0x9f: {  	s4 =	ssub.s32 $0x0, s20;
	[sflag:s22] =	ssyncset.done $0x0  }
0xa0: {  	[sflag:s22] =	ssyncadd.s32 s4;
	_ =	sdelay $0x1  }
0xa1: {  	s23 =	simm.s32 $0x1B8B  }
0xa2: {  	_ =	swait.ge [sflag:s23], $0x1  }
0xa3: {  	[sflag:s23] =	ssyncset.done $0x0  }
0xa4: {  	s25 =	simm.s32 $0x1B8E;
	s24 =	sld [smem:$0x3FFE];
	[sflag:s23] =	ssyncadd.s32 $0xFFFFFFFF  }
0xa5: {  	s26 =	simm.s32 $execute0_lowered;
	[smem:$0x3FD2] =	sst s25  }
0xa6: {  	s5 =	sshll.u32 s26, $0x1;
	_ =	strace $0x80000046;
	[dreg:$0x1] =	wrdreg $0xFFFFFFFF  }
0xa7: {  	s28 =	simm.s32 $_size_execute0_lowered;
	s3 =	sadd.s32 s3, s5;
	[dreg:$0x0] =	wrdreg $0x0  }
0xa8: {  	s5 =	sshll.u32 s28, $0x1;
	[dreg:$0x2] =	wrdreg s3  }
0xa9: {  	[dreg:$0x3] =	wrdreg s5  }
0xaa: {  	[dreg:$0x4] =	wrdreg $0xC0  }
0xab: {  	_ =	task [dreg:s7], $0x5FFFF  }
0xac: {  	[dreg:$0x1] =	wrdreg $0xFFFFFFFF  }
0xad: {  	[dreg:$0x0] =	wrdreg $0x60  }
0xae: {  	[dreg:$0x2] =	wrdreg s2  }
0xaf: {  	[dreg:$0x3] =	wrdreg s24  }
0xb0: {  	[dreg:$0x4] =	wrdreg $0x48000  }
0xb1: {  	[dreg:$0x5] =	wrdreg $0x9  }
0xb2: {  	_ =	task.clear_ibuf [dreg:s7], $0x6FFFF;
	_ =	strace $0x90000046  }
0xb3: {  	s29 =	simm.s32 $0x9;
	_ =	strace $0x80000048  }
0xb4: {  	_ =	swait.ge [sflag:s29], $0x1  }
0xb5: {  	[sflag:s29] =	ssyncadd.s32 $0xFFFFFFFF  }
0xb6: {  	_ =	strace $0x90000048  }
0xb7: {  	_ =	sfence  }
0xb8: {  	s30 =	sld [smem:$0x0];
	_ =	sdelay $0x2  }
0xb9: {  	s31 =	sshll.u32 s1, $0xD;
	s1 =	sshrl.u32 s1, $0x2  }
0xba: {  	s3 =	sand.u32 $0x4000, s31;
	s1 =	sadd.s32 s1, s30  }
0xbb: {  	s0 =	sor.u32 s3, s0;
	s1 =	sshll.u32 s1, $0x11  }
0xbc: {  	s0 =	sor.u32 s1, s0  }
0xbd: {  	s0 =	sadd.s32 $0x8F2B, s0  }
0xbe: {  	[sflag:s0] =	ssyncadd.remote.s32 $0x1  }
0xbf: {  	_ =	sfence.sel $0xFFFF  }
0xc0: {  	[dreg:$0x0] =	wrdreg $0xFFFFFFFF;
	(pc) =	sbr.abs _section_cstart, $3  }
0xc1: {  	[dreg:$0x1] =	wrdreg $0xFFFFFFFF  }
0xc2: {  	_ =	task.clear_ibuf [dreg:s7], $0x2FFFF;
	_ =	strace $0x9FFFFFFF  }
0xc3: {  	(tm) =	ssettm $0x7FFFFFFF  }
tec
execute0_lowered:
.L_overlay_start_1:
0x0: {  	(tag) =	ssettag $0x1  }
0x1: {  	s0 =	rddreg [dreg:$0x0]  }
0x2: {  	s1 =	rddreg [dreg:$0x1];
	s3 =	srdreg.scid  }
0x3: {  	s2 =	rddreg [dreg:$0x2];
	s9 =	stileid.u32  }
0x4: {  	s12 =	simm.s32 $0x800;
	s13 =	simm.s32 $0x1;
	s14 =	simm.s32 $0x80  }
0x5: {  	s15 =	simm.s32 $0x100;
	s16 =	simm.s32 $0x180;
	s17 =	simm.s32 $0x200  }
0x6: {  	s18 =	simm.s32 $0x280;
	s19 =	simm.s32 $0x300;
	s20 =	simm.s32 $0x380  }
0x7: {  	s21 =	simm.s32 $0x400;
	s22 =	simm.s32 $0x480;
	s6 =	smul.u32 $0x13C00, s9  }
0x8: {  	s23 =	simm.s32 $0x500;
	s28 =	simm.s32 $0x700;
	s24 =	smul.u32 $0x4F000, s9  }
0x9: {  	s29 =	simm.s32 $0x780;
	s4 =	sand.u32 $0x1, s3;
	s9 =	smul.u32 $0x2800, s9  }
0xa: {  	s30 =	simm.s32 $0x0;
	s3 =	simm.s32 $0x0;
	s5 =	smul.u32 $0x140000, s4  }
0xb: {  	[smem:$0x7FF] =	sst s3;
	s7 =	ssub.s32 $0x2, s4;
	s8 =	smul.u32 $0x28000, s4  }
0xc: {  	_ =	strace $0x80000047;
	s25 =	sshrl.u32 s7, $0x1;
	s5 =	sadd.s32 s6, s5  }
0xd: {  	s6 =	sshrl.u32 s24, $0x2;
	s7 =	ssub.s32 s7, s25;
	s31 =	sadd.s32 s9, s8  }
0xe: {  	s24 =	simm.s32 $0x580;
	s25 =	simm.s32 $0x600;
	s5 =	sshrl.u32 s5, $0x3  }
0xf: {  	s4 =	sadd.s32 s6, s2;
	s7 =	smax.u32 s7, $0x1;
	s1 =	sadd.s32 s5, s1  }
0x10: {  	s26 =	sadd.s32 $0x10000, s4;
	s8 =	sadd.s32 $0x4000, s4;
	s9 =	sadd.s32 $0x8000, s4  }
0x11: {  	s10 =	sadd.s32 $0xC000, s4;
	s6 =	sadd.s32 $0x2E00, s1;
	s1 =	sshrl.u32 s31, $0x3  }
0x12: {  	v0 =	vimm.f32 $0.0e+00;
	v1 =	vimm.f32 $1.000000000e+00;
	[dreg:$0x4] =	wrdreg s26;
	s26 =	simm.s32 $0x680;
	s11 =	sadd.s32 s1, s0  }
.LBB2_1:
0x13: {  	s0 =	simm.s32 $0x0;
	s31 =	simm.s32 $0x200  }
.LBB2_2:
0x14: {  	p0 =	sne.s32 s31, $0xFE00;
	[tilespmem:s0+$0x870] =	vst v0  }
0x15: {  	[tilespmem:s0+$0x800] =	vst v0  }
0x16: {  	[tilespmem:s0+$0x810] =	vst v0  }
.Ltmp0:
0x17: {  	[tilespmem:s0+$0x820] =	vst v0;
	(pc) =	sbr.rel @p0 .LBB2_2-.Ltmp0, $4  }
0x18: {  	[tilespmem:s0+$0x830] =	vst v0  }
0x19: {  	[tilespmem:s0+$0x840] =	vst v0  }
0x1a: {  	[tilespmem:s0+$0x850] =	vst v0  }
0x1b: {  	[tilespmem:s0+$0x860] =	vst v0;
	s0 =	sshra.s32 s31, $0x2;
	s31 =	sadd.s32 $0x200, s31  }
0x1c: {  	[tilespmem:s0+$0x870] =	vst v0  }
0x1d: {  	[tilespmem:s0+$0x800] =	vst v0  }
0x1e: {  	[tilespmem:s0+$0x810] =	vst v0  }
0x1f: {  	[tilespmem:s0+$0x820] =	vst v0  }
0x20: {  	[tilespmem:s0+$0x830] =	vst v0  }
0x21: {  	[tilespmem:s0+$0x840] =	vst v0  }
0x22: {  	[tilespmem:s0+$0x850] =	vst v0  }
0x23: {  	[tilespmem:s0+$0x860] =	vst v0  }
0x24: {  	[spmem:s4] =	stream.linear.scatter [tilespmem:s12], [sflag:$0x1], $0x4000, $0x38;
	[tilespmem:$0x18400] =	vst v63  }
0x25: {  	_ =	swait.ge [sflag:s13], $0x4000  }
0x26: {  	[sflag:s13] =	ssyncset.done $0x0  }
0x27: {  	[sflag:s13] =	ssyncadd.s32 $0xFFFFC000  }
0x28: {  	[spmem:s8] =	stream.linear.scatter [tilespmem:s12], [sflag:$0x1], $0x4000, $0x38;
	[tilespmem:$0x18400] =	vst v63  }
0x29: {  	_ =	swait.ge [sflag:s13], $0x4000  }
0x2a: {  	[sflag:s13] =	ssyncset.done $0x0  }
0x2b: {  	[sflag:s13] =	ssyncadd.s32 $0xFFFFC000  }
0x2c: {  	[spmem:s9] =	stream.linear.scatter [tilespmem:s12], [sflag:$0x1], $0x4000, $0x38;
	[tilespmem:$0x18400] =	vst v63  }
0x2d: {  	_ =	swait.ge [sflag:s13], $0x4000  }
0x2e: {  	[sflag:s13] =	ssyncset.done $0x0  }
0x2f: {  	[sflag:s13] =	ssyncadd.s32 $0xFFFFC000  }
0x30: {  	[spmem:s10] =	stream.linear.scatter [tilespmem:s12], [sflag:$0x1], $0x4000, $0x38;
	[tilespmem:$0x18400] =	vst v63  }
0x31: {  	_ =	swait.ge [sflag:s13], $0x4000  }
0x32: {  	[sflag:s13] =	ssyncset.done $0x0  }
0x33: {  	s5 =	rddreg [dreg:$0x4];
	[sflag:s13] =	ssyncadd.s32 $0xFFFFC000  }
0x34: {  	[spmem:s5] =	stream.linear.scatter [tilespmem:s12], [sflag:$0x1], $0x3C00, $0x38;
	[tilespmem:$0x18400] =	vst v63  }
0x35: {  	_ =	swait.ge [sflag:s13], $0x3C00  }
0x36: {  	[sflag:s13] =	ssyncset.done $0x0  }
0x37: {  	s0 =	simm.s32 $0x0;
	s31 =	simm.s32 $0x200;
	[sflag:s13] =	ssyncadd.s32 $0xFFFFC400  }
.LBB2_4:
0x38: {  	p0 =	sne.s32 s31, $0xFE00;
	[tilespmem:s0+$0x870] =	vst v1  }
0x39: {  	[tilespmem:s0+$0x800] =	vst v1  }
0x3a: {  	[tilespmem:s0+$0x810] =	vst v1  }
.Ltmp1:
0x3b: {  	[tilespmem:s0+$0x820] =	vst v1;
	(pc) =	sbr.rel @p0 .LBB2_4-.Ltmp1, $4  }
0x3c: {  	[tilespmem:s0+$0x830] =	vst v1  }
0x3d: {  	[tilespmem:s0+$0x840] =	vst v1  }
0x3e: {  	[tilespmem:s0+$0x850] =	vst v1  }
0x3f: {  	[tilespmem:s0+$0x860] =	vst v1;
	s0 =	sshra.s32 s31, $0x2;
	s31 =	sadd.s32 $0x200, s31  }
0x40: {  	[tilespmem:s0+$0x870] =	vst v1  }
0x41: {  	[tilespmem:s0+$0x800] =	vst v1  }
0x42: {  	[tilespmem:s0+$0x810] =	vst v1  }
0x43: {  	[tilespmem:s0+$0x820] =	vst v1  }
0x44: {  	[tilespmem:s0+$0x830] =	vst v1  }
0x45: {  	[tilespmem:s0+$0x840] =	vst v1  }
0x46: {  	[tilespmem:s0+$0x850] =	vst v1  }
0x47: {  	[tilespmem:s0+$0x860] =	vst v1  }
0x48: {  	s5 =	sadd.s32 $0x0, s11;
	[bflag:$0x0] =	sbarrier.arrive $0xFFFF  }
0x49: {  	[tilespmem:s3], [sflag:$0x1] =	stream.linear.gather [hbm4b:s5+s3], $0x800, $0x38;
	[tilespmem:$0x18400] =	vst v63  }
0x4a: {  	_ =	swait.ge [sflag:s13], $0x800  }
0x4b: {  	[sflag:s13] =	ssyncset.done $0x0  }
0x4c: {  	[sflag:s13] =	ssyncadd.s32 $0xFFFFF800  }
0x4d: {  	[spmem:s2] =	stream.indirect.scatter.add.f32 [tilespmem:s12], [sflag:$0x1], $0x80, s3, s14, $0xb8;
	[tilespmem:$0x18400] =	vst v63  }
0x4e: {  	_ =	swait.ge [sflag:s13], $0x4000  }
0x4f: {  	[sflag:s13] =	ssyncset.done $0x0  }
0x50: {  	[sflag:s13] =	ssyncadd.s32 $0xFFFFC000  }
0x51: {  	[spmem:s2] =	stream.indirect.scatter.add.f32 [tilespmem:s12], [sflag:$0x1], $0x80, s14, s14, $0xb8;
	[tilespmem:$0x18400] =	vst v63  }
0x52: {  	_ =	swait.ge [sflag:s13], $0x4000  }
0x53: {  	[sflag:s13] =	ssyncset.done $0x0  }
0x54: {  	[sflag:s13] =	ssyncadd.s32 $0xFFFFC000  }
0x55: {  	[spmem:s2] =	stream.indirect.scatter.add.f32 [tilespmem:s12], [sflag:$0x1], $0x80, s15, s14, $0xb8;
	[tilespmem:$0x18400] =	vst v63  }
0x56: {  	_ =	swait.ge [sflag:s13], $0x4000  }
0x57: {  	[sflag:s13] =	ssyncset.done $0x0  }
0x58: {  	[sflag:s13] =	ssyncadd.s32 $0xFFFFC000  }
0x59: {  	[spmem:s2] =	stream.indirect.scatter.add.f32 [tilespmem:s12], [sflag:$0x1], $0x80, s16, s14, $0xb8;
	[tilespmem:$0x18400] =	vst v63  }
0x5a: {  	_ =	swait.ge [sflag:s13], $0x4000  }
0x5b: {  	[sflag:s13] =	ssyncset.done $0x0  }
0x5c: {  	[sflag:s13] =	ssyncadd.s32 $0xFFFFC000  }
0x5d: {  	[spmem:s2] =	stream.indirect.scatter.add.f32 [tilespmem:s12], [sflag:$0x1], $0x80, s17, s14, $0xb8;
	[tilespmem:$0x18400] =	vst v63  }
0x5e: {  	_ =	swait.ge [sflag:s13], $0x4000  }
0x5f: {  	[sflag:s13] =	ssyncset.done $0x0  }
0x60: {  	[sflag:s13] =	ssyncadd.s32 $0xFFFFC000  }
0x61: {  	[spmem:s2] =	stream.indirect.scatter.add.f32 [tilespmem:s12], [sflag:$0x1], $0x80, s18, s14, $0xb8;
	[tilespmem:$0x18400] =	vst v63  }
0x62: {  	_ =	swait.ge [sflag:s13], $0x4000  }
0x63: {  	[sflag:s13] =	ssyncset.done $0x0  }
0x64: {  	[sflag:s13] =	ssyncadd.s32 $0xFFFFC000  }
0x65: {  	[spmem:s2] =	stream.indirect.scatter.add.f32 [tilespmem:s12], [sflag:$0x1], $0x80, s19, s14, $0xb8;
	[tilespmem:$0x18400] =	vst v63  }
0x66: {  	_ =	swait.ge [sflag:s13], $0x4000  }
0x67: {  	[sflag:s13] =	ssyncset.done $0x0  }
0x68: {  	[sflag:s13] =	ssyncadd.s32 $0xFFFFC000  }
0x69: {  	[spmem:s2] =	stream.indirect.scatter.add.f32 [tilespmem:s12], [sflag:$0x1], $0x80, s20, s14, $0xb8;
	[tilespmem:$0x18400] =	vst v63  }
0x6a: {  	_ =	swait.ge [sflag:s13], $0x4000  }
0x6b: {  	[sflag:s13] =	ssyncset.done $0x0  }
0x6c: {  	[sflag:s13] =	ssyncadd.s32 $0xFFFFC000  }
0x6d: {  	[spmem:s2] =	stream.indirect.scatter.add.f32 [tilespmem:s12], [sflag:$0x1], $0x80, s21, s14, $0xb8;
	[tilespmem:$0x18400] =	vst v63  }
0x6e: {  	_ =	swait.ge [sflag:s13], $0x4000  }
0x6f: {  	[sflag:s13] =	ssyncset.done $0x0  }
0x70: {  	[sflag:s13] =	ssyncadd.s32 $0xFFFFC000  }
0x71: {  	[spmem:s2] =	stream.indirect.scatter.add.f32 [tilespmem:s12], [sflag:$0x1], $0x80, s22, s14, $0xb8;
	[tilespmem:$0x18400] =	vst v63  }
0x72: {  	_ =	swait.ge [sflag:s13], $0x4000  }
0x73: {  	[sflag:s13] =	ssyncset.done $0x0  }
0x74: {  	[sflag:s13] =	ssyncadd.s32 $0xFFFFC000  }
0x75: {  	[spmem:s2] =	stream.indirect.scatter.add.f32 [tilespmem:s12], [sflag:$0x1], $0x80, s23, s14, $0xb8;
	[tilespmem:$0x18400] =	vst v63  }
0x76: {  	_ =	swait.ge [sflag:s13], $0x4000  }
0x77: {  	[sflag:s13] =	ssyncset.done $0x0  }
0x78: {  	[sflag:s13] =	ssyncadd.s32 $0xFFFFC000  }
0x79: {  	[spmem:s2] =	stream.indirect.scatter.add.f32 [tilespmem:s12], [sflag:$0x1], $0x80, s24, s14, $0xb8;
	[tilespmem:$0x18400] =	vst v63  }
0x7a: {  	_ =	swait.ge [sflag:s13], $0x4000  }
0x7b: {  	[sflag:s13] =	ssyncset.done $0x0  }
0x7c: {  	[sflag:s13] =	ssyncadd.s32 $0xFFFFC000  }
0x7d: {  	[spmem:s2] =	stream.indirect.scatter.add.f32 [tilespmem:s12], [sflag:$0x1], $0x80, s25, s14, $0xb8;
	[tilespmem:$0x18400] =	vst v63  }
0x7e: {  	_ =	swait.ge [sflag:s13], $0x4000  }
0x7f: {  	[sflag:s13] =	ssyncset.done $0x0  }
0x80: {  	[sflag:s13] =	ssyncadd.s32 $0xFFFFC000  }
0x81: {  	[spmem:s2] =	stream.indirect.scatter.add.f32 [tilespmem:s12], [sflag:$0x1], $0x80, s26, s14, $0xb8;
	[tilespmem:$0x18400] =	vst v63  }
0x82: {  	_ =	swait.ge [sflag:s13], $0x4000  }
0x83: {  	[sflag:s13] =	ssyncset.done $0x0  }
0x84: {  	[sflag:s13] =	ssyncadd.s32 $0xFFFFC000  }
0x85: {  	[spmem:s2] =	stream.indirect.scatter.add.f32 [tilespmem:s12], [sflag:$0x1], $0x80, s28, s14, $0xb8;
	[tilespmem:$0x18400] =	vst v63  }
0x86: {  	_ =	swait.ge [sflag:s13], $0x4000  }
0x87: {  	[sflag:s13] =	ssyncset.done $0x0  }
0x88: {  	[sflag:s13] =	ssyncadd.s32 $0xFFFFC000  }
0x89: {  	[spmem:s2] =	stream.indirect.scatter.add.f32 [tilespmem:s12], [sflag:$0x1], $0x80, s29, s14, $0xb8;
	[tilespmem:$0x18400] =	vst v63  }
0x8a: {  	_ =	swait.ge [sflag:s13], $0x4000  }
0x8b: {  	s31 =	simm.s32 $0x100;
	s0 =	simm.s32 $0x200;
	[sflag:s13] =	ssyncset.done $0x0  }
.LBB2_6:
0x8c: {  	s5 =	sadd.s32 s31, s11  }
0x8d: {  	[sflag:s13] =	ssyncadd.s32 $0xFFFFC000;
	s31 =	smov.u32 s0;
	s1 =	sadd.s32 $0x100, s0  }
0x8e: {  	[tilespmem:s3], [sflag:$0x1] =	stream.linear.gather [hbm4b:s5+s3], $0x800, $0x38;
	[tilespmem:$0x18400] =	vst v63  }
0x8f: {  	p0 =	sne.s32 s0, $0x400;
	_ =	swait.ge [sflag:s13], $0x800  }
0x90: {  	[sflag:s13] =	ssyncset.done $0x0  }
0x91: {  	[sflag:s13] =	ssyncadd.s32 $0xFFFFF800  }
0x92: {  	[spmem:s2] =	stream.indirect.scatter.add.f32 [tilespmem:s12], [sflag:$0x1], $0x80, s3, s14, $0xb8;
	[tilespmem:$0x18400] =	vst v63  }
0x93: {  	_ =	swait.ge [sflag:s13], $0x4000  }
0x94: {  	[sflag:s13] =	ssyncset.done $0x0  }
0x95: {  	[sflag:s13] =	ssyncadd.s32 $0xFFFFC000  }
0x96: {  	[spmem:s2] =	stream.indirect.scatter.add.f32 [tilespmem:s12], [sflag:$0x1], $0x80, s14, s14, $0xb8;
	[tilespmem:$0x18400] =	vst v63  }
0x97: {  	_ =	swait.ge [sflag:s13], $0x4000  }
0x98: {  	[sflag:s13] =	ssyncset.done $0x0  }
0x99: {  	[sflag:s13] =	ssyncadd.s32 $0xFFFFC000  }
0x9a: {  	[spmem:s2] =	stream.indirect.scatter.add.f32 [tilespmem:s12], [sflag:$0x1], $0x80, s15, s14, $0xb8;
	[tilespmem:$0x18400] =	vst v63  }
0x9b: {  	_ =	swait.ge [sflag:s13], $0x4000  }
0x9c: {  	[sflag:s13] =	ssyncset.done $0x0  }
0x9d: {  	[sflag:s13] =	ssyncadd.s32 $0xFFFFC000  }
0x9e: {  	[spmem:s2] =	stream.indirect.scatter.add.f32 [tilespmem:s12], [sflag:$0x1], $0x80, s16, s14, $0xb8;
	[tilespmem:$0x18400] =	vst v63  }
0x9f: {  	_ =	swait.ge [sflag:s13], $0x4000  }
0xa0: {  	[sflag:s13] =	ssyncset.done $0x0  }
0xa1: {  	[sflag:s13] =	ssyncadd.s32 $0xFFFFC000  }
0xa2: {  	[spmem:s2] =	stream.indirect.scatter.add.f32 [tilespmem:s12], [sflag:$0x1], $0x80, s17, s14, $0xb8;
	[tilespmem:$0x18400] =	vst v63  }
0xa3: {  	_ =	swait.ge [sflag:s13], $0x4000  }
0xa4: {  	[sflag:s13] =	ssyncset.done $0x0  }
0xa5: {  	[sflag:s13] =	ssyncadd.s32 $0xFFFFC000  }
0xa6: {  	[spmem:s2] =	stream.indirect.scatter.add.f32 [tilespmem:s12], [sflag:$0x1], $0x80, s18, s14, $0xb8;
	[tilespmem:$0x18400] =	vst v63  }
0xa7: {  	_ =	swait.ge [sflag:s13], $0x4000  }
0xa8: {  	[sflag:s13] =	ssyncset.done $0x0  }
0xa9: {  	[sflag:s13] =	ssyncadd.s32 $0xFFFFC000  }
0xaa: {  	[spmem:s2] =	stream.indirect.scatter.add.f32 [tilespmem:s12], [sflag:$0x1], $0x80, s19, s14, $0xb8;
	[tilespmem:$0x18400] =	vst v63  }
0xab: {  	_ =	swait.ge [sflag:s13], $0x4000  }
0xac: {  	[sflag:s13] =	ssyncset.done $0x0  }
0xad: {  	[sflag:s13] =	ssyncadd.s32 $0xFFFFC000  }
0xae: {  	[spmem:s2] =	stream.indirect.scatter.add.f32 [tilespmem:s12], [sflag:$0x1], $0x80, s20, s14, $0xb8;
	[tilespmem:$0x18400] =	vst v63  }
0xaf: {  	_ =	swait.ge [sflag:s13], $0x4000  }
0xb0: {  	[sflag:s13] =	ssyncset.done $0x0  }
0xb1: {  	[sflag:s13] =	ssyncadd.s32 $0xFFFFC000  }
0xb2: {  	[spmem:s2] =	stream.indirect.scatter.add.f32 [tilespmem:s12], [sflag:$0x1], $0x80, s21, s14, $0xb8;
	[tilespmem:$0x18400] =	vst v63  }
0xb3: {  	_ =	swait.ge [sflag:s13], $0x4000  }
0xb4: {  	[sflag:s13] =	ssyncset.done $0x0  }
0xb5: {  	[sflag:s13] =	ssyncadd.s32 $0xFFFFC000  }
0xb6: {  	[spmem:s2] =	stream.indirect.scatter.add.f32 [tilespmem:s12], [sflag:$0x1], $0x80, s22, s14, $0xb8;
	[tilespmem:$0x18400] =	vst v63  }
0xb7: {  	_ =	swait.ge [sflag:s13], $0x4000  }
0xb8: {  	[sflag:s13] =	ssyncset.done $0x0  }
0xb9: {  	[sflag:s13] =	ssyncadd.s32 $0xFFFFC000  }
0xba: {  	[spmem:s2] =	stream.indirect.scatter.add.f32 [tilespmem:s12], [sflag:$0x1], $0x80, s23, s14, $0xb8;
	[tilespmem:$0x18400] =	vst v63  }
0xbb: {  	_ =	swait.ge [sflag:s13], $0x4000  }
0xbc: {  	[sflag:s13] =	ssyncset.done $0x0  }
0xbd: {  	[sflag:s13] =	ssyncadd.s32 $0xFFFFC000  }
0xbe: {  	[spmem:s2] =	stream.indirect.scatter.add.f32 [tilespmem:s12], [sflag:$0x1], $0x80, s24, s14, $0xb8;
	[tilespmem:$0x18400] =	vst v63  }
0xbf: {  	_ =	swait.ge [sflag:s13], $0x4000  }
0xc0: {  	[sflag:s13] =	ssyncset.done $0x0  }
0xc1: {  	[sflag:s13] =	ssyncadd.s32 $0xFFFFC000  }
0xc2: {  	[spmem:s2] =	stream.indirect.scatter.add.f32 [tilespmem:s12], [sflag:$0x1], $0x80, s25, s14, $0xb8;
	[tilespmem:$0x18400] =	vst v63  }
0xc3: {  	_ =	swait.ge [sflag:s13], $0x4000  }
0xc4: {  	[sflag:s13] =	ssyncset.done $0x0  }
0xc5: {  	[sflag:s13] =	ssyncadd.s32 $0xFFFFC000  }
0xc6: {  	[spmem:s2] =	stream.indirect.scatter.add.f32 [tilespmem:s12], [sflag:$0x1], $0x80, s26, s14, $0xb8;
	[tilespmem:$0x18400] =	vst v63  }
0xc7: {  	_ =	swait.ge [sflag:s13], $0x4000  }
0xc8: {  	[sflag:s13] =	ssyncset.done $0x0  }
0xc9: {  	[sflag:s13] =	ssyncadd.s32 $0xFFFFC000  }
0xca: {  	[spmem:s2] =	stream.indirect.scatter.add.f32 [tilespmem:s12], [sflag:$0x1], $0x80, s28, s14, $0xb8;
	[tilespmem:$0x18400] =	vst v63  }
0xcb: {  	_ =	swait.ge [sflag:s13], $0x4000  }
.Ltmp2:
0xcc: {  	[sflag:s13] =	ssyncset.done $0x0;
	(pc) =	sbr.rel @p0 .LBB2_6-.Ltmp2, $4  }
0xcd: {  	[sflag:s13] =	ssyncadd.s32 $0xFFFFC000  }
0xce: {  	[spmem:s2] =	stream.indirect.scatter.add.f32 [tilespmem:s12], [sflag:$0x1], $0x80, s29, s14, $0xb8;
	[tilespmem:$0x18400] =	vst v63  }
0xcf: {  	_ =	swait.ge [sflag:s13], $0x4000  }
0xd0: {  	s0 =	smov.u32 s1;
	[sflag:s13] =	ssyncset.done $0x0  }
0xd1: {  	s0 =	sadd.s32 s31, s11;
	[sflag:s13] =	ssyncadd.s32 $0xFFFFC000  }
0xd2: {  	[tilespmem:s3], [sflag:$0x1] =	stream.linear.gather [hbm4b:s0+s3], $0x800, $0x38;
	[tilespmem:$0x18400] =	vst v63  }
0xd3: {  	_ =	swait.ge [sflag:s13], $0x800  }
0xd4: {  	[sflag:s13] =	ssyncset.done $0x0  }
0xd5: {  	[sflag:s13] =	ssyncadd.s32 $0xFFFFF800  }
0xd6: {  	[spmem:s2] =	stream.indirect.scatter.add.f32 [tilespmem:s12], [sflag:$0x1], $0x80, s3, s14, $0xb8;
	[tilespmem:$0x18400] =	vst v63  }
0xd7: {  	_ =	swait.ge [sflag:s13], $0x4000  }
0xd8: {  	[sflag:s13] =	ssyncset.done $0x0  }
0xd9: {  	[sflag:s13] =	ssyncadd.s32 $0xFFFFC000  }
0xda: {  	[spmem:s2] =	stream.indirect.scatter.add.f32 [tilespmem:s12], [sflag:$0x1], $0x80, s14, s14, $0xb8;
	[tilespmem:$0x18400] =	vst v63  }
0xdb: {  	_ =	swait.ge [sflag:s13], $0x4000  }
0xdc: {  	[sflag:s13] =	ssyncset.done $0x0  }
0xdd: {  	[sflag:s13] =	ssyncadd.s32 $0xFFFFC000  }
0xde: {  	[spmem:s2] =	stream.indirect.scatter.add.f32 [tilespmem:s12], [sflag:$0x1], $0x80, s15, s14, $0xb8;
	[tilespmem:$0x18400] =	vst v63  }
0xdf: {  	_ =	swait.ge [sflag:s13], $0x4000  }
0xe0: {  	[sflag:s13] =	ssyncset.done $0x0  }
0xe1: {  	[sflag:s13] =	ssyncadd.s32 $0xFFFFC000  }
0xe2: {  	[spmem:s2] =	stream.indirect.scatter.add.f32 [tilespmem:s12], [sflag:$0x1], $0x80, s16, s14, $0xb8;
	[tilespmem:$0x18400] =	vst v63  }
0xe3: {  	_ =	swait.ge [sflag:s13], $0x4000  }
0xe4: {  	[sflag:s13] =	ssyncset.done $0x0  }
0xe5: {  	[sflag:s13] =	ssyncadd.s32 $0xFFFFC000  }
0xe6: {  	[spmem:s2] =	stream.indirect.scatter.add.f32 [tilespmem:s12], [sflag:$0x1], $0x80, s17, s14, $0xb8;
	[tilespmem:$0x18400] =	vst v63  }
0xe7: {  	_ =	swait.ge [sflag:s13], $0x4000  }
0xe8: {  	[sflag:s13] =	ssyncset.done $0x0  }
0xe9: {  	[sflag:s13] =	ssyncadd.s32 $0xFFFFC000  }
0xea: {  	[spmem:s2] =	stream.indirect.scatter.add.f32 [tilespmem:s12], [sflag:$0x1], $0x80, s18, s14, $0xb8;
	[tilespmem:$0x18400] =	vst v63  }
0xeb: {  	_ =	swait.ge [sflag:s13], $0x4000  }
0xec: {  	[sflag:s13] =	ssyncset.done $0x0  }
0xed: {  	[sflag:s13] =	ssyncadd.s32 $0xFFFFC000  }
0xee: {  	[spmem:s2] =	stream.indirect.scatter.add.f32 [tilespmem:s12], [sflag:$0x1], $0x80, s19, s14, $0xb8;
	[tilespmem:$0x18400] =	vst v63  }
0xef: {  	_ =	swait.ge [sflag:s13], $0x4000  }
0xf0: {  	[sflag:s13] =	ssyncset.done $0x0  }
0xf1: {  	[sflag:s13] =	ssyncadd.s32 $0xFFFFC000  }
0xf2: {  	[spmem:s2] =	stream.indirect.scatter.add.f32 [tilespmem:s12], [sflag:$0x1], $0x80, s20, s14, $0xb8;
	[tilespmem:$0x18400] =	vst v63  }
0xf3: {  	_ =	swait.ge [sflag:s13], $0x4000  }
0xf4: {  	[sflag:s13] =	ssyncset.done $0x0  }
0xf5: {  	[sflag:s13] =	ssyncadd.s32 $0xFFFFC000  }
0xf6: {  	[spmem:s2] =	stream.indirect.scatter.add.f32 [tilespmem:s12], [sflag:$0x1], $0x80, s21, s14, $0xb8;
	[tilespmem:$0x18400] =	vst v63  }
0xf7: {  	_ =	swait.ge [sflag:s13], $0x4000  }
0xf8: {  	[sflag:s13] =	ssyncset.done $0x0  }
0xf9: {  	[sflag:s13] =	ssyncadd.s32 $0xFFFFC000  }
0xfa: {  	[spmem:s2] =	stream.indirect.scatter.add.f32 [tilespmem:s12], [sflag:$0x1], $0x80, s22, s14, $0xb8;
	[tilespmem:$0x18400] =	vst v63  }
0xfb: {  	_ =	swait.ge [sflag:s13], $0x4000  }
0xfc: {  	[sflag:s13] =	ssyncset.done $0x0  }
0xfd: {  	[sflag:s13] =	ssyncadd.s32 $0xFFFFC000  }
0xfe: {  	[spmem:s2] =	stream.indirect.scatter.add.f32 [tilespmem:s12], [sflag:$0x1], $0x80, s23, s14, $0xb8;
	[tilespmem:$0x18400] =	vst v63  }
0xff: {  	_ =	swait.ge [sflag:s13], $0x4000  }
0x100: {  	[sflag:s13] =	ssyncset.done $0x0  }
0x101: {  	[sflag:s13] =	ssyncadd.s32 $0xFFFFC000  }
0x102: {  	[spmem:s2] =	stream.indirect.scatter.add.f32 [tilespmem:s12], [sflag:$0x1], $0x80, s24, s14, $0xb8;
	[tilespmem:$0x18400] =	vst v63  }
0x103: {  	_ =	swait.ge [sflag:s13], $0x4000  }
0x104: {  	[sflag:s13] =	ssyncset.done $0x0  }
0x105: {  	[sflag:s13] =	ssyncadd.s32 $0xFFFFC000  }
0x106: {  	[spmem:s2] =	stream.indirect.scatter.add.f32 [tilespmem:s12], [sflag:$0x1], $0x80, s25, s14, $0xb8;
	[tilespmem:$0x18400] =	vst v63  }
0x107: {  	_ =	swait.ge [sflag:s13], $0x4000  }
0x108: {  	[sflag:s13] =	ssyncset.done $0x0  }
0x109: {  	[sflag:s13] =	ssyncadd.s32 $0xFFFFC000  }
0x10a: {  	[spmem:s2] =	stream.indirect.scatter.add.f32 [tilespmem:s12], [sflag:$0x1], $0x80, s26, s14, $0xb8;
	[tilespmem:$0x18400] =	vst v63  }
0x10b: {  	_ =	swait.ge [sflag:s13], $0x4000  }
0x10c: {  	[sflag:s13] =	ssyncset.done $0x0  }
0x10d: {  	[sflag:s13] =	ssyncadd.s32 $0xFFFFC000  }
0x10e: {  	[spmem:s2] =	stream.indirect.scatter.add.f32 [tilespmem:s12], [sflag:$0x1], $0x80, s28, s14, $0xb8;
	[tilespmem:$0x18400] =	vst v63  }
0x10f: {  	_ =	swait.ge [sflag:s13], $0x4000  }
0x110: {  	[sflag:s13] =	ssyncset.done $0x0  }
0x111: {  	[sflag:s13] =	ssyncadd.s32 $0xFFFFC000  }
0x112: {  	[spmem:s2] =	stream.indirect.scatter.add.f32 [tilespmem:s12], [sflag:$0x1], $0x80, s29, s14, $0xb8;
	[tilespmem:$0x18400] =	vst v63  }
0x113: {  	s31 =	stileid.u32;
	_ =	swait.ge [sflag:s13], $0x4000  }
0x114: {  	s1 =	sshrl.u32 s4, $0x3;
	s30 =	sadd.s32 $0x1, s30;
	[sflag:s13] =	ssyncset.done $0x0  }
0x115: {  	s0 =	sshll.u32 s31, $0x6;
	p0 =	sne.s32 s30, s7;
	[sflag:s13] =	ssyncadd.s32 $0xFFFFC000  }
.Ltmp3:
0x116: {  	s0 =	sor.u32 $0x1C01, s0;
	[bflag:$0x0] =	sbarrier.arrive $0xFFFF;
	(pc) =	sbr.rel @p0 .LBB2_1-.Ltmp3, $4  }
0x117: {  	[hbm:s6], [sflag:s0] =	dma.local [spmem:s1], $0x2780  }
0x118: {  	_ =	swait.ge [sflag:s13], $0x2780  }
0x119: {  	[sflag:s13] =	ssyncset.done $0x0  }
0x11a: {  	[sflag:s13] =	ssyncadd.s32 $0xFFFFD880  }
0x11b: {  	_ =	sfence.sel $0x180000  }
0x11c: {  	[bflag:$0x0] =	sbarrier.arrive $0xFFFF  }
0x11d: {  	_ =	strace $0x90000047  }
0x11e: {  	s0 =	stileid.u32;
	[bflag:$0x2] =	sbarrier.arrive $0xFFFF  }
0x11f: {  	p0 =	sne.s32 s0, $0x0;
	s0 =	rddreg [dreg:$0x3]  }
0x120: {  	s0 =	sadd.s32 @!p0 $0x100000, s0  }
0x121: {  	[sflag:s0] =	ssyncadd.tile.s32 @!p0 $0x1;
	_ =	shalt  }
.Lfunc_end2:
_tile_overlayer_lowered:
.L_overlay_start_2:
0x122: {  	(tag) =	ssettag $0x2  }
0x123: {  	s0 =	rddreg [dreg:$0x0];
	s2 =	stileid.u32  }
0x124: {  	s1 =	rddreg [dreg:$0x1];
	p0 =	sne.s32 s2, $0x0  }
0x125: {  	s3 =	rddreg [dreg:$0x2];
	[bflag:$0x3] =	sbarrier.arrive $0xFFFF;
	s2 =	simm.s32 @!p0 $0x1C01  }
0x126: {  	[timem:s3], [sflag:s2] =	dma.local @!p0 [hbm:s0], s1  }
0x127: {  	s0 =	simm.s32 @!p0 $0x1  }
0x128: {  	_ =	swait.ge @!p0 [sflag:s0], s1  }
0x129: {  	s1 =	ssub.s32 @!p0 $0x0, s1;
	[sflag:s0] =	ssyncset.done @!p0 $0x0  }
0x12a: {  	[sflag:s0] =	ssyncadd.s32 @!p0 s1  }
0x12b: {  	[bflag:$0x3] =	sbarrier.arrive $0xFFFF  }
0x12c: {  	_ =	shalt  }

</sc_bundles>
